<compile_context>
chip_gen: v7x
topology: tpu7x:2x2x1
jax: 0.10.2.dev20260603
libtpu: 0.0.44.dev20260713+nightly
codegen_flags: <defaults>
</compile_context>

<pallas_src>
import functools

import jax
import jax.numpy as jnp
from jax import lax
from jax.experimental import pallas as pl
from jax.experimental.pallas import tpu as pltpu
from jax.experimental.pallas import tpu_sc as plsc

N1 = 10000
N2 = 10000
NN = 32
NI = 128
ND = 128
N1R = 10240
L = 16

_PREP_BM = 2000


def _prep_g_body(f2_ref, w1a_ref, g_ref):
    g_ref[...] = jnp.dot(f2_ref[...], w1a_ref[...],
                         preferred_element_type=jnp.float32)


def _prep_g(features2, w1a):
    return pl.pallas_call(
        _prep_g_body,
        grid=(N1 // _PREP_BM,),
        in_specs=[
            pl.BlockSpec((_PREP_BM, NI), lambda j: (j, 0)),
            pl.BlockSpec((NI, ND), lambda j: (0, 0)),
        ],
        out_specs=pl.BlockSpec((_PREP_BM, ND), lambda j: (j, 0)),
        out_shape=jax.ShapeDtypeStruct((N1R, ND), jnp.float32),
    )(features2, w1a)


def _prep_s_body(f1_ref, w1b_ref, b1_ref, s_ref):
    s_ref[...] = (
        jnp.dot(f1_ref[...], w1b_ref[...], preferred_element_type=jnp.float32)
        + b1_ref[...]
    )


def _prep_s(features1, w1b, b1r):
    return pl.pallas_call(
        _prep_s_body,
        grid=(N1 // _PREP_BM,),
        in_specs=[
            pl.BlockSpec((_PREP_BM, NI), lambda j: (j, 0)),
            pl.BlockSpec((NI, ND), lambda j: (0, 0)),
            pl.BlockSpec((1, ND), lambda j: (0, 0)),
        ],
        out_specs=pl.BlockSpec((_PREP_BM, ND), lambda j: (j, 0)),
        out_shape=jax.ShapeDtypeStruct((N1R, ND), jnp.float32),
    )(features1, w1b, b1r)


_CH = 128
_NBUF = 2


def _sc_info():
    info = plsc.get_sparse_core_info()
    return info, info.num_cores * info.num_subcores


def _sc_dis(idx_flat, x2cs, x1cs):
    info, nw = _sc_info()
    epw = (N1R * NN) // nw
    ipw = N1R // nw
    mesh = plsc.VectorSubcoreMesh(core_axis_name="c", subcore_axis_name="s")

    @functools.partial(
        pl.kernel,
        mesh=mesh,
        out_type=jax.ShapeDtypeStruct((N1R * NN,), jnp.float32),
        scratch_types=[
            pltpu.VMEM((epw,), jnp.int32),
            pltpu.VMEM((epw,), jnp.float32),
            pltpu.VMEM((N2,), jnp.float32),
            pltpu.VMEM((N2,), jnp.float32),
            pltpu.VMEM((N2,), jnp.float32),
            pltpu.VMEM((ipw,), jnp.float32),
            pltpu.VMEM((ipw,), jnp.float32),
            pltpu.VMEM((ipw,), jnp.float32),
            pltpu.SemaphoreType.DMA,
        ],
        compiler_params=pltpu.CompilerParams(needs_layout_passes=False),
    )
    def k(idx_hbm, x2x_hbm, x2y_hbm, x2z_hbm, x1x_hbm, x1y_hbm, x1z_hbm,
          dis_hbm, idx_v, disb_v, x2x, x2y, x2z, x1x, x1y, x1z, psem):
        wid = lax.axis_index("s") * info.num_cores + lax.axis_index("c")
        base = wid * epw
        pltpu.async_copy(idx_hbm.at[pl.ds(base, epw)], idx_v, psem)
        pltpu.async_copy(x2x_hbm, x2x, psem)
        pltpu.async_copy(x2y_hbm, x2y, psem)
        pltpu.async_copy(x2z_hbm, x2z, psem)
        pltpu.async_copy(x1x_hbm.at[pl.ds(wid * ipw, ipw)], x1x, psem)
        pltpu.async_copy(x1y_hbm.at[pl.ds(wid * ipw, ipw)], x1y, psem)
        pltpu.async_copy(x1z_hbm.at[pl.ds(wid * ipw, ipw)], x1z, psem)
        pltpu.make_async_copy(idx_hbm.at[pl.ds(base, epw)], idx_v, psem).wait()
        pltpu.make_async_copy(x2x_hbm, x2x, psem).wait()
        pltpu.make_async_copy(x2y_hbm, x2y, psem).wait()
        pltpu.make_async_copy(x2z_hbm, x2z, psem).wait()
        pltpu.make_async_copy(x1x_hbm.at[pl.ds(0, ipw)], x1x, psem).wait()
        pltpu.make_async_copy(x1y_hbm.at[pl.ds(0, ipw)], x1y, psem).wait()
        pltpu.make_async_copy(x1z_hbm.at[pl.ds(0, ipw)], x1z, psem).wait()

        def body(g, carry):
            off = g * L
            iv = idx_v[pl.ds(off, L)]
            gx = plsc.load_gather(x2x, [iv])
            gy = plsc.load_gather(x2y, [iv])
            gz = plsc.load_gather(x2z, [iv])
            ivec = lax.shift_right_logical(
                off + lax.iota(jnp.int32, L), 5)
            sx = plsc.load_gather(x1x, [ivec])
            sy = plsc.load_gather(x1y, [ivec])
            sz = plsc.load_gather(x1z, [ivec])
            dx = gx - sx
            dy = gy - sy
            dz = gz - sz
            d2 = dx * dx + dy * dy + dz * dz
            w = jnp.exp(-0.5 * d2)
            disb_v[pl.ds(off, L)] = jnp.where(iv == 0, 0.0, w)
            return carry

        lax.fori_loop(0, epw // L, body, 0)
        pltpu.sync_copy(disb_v, dis_hbm.at[pl.ds(base, epw)])

    return k(idx_flat, *x2cs, *x1cs)


def _sc_gather(table, idxT_flat, r0, rows_n):
    info, nw = _sc_info()
    nch = rows_n // _CH
    ngrp = nch // _NBUF
    mesh = plsc.VectorSubcoreMesh(core_axis_name="c", subcore_axis_name="s")

    @functools.partial(
        pl.kernel,
        mesh=mesh,
        out_type=jax.ShapeDtypeStruct((NN, rows_n, ND), jnp.float32),
        scratch_types=[
            pltpu.VMEM_SHARED((N1R, ND), jnp.float32),
            pltpu.VMEM((rows_n,), jnp.int32),
            [pltpu.VMEM((_CH, ND), jnp.float32)] * _NBUF,
            [pltpu.SemaphoreType.DMA] * _NBUF,
            [pltpu.SemaphoreType.DMA] * _NBUF,
            pltpu.SemaphoreType.DMA,
        ],
        compiler_params=pltpu.CompilerParams(needs_layout_passes=False),
    )
    def k(t_hbm, idx_hbm, r_hbm, t_sp, idx_v, rows, gsem, wsem, psem):
        wid = lax.axis_index("s") * info.num_cores + lax.axis_index("c")
        base = wid * N1R + r0
        sid = lax.axis_index("s")
        rps = N1R // info.num_subcores
        pltpu.async_copy(idx_hbm.at[pl.ds(base, rows_n)], idx_v, psem)
        pltpu.sync_copy(t_hbm.at[pl.ds(sid * rps, rps)],
                        t_sp.at[pl.ds(sid * rps, rps)])
        pltpu.make_async_copy(idx_hbm.at[pl.ds(base, rows_n)], idx_v,
                              psem).wait()
        plsc.subcore_barrier()

        def _fire_gather(c, b):
            pltpu.async_copy(
                t_sp.at[idx_v.at[pl.ds(c * _CH, _CH)]], rows[b], gsem[b])

        def _wait_gather(b):
            pltpu.make_async_copy(
                t_sp.at[idx_v.at[pl.ds(0, _CH)]], rows[b], gsem[b]).wait()

        def _fire_write(c, b):
            pltpu.async_copy(
                rows[b], r_hbm.at[wid, pl.ds(c * _CH, _CH)], wsem[b])

        def _wait_write(b):
            pltpu.make_async_copy(
                rows[b], r_hbm.at[wid, pl.ds(0, _CH)], wsem[b]).wait()

        for b in range(_NBUF):
            _fire_gather(b, b)

        def body(g, carry):
            for b in range(_NBUF):
                c = g * _NBUF + b
                _wait_gather(b)
                _fire_write(c, b)
                _wait_write(b)
                @pl.when(g < ngrp - 1)
                def _():
                    _fire_gather(c + _NBUF, b)
            return carry

        lax.fori_loop(0, ngrp, body, 0)

    return k(table, idxT_flat)


def _elu(x):
    return jnp.maximum(x, jnp.exp(jnp.minimum(x, 0.0)) - 1.0)


def _main_call(bm, out_rows):
    def body(r_ref, dis_ref, s_ref, w2_ref, b2_ref, o_ref):
        s = s_ref[...]
        w2 = w2_ref[...]
        b2 = b2_ref[...]
        acc = jnp.zeros((bm, ND), jnp.float32)
        for n in range(NN):
            h1 = _elu(r_ref[n] + s)
            h2 = _elu(
                jnp.dot(h1, w2, preferred_element_type=jnp.float32) + b2)
            acc = acc + dis_ref[:, n:n + 1] * h2
        o_ref[...] = acc

    def call(r3, dis2, s, w2, b2r):
        return pl.pallas_call(
            body,
            grid=(out_rows // bm,),
            in_specs=[
                pl.BlockSpec((NN, bm, ND), lambda j: (0, j, 0)),
                pl.BlockSpec((bm, NN), lambda j: (j, 0)),
                pl.BlockSpec((bm, ND), lambda j: (j, 0)),
                pl.BlockSpec((ND, ND), lambda j: (0, 0)),
                pl.BlockSpec((1, ND), lambda j: (0, 0)),
            ],
            out_specs=pl.BlockSpec((bm, ND), lambda j: (j, 0)),
            out_shape=jax.ShapeDtypeStruct((out_rows, ND), jnp.float32),
        )(r3, dis2, s, w2, b2r)

    return call


def kernel(features1, features2, x1, x2, nuv1, nuv2, topk, W1, b1, W2, b2):
    w1a = W1[:NI]
    w1b = W1[NI:]
    b1r = b1.reshape(1, ND)
    b2r = b2.reshape(1, ND)

    topk_p = jnp.pad(topk, ((0, N1R - N1), (0, 0)))
    idx_flat = topk_p.reshape(N1R * NN)
    idxT_flat = topk_p.T.reshape(NN * N1R)
    x2cs = [x2[:, c] for c in range(3)]
    x1p = jnp.pad(x1, ((0, N1R - N1), (0, 0)))
    x1cs = [x1p[:, c] for c in range(3)]

    g_table = _prep_g(features2, w1a)

    parts = [(0, 4096, 4096, 512), (4096, 6144, 5904, 328)]
    r3s = [_sc_gather(g_table, idxT_flat, p[0], p[1]) for p in parts[:1]]
    dis = _sc_dis(idx_flat, x2cs, x1cs)
    dis2 = dis.reshape(N1R, NN)
    s = _prep_s(features1, w1b, b1r)
    r3s += [_sc_gather(g_table, idxT_flat, p[0], p[1]) for p in parts[1:]]

    outs = []
    for (r0, g_rows, m_rows, bm), r3 in zip(parts, r3s):
        o = _main_call(bm, m_rows)(
            r3,
            lax.slice(dis2, (r0, 0), (r0 + m_rows, NN)),
            lax.slice(s, (r0, 0), (r0 + m_rows, ND)),
            W2, b2r)
        outs.append(o)
    return jnp.concatenate(outs, axis=0)

# --- scband reference (transcript-rebuilt; emitter-appended) ---
"""Pipeline reference for scband-interface-47072841564867 (READ-ONLY COPY).

The authoritative reference and input builder live on the scoring server;
editing this copy changes nothing except your own understanding.
"""

import jax, jax.numpy as jnp
import numpy as np

N1 = 10000
N2 = 10000
NN = 32
NI = 128
ND = 128
RADIUS = 1.0


def setup_inputs(seed: int = 0) -> dict:
    key = jax.random.key(seed)
    ks = jax.random.split(key, 11)
    features1 = jax.random.normal(ks[0], (N1, NI), dtype=jnp.float32)
    features2 = jax.random.normal(ks[1], (N2, NI), dtype=jnp.float32)
    x1 = jax.random.normal(ks[2], (N1, 3), dtype=jnp.float32)
    x2 = jax.random.normal(ks[3], (N2, 3), dtype=jnp.float32)
    nuv1 = jax.random.normal(ks[4], (N1, 3, 3), dtype=jnp.float32)
    nuv2 = jax.random.normal(ks[5], (N2, 3, 3), dtype=jnp.float32)
    topk = jax.random.randint(ks[6], (N1, NN), 0, N2, dtype=jnp.int32)
    # query_f params: Linear(2*Ni -> Nd), ELU, Linear(Nd -> Nd), ELU
    W1 = jax.random.normal(ks[7], (2 * NI, ND), dtype=jnp.float32) * 0.05
    b1 = jnp.zeros((ND,), dtype=jnp.float32)
    W2 = jax.random.normal(ks[8], (ND, ND), dtype=jnp.float32) * 0.05
    b2 = jnp.zeros((ND,), dtype=jnp.float32)
    return {
        "features1": features1,
        "features2": features2,
        "x1": x1,
        "x2": x2,
        "nuv1": nuv1,
        "nuv2": nuv2,
        "topk": topk,
        "W1": W1,
        "b1": b1,
        "W2": W2,
        "b2": b2,
    }


def reference(features1, features2, x1, x2, nuv1, nuv2, topk, W1, b1, W2, b2):
    # nuv1, nuv2 are accepted but unused, matching the torch forward.
    nn_ = topk.shape[1]
    mask = topk[..., None] == 0  # [N1, nn, 1]
    # gather neighbor features: [N1, nn, Ni]
    features_nn = jnp.take(features2, topk, axis=0)
    feature_self = jnp.broadcast_to(features1[:, None, :], (features1.shape[0], nn_, features1.shape[1]))
    features_nn = jnp.concatenate([features_nn, feature_self], axis=-1)  # [N1, nn, 2*Ni]
    h = jax.nn.elu(features_nn @ W1 + b1)
    h = jax.nn.elu(h @ W2 + b2)  # [N1, nn, Nd]
    # gather neighbor coords: [N1, nn, 3]
    x_nn = jnp.take(x2, topk, axis=0)
    orient_x = x_nn - x1[:, None, :]
    dis = jnp.linalg.norm(orient_x, axis=2, keepdims=True)  # [N1, nn, 1]
    dis = jnp.exp(-jnp.square(dis) / (2.0 * (RADIUS ** 2)))
    dis = jnp.where(mask, 0.0, dis)
    dis = jnp.swapaxes(dis, 1, 2)  # [N1, 1, nn]
    features = jnp.matmul(dis, h).squeeze(1)  # [N1, Nd]
    return features

if __name__ == "__main__":
    import jax
    _d = setup_inputs()
    print(jax.jit(kernel)(*tuple(_d.values())))

</pallas_src>

<mosaic_0001>
#map = affine_map<(d0, d1) -> (0)>
module attributes {stable_mosaic.version = 14 : i64} {
  func.func @k(%arg0: i32, %arg1: i32, %arg2: memref<327680xi32, #tpu.memory_space<hbm>>, %arg3: memref<10000xf32, #tpu.memory_space<hbm>>, %arg4: memref<10000xf32, #tpu.memory_space<hbm>>, %arg5: memref<10000xf32, #tpu.memory_space<hbm>>, %arg6: memref<10240xf32, #tpu.memory_space<hbm>>, %arg7: memref<10240xf32, #tpu.memory_space<hbm>>, %arg8: memref<10240xf32, #tpu.memory_space<hbm>>, %arg9: memref<327680xf32, #tpu.memory_space<hbm>>, %arg10: memref<10240xi32, #tpu.memory_space<vmem>>, %arg11: memref<10240xf32, #tpu.memory_space<vmem>>, %arg12: memref<10000xf32, #tpu.memory_space<vmem>>, %arg13: memref<10000xf32, #tpu.memory_space<vmem>>, %arg14: memref<10000xf32, #tpu.memory_space<vmem>>, %arg15: memref<320xf32, #tpu.memory_space<vmem>>, %arg16: memref<320xf32, #tpu.memory_space<vmem>>, %arg17: memref<320xf32, #tpu.memory_space<vmem>>, %arg18: memref<!tpu.dma_semaphore, #tpu.memory_space<semaphore_mem>>) attributes {dimension_semantics = [#tpu.dimension_semantics<core_parallel>, #tpu.dimension_semantics<subcore_parallel>], iteration_bounds = array<i64: 2, 16>, scalar_prefetch = 0 : i64, scratch_operands = 9 : i64, tpu.core_type = #tpu.core_type<sc_vector_subcore>, window_params = [{transform_indices = #map}, {transform_indices = #map}, {transform_indices = #map}, {transform_indices = #map}, {transform_indices = #map}, {transform_indices = #map}, {transform_indices = #map}, {transform_indices = #map}]} {
    %mul3A = arith.constant 2 : i32
    %mul3A_0 = arith.muli %arg1, %mul3A : i32
    %add3A = arith.addi %mul3A_0, %arg0 : i32
    %mul3A_1 = arith.constant 10240 : i32
    %mul3A_2 = arith.muli %add3A, %mul3A_1 : i32
    %dma_start3A = tpu.memref_slice %arg2[%mul3A_2] : memref<327680xi32, #tpu.memory_space<hbm>> -> memref<10240xi32, #tpu.memory_space<hbm>>
    %dma_start3A_3 = tpu.memref_slice %arg2[%mul3A_2] : memref<327680xi32, #tpu.memory_space<hbm>> -> memref<10240xi32, #tpu.memory_space<hbm>>
    tpu.enqueue_dma source(%dma_start3A_3 : memref<10240xi32, #tpu.memory_space<hbm>>) target(%arg10 : memref<10240xi32, #tpu.memory_space<vmem>>) target_semaphore(%arg18 : memref<!tpu.dma_semaphore, #tpu.memory_space<semaphore_mem>>)
    tpu.enqueue_dma source(%arg3 : memref<10000xf32, #tpu.memory_space<hbm>>) target(%arg12 : memref<10000xf32, #tpu.memory_space<vmem>>) target_semaphore(%arg18 : memref<!tpu.dma_semaphore, #tpu.memory_space<semaphore_mem>>)
    tpu.enqueue_dma source(%arg4 : memref<10000xf32, #tpu.memory_space<hbm>>) target(%arg13 : memref<10000xf32, #tpu.memory_space<vmem>>) target_semaphore(%arg18 : memref<!tpu.dma_semaphore, #tpu.memory_space<semaphore_mem>>)
    tpu.enqueue_dma source(%arg5 : memref<10000xf32, #tpu.memory_space<hbm>>) target(%arg14 : memref<10000xf32, #tpu.memory_space<vmem>>) target_semaphore(%arg18 : memref<!tpu.dma_semaphore, #tpu.memory_space<semaphore_mem>>)
    %mul3A_4 = arith.constant 320 : i32
    %mul3A_5 = arith.muli %add3A, %mul3A_4 : i32
    %dma_start3A_6 = tpu.memref_slice %arg6[%mul3A_5] : memref<10240xf32, #tpu.memory_space<hbm>> -> memref<320xf32, #tpu.memory_space<hbm>>
    %dma_start3A_7 = tpu.memref_slice %arg6[%mul3A_5] : memref<10240xf32, #tpu.memory_space<hbm>> -> memref<320xf32, #tpu.memory_space<hbm>>
    tpu.enqueue_dma source(%dma_start3A_7 : memref<320xf32, #tpu.memory_space<hbm>>) target(%arg15 : memref<320xf32, #tpu.memory_space<vmem>>) target_semaphore(%arg18 : memref<!tpu.dma_semaphore, #tpu.memory_space<semaphore_mem>>)
    %mul3A_8 = arith.constant 320 : i32
    %mul3A_9 = arith.muli %add3A, %mul3A_8 : i32
    %dma_start3A_10 = tpu.memref_slice %arg7[%mul3A_9] : memref<10240xf32, #tpu.memory_space<hbm>> -> memref<320xf32, #tpu.memory_space<hbm>>
    %dma_start3A_11 = tpu.memref_slice %arg7[%mul3A_9] : memref<10240xf32, #tpu.memory_space<hbm>> -> memref<320xf32, #tpu.memory_space<hbm>>
    tpu.enqueue_dma source(%dma_start3A_11 : memref<320xf32, #tpu.memory_space<hbm>>) target(%arg16 : memref<320xf32, #tpu.memory_space<vmem>>) target_semaphore(%arg18 : memref<!tpu.dma_semaphore, #tpu.memory_space<semaphore_mem>>)
    %mul3A_12 = arith.constant 320 : i32
    %mul3A_13 = arith.muli %add3A, %mul3A_12 : i32
    %dma_start3A_14 = tpu.memref_slice %arg8[%mul3A_13] : memref<10240xf32, #tpu.memory_space<hbm>> -> memref<320xf32, #tpu.memory_space<hbm>>
    %dma_start3A_15 = tpu.memref_slice %arg8[%mul3A_13] : memref<10240xf32, #tpu.memory_space<hbm>> -> memref<320xf32, #tpu.memory_space<hbm>>
    tpu.enqueue_dma source(%dma_start3A_15 : memref<320xf32, #tpu.memory_space<hbm>>) target(%arg17 : memref<320xf32, #tpu.memory_space<vmem>>) target_semaphore(%arg18 : memref<!tpu.dma_semaphore, #tpu.memory_space<semaphore_mem>>)
    %dma_wait3A = tpu.memref_slice %arg2[%mul3A_2] : memref<327680xi32, #tpu.memory_space<hbm>> -> memref<10240xi32, #tpu.memory_space<hbm>>
    %dma_wait3A_16 = tpu.memref_slice %arg2[%mul3A_2] : memref<327680xi32, #tpu.memory_space<hbm>> -> memref<10240xi32, #tpu.memory_space<hbm>>
    tpu.wait_dma2 semaphore(%arg18 : memref<!tpu.dma_semaphore, #tpu.memory_space<semaphore_mem>>) src(%dma_wait3A_16 : memref<10240xi32, #tpu.memory_space<hbm>>) dst(%arg10 : memref<10240xi32, #tpu.memory_space<vmem>>)
    tpu.wait_dma2 semaphore(%arg18 : memref<!tpu.dma_semaphore, #tpu.memory_space<semaphore_mem>>) src(%arg3 : memref<10000xf32, #tpu.memory_space<hbm>>) dst(%arg12 : memref<10000xf32, #tpu.memory_space<vmem>>)
    tpu.wait_dma2 semaphore(%arg18 : memref<!tpu.dma_semaphore, #tpu.memory_space<semaphore_mem>>) src(%arg4 : memref<10000xf32, #tpu.memory_space<hbm>>) dst(%arg13 : memref<10000xf32, #tpu.memory_space<vmem>>)
    tpu.wait_dma2 semaphore(%arg18 : memref<!tpu.dma_semaphore, #tpu.memory_space<semaphore_mem>>) src(%arg5 : memref<10000xf32, #tpu.memory_space<hbm>>) dst(%arg14 : memref<10000xf32, #tpu.memory_space<vmem>>)
    %dma_wait3A_17 = arith.constant 0 : i32
    %dma_wait3A_18 = tpu.memref_slice %arg6[%dma_wait3A_17] : memref<10240xf32, #tpu.memory_space<hbm>> -> memref<320xf32, #tpu.memory_space<hbm>>
    %dma_wait3A_19 = arith.constant 0 : i32
    %dma_wait3A_20 = tpu.memref_slice %arg6[%dma_wait3A_19] : memref<10240xf32, #tpu.memory_space<hbm>> -> memref<320xf32, #tpu.memory_space<hbm>>
    tpu.wait_dma2 semaphore(%arg18 : memref<!tpu.dma_semaphore, #tpu.memory_space<semaphore_mem>>) src(%dma_wait3A_20 : memref<320xf32, #tpu.memory_space<hbm>>) dst(%arg15 : memref<320xf32, #tpu.memory_space<vmem>>)
    %dma_wait3A_21 = arith.constant 0 : i32
    %dma_wait3A_22 = tpu.memref_slice %arg7[%dma_wait3A_21] : memref<10240xf32, #tpu.memory_space<hbm>> -> memref<320xf32, #tpu.memory_space<hbm>>
    %dma_wait3A_23 = arith.constant 0 : i32
    %dma_wait3A_24 = tpu.memref_slice %arg7[%dma_wait3A_23] : memref<10240xf32, #tpu.memory_space<hbm>> -> memref<320xf32, #tpu.memory_space<hbm>>
    tpu.wait_dma2 semaphore(%arg18 : memref<!tpu.dma_semaphore, #tpu.memory_space<semaphore_mem>>) src(%dma_wait3A_24 : memref<320xf32, #tpu.memory_space<hbm>>) dst(%arg16 : memref<320xf32, #tpu.memory_space<vmem>>)
    %dma_wait3A_25 = arith.constant 0 : i32
    %dma_wait3A_26 = tpu.memref_slice %arg8[%dma_wait3A_25] : memref<10240xf32, #tpu.memory_space<hbm>> -> memref<320xf32, #tpu.memory_space<hbm>>
    %dma_wait3A_27 = arith.constant 0 : i32
    %dma_wait3A_28 = tpu.memref_slice %arg8[%dma_wait3A_27] : memref<10240xf32, #tpu.memory_space<hbm>> -> memref<320xf32, #tpu.memory_space<hbm>>
    tpu.wait_dma2 semaphore(%arg18 : memref<!tpu.dma_semaphore, #tpu.memory_space<semaphore_mem>>) src(%dma_wait3A_28 : memref<320xf32, #tpu.memory_space<hbm>>) dst(%arg17 : memref<320xf32, #tpu.memory_space<vmem>>)
    %scan3A = arith.constant 0 : i32
    %scan3A_29 = arith.constant 0 : i32
    %scan3A_30 = arith.constant 640 : i32
    %scan3A_31 = arith.addi %scan3A_29, %scan3A_30 : i32
    %scan3A_32 = arith.constant 1 : i32
    scf.for %scan3A_34 = %scan3A_29 to %scan3A_31 step %scan3A_32  : i32 {
      %mul3A_35 = arith.constant 16 : i32
      %mul3A_36 = arith.muli %scan3A_34, %mul3A_35 : i32
      %get3A = arith.index_cast %mul3A_36 : i32 to index
      %get3A_37 = tpu.vector_load %arg10[%get3A] {strides = array<i32>} : memref<10240xi32, #tpu.memory_space<vmem>>, vector<16xi32>,
      %gather3A = tpu.vector_load_idx %arg12[%get3A_37] : memref<10000xf32, #tpu.memory_space<vmem>>[vector<16xi32>], vector<16xf32>,
      %gather3A_38 = tpu.vector_load_idx %arg13[%get3A_37] : memref<10000xf32, #tpu.memory_space<vmem>>[vector<16xi32>], vector<16xf32>,
      %gather3A_39 = tpu.vector_load_idx %arg14[%get3A_37] : memref<10000xf32, #tpu.memory_space<vmem>>[vector<16xi32>], vector<16xf32>,
      %iota3A = tpu.iota {dimensions = array<i32: 0>} : vector<16xi32>
      %add3A_40 = vector.broadcast %mul3A_36 : i32 to vector<16xi32>
      %add3A_41 = arith.addi %add3A_40, %iota3A : vector<16xi32>
      %shift_right_logical3A = arith.constant 5 : i32
      %shift_right_logical3A_42 = vector.broadcast %shift_right_logical3A : i32 to vector<16xi32>
      %shift_right_logical3A_43 = arith.shrui %add3A_41, %shift_right_logical3A_42 : vector<16xi32>
      %gather3A_44 = tpu.vector_load_idx %arg15[%shift_right_logical3A_43] : memref<320xf32, #tpu.memory_space<vmem>>[vector<16xi32>], vector<16xf32>,
      %gather3A_45 = tpu.vector_load_idx %arg16[%shift_right_logical3A_43] : memref<320xf32, #tpu.memory_space<vmem>>[vector<16xi32>], vector<16xf32>,
      %gather3A_46 = tpu.vector_load_idx %arg17[%shift_right_logical3A_43] : memref<320xf32, #tpu.memory_space<vmem>>[vector<16xi32>], vector<16xf32>,
      %sub3A = arith.subf %gather3A, %gather3A_44 : vector<16xf32>
      %sub3A_47 = arith.subf %gather3A_38, %gather3A_45 : vector<16xf32>
      %sub3A_48 = arith.subf %gather3A_39, %gather3A_46 : vector<16xf32>
      %mul3A_49 = arith.mulf %sub3A, %sub3A : vector<16xf32>
      %mul3A_50 = arith.mulf %sub3A_47, %sub3A_47 : vector<16xf32>
      %add3A_51 = arith.addf %mul3A_49, %mul3A_50 : vector<16xf32>
      %mul3A_52 = arith.mulf %sub3A_48, %sub3A_48 : vector<16xf32>
      %add3A_53 = arith.addf %add3A_51, %mul3A_52 : vector<16xf32>
      %mul3A_54 = arith.constant -5.000000e-01 : f32
      %mul3A_55 = vector.broadcast %mul3A_54 : f32 to vector<16xf32>
      %mul3A_56 = arith.mulf %mul3A_55, %add3A_53 : vector<16xf32>
      %exp3A = math.exp %mul3A_56 : vector<16xf32>
      %eq3A = arith.constant 0 : i32
      %eq3A_57 = vector.broadcast %eq3A : i32 to vector<16xi32>
      %eq3A_58 = arith.cmpi eq, %get3A_37, %eq3A_57 : vector<16xi32>
      %jit3A = arith.constant 0.000000e+00 : f32
      %broadcast_in_dim3A = vector.broadcast %jit3A : f32 to vector<16xf32>
      %select_n3A = arith.select %eq3A_58, %broadcast_in_dim3A, %exp3A : vector<16xi1>, vector<16xf32>
      %swap3A = arith.index_cast %mul3A_36 : i32 to index
      %swap3A_59 = tpu.vector_load %arg11[%swap3A] {strides = array<i32>} : memref<10240xf32, #tpu.memory_space<vmem>>, vector<16xf32>,
      tpu.vector_store %arg11[%swap3A], %select_n3A {strides = array<i32>} : memref<10240xf32, #tpu.memory_space<vmem>>, vector<16xf32>,
    }
    %scan3A_33 = arith.constant 640 : i32
    "tpu.region"() ({
      %run_scoped3A = tpu.sem_alloc : memref<!tpu.dma_semaphore, #tpu.memory_space<semaphore_mem>>
      %dma_start3A_34 = tpu.memref_slice %arg9[%mul3A_2] : memref<327680xf32, #tpu.memory_space<hbm>> -> memref<10240xf32, #tpu.memory_space<hbm>>
      %dma_start3A_35 = tpu.memref_slice %arg9[%mul3A_2] : memref<327680xf32, #tpu.memory_space<hbm>> -> memref<10240xf32, #tpu.memory_space<hbm>>
      tpu.enqueue_dma source(%arg11 : memref<10240xf32, #tpu.memory_space<vmem>>) target(%dma_start3A_35 : memref<10240xf32, #tpu.memory_space<hbm>>) target_semaphore(%run_scoped3A : memref<!tpu.dma_semaphore, #tpu.memory_space<semaphore_mem>>)
      %dma_wait3A_36 = tpu.memref_slice %arg9[%mul3A_2] : memref<327680xf32, #tpu.memory_space<hbm>> -> memref<10240xf32, #tpu.memory_space<hbm>>
      %dma_wait3A_37 = tpu.memref_slice %arg9[%mul3A_2] : memref<327680xf32, #tpu.memory_space<hbm>> -> memref<10240xf32, #tpu.memory_space<hbm>>
      tpu.wait_dma2 semaphore(%run_scoped3A : memref<!tpu.dma_semaphore, #tpu.memory_space<semaphore_mem>>) src(%arg11 : memref<10240xf32, #tpu.memory_space<vmem>>) dst(%dma_wait3A_37 : memref<10240xf32, #tpu.memory_space<hbm>>)
      tpu.yield
    }) : () -> ()
    return
  }
}

#map = affine_map<(d0, d1) -> (0, 0)>
#map1 = affine_map<(d0, d1) -> (0)>
#map2 = affine_map<(d0, d1) -> (0, 0, 0)>
module attributes {stable_mosaic.version = 14 : i64} {
  func.func @k(%arg0: i32, %arg1: i32, %arg2: memref<10240x128xf32, #tpu.memory_space<hbm>>, %arg3: memref<327680xi32, #tpu.memory_space<hbm>>, %arg4: memref<32x4096x128xf32, #tpu.memory_space<hbm>>, %arg5: memref<10240x128xf32, #tpu.memory_space<vmem_shared>>, %arg6: memref<4096xi32, #tpu.memory_space<vmem>>, %arg7: memref<128x128xf32, #tpu.memory_space<vmem>>, %arg8: memref<128x128xf32, #tpu.memory_space<vmem>>, %arg9: memref<!tpu.dma_semaphore, #tpu.memory_space<semaphore_mem>>, %arg10: memref<!tpu.dma_semaphore, #tpu.memory_space<semaphore_mem>>, %arg11: memref<!tpu.dma_semaphore, #tpu.memory_space<semaphore_mem>>, %arg12: memref<!tpu.dma_semaphore, #tpu.memory_space<semaphore_mem>>, %arg13: memref<!tpu.dma_semaphore, #tpu.memory_space<semaphore_mem>>) attributes {dimension_semantics = [#tpu.dimension_semantics<core_parallel>, #tpu.dimension_semantics<subcore_parallel>], iteration_bounds = array<i64: 2, 16>, scalar_prefetch = 0 : i64, scratch_operands = 9 : i64, tpu.core_type = #tpu.core_type<sc_vector_subcore>, window_params = [{transform_indices = #map}, {transform_indices = #map1}, {transform_indices = #map2}]} {
    %mul3A = arith.constant 2 : i32
    %mul3A_0 = arith.muli %arg1, %mul3A : i32
    %add3A = arith.addi %mul3A_0, %arg0 : i32
    %mul3A_1 = arith.constant 10240 : i32
    %mul3A_2 = arith.muli %add3A, %mul3A_1 : i32
    %add3A_3 = arith.constant 0 : i32
    %add3A_4 = arith.addi %mul3A_2, %add3A_3 : i32
    %dma_start3A = tpu.memref_slice %arg3[%add3A_4] : memref<327680xi32, #tpu.memory_space<hbm>> -> memref<4096xi32, #tpu.memory_space<hbm>>
    %dma_start3A_5 = tpu.memref_slice %arg3[%add3A_4] : memref<327680xi32, #tpu.memory_space<hbm>> -> memref<4096xi32, #tpu.memory_space<hbm>>
    tpu.enqueue_dma source(%dma_start3A_5 : memref<4096xi32, #tpu.memory_space<hbm>>) target(%arg6 : memref<4096xi32, #tpu.memory_space<vmem>>) target_semaphore(%arg13 : memref<!tpu.dma_semaphore, #tpu.memory_space<semaphore_mem>>)
    %mul3A_6 = arith.constant 640 : i32
    %mul3A_7 = arith.muli %arg1, %mul3A_6 : i32
    %mul3A_8 = arith.constant 640 : i32
    %mul3A_9 = arith.muli %arg1, %mul3A_8 : i32
    "tpu.region"() ({
      %run_scoped3A = tpu.sem_alloc : memref<!tpu.dma_semaphore, #tpu.memory_space<semaphore_mem>>
      %dma_start3A_26 = arith.constant 0 : i32
      %dma_start3A_27 = tpu.memref_slice %arg5[%mul3A_9, %dma_start3A_26] : memref<10240x128xf32, #tpu.memory_space<vmem_shared>> -> memref<640x128xf32, #tpu.memory_space<vmem_shared>>
      %dma_start3A_28 = arith.constant 0 : i32
      %dma_start3A_29 = tpu.memref_slice %arg2[%mul3A_7, %dma_start3A_28] : memref<10240x128xf32, #tpu.memory_space<hbm>> -> memref<640x128xf32, #tpu.memory_space<hbm>>
      tpu.enqueue_dma source(%dma_start3A_29 : memref<640x128xf32, #tpu.memory_space<hbm>>) target(%dma_start3A_27 : memref<640x128xf32, #tpu.memory_space<vmem_shared>>) target_semaphore(%run_scoped3A : memref<!tpu.dma_semaphore, #tpu.memory_space<semaphore_mem>>)
      %dma_wait3A_30 = arith.constant 0 : i32
      %dma_wait3A_31 = tpu.memref_slice %arg5[%mul3A_9, %dma_wait3A_30] : memref<10240x128xf32, #tpu.memory_space<vmem_shared>> -> memref<640x128xf32, #tpu.memory_space<vmem_shared>>
      %dma_wait3A_32 = arith.constant 0 : i32
      %dma_wait3A_33 = tpu.memref_slice %arg2[%mul3A_7, %dma_wait3A_32] : memref<10240x128xf32, #tpu.memory_space<hbm>> -> memref<640x128xf32, #tpu.memory_space<hbm>>
      tpu.wait_dma2 semaphore(%run_scoped3A : memref<!tpu.dma_semaphore, #tpu.memory_space<semaphore_mem>>) src(%dma_wait3A_33 : memref<640x128xf32, #tpu.memory_space<hbm>>) dst(%dma_wait3A_31 : memref<640x128xf32, #tpu.memory_space<vmem_shared>>)
      tpu.yield
    }) : () -> ()
    %dma_wait3A = tpu.memref_slice %arg3[%add3A_4] : memref<327680xi32, #tpu.memory_space<hbm>> -> memref<4096xi32, #tpu.memory_space<hbm>>
    %dma_wait3A_10 = tpu.memref_slice %arg3[%add3A_4] : memref<327680xi32, #tpu.memory_space<hbm>> -> memref<4096xi32, #tpu.memory_space<hbm>>
    tpu.wait_dma2 semaphore(%arg13 : memref<!tpu.dma_semaphore, #tpu.memory_space<semaphore_mem>>) src(%dma_wait3A_10 : memref<4096xi32, #tpu.memory_space<hbm>>) dst(%arg6 : memref<4096xi32, #tpu.memory_space<vmem>>)
    %barrier3A = arith.constant 0 : index
    tpu.barrier barrier_id(%barrier3A)
    %dma_start3A_11 = arith.constant 0 : i32
    %dma_start3A_12 = tpu.memref_slice %arg6[%dma_start3A_11] : memref<4096xi32, #tpu.memory_space<vmem>> -> memref<128xi32, #tpu.memory_space<vmem>>
    %dma_start3A_13 = arith.constant 0 : i32
    %dma_start3A_14 = arith.constant 0 : i32
    %dma_start3A_15 = tpu.memref_slice %arg5[%dma_start3A_13, %dma_start3A_14] : memref<10240x128xf32, #tpu.memory_space<vmem_shared>> -> memref<10240x128xf32, #tpu.memory_space<vmem_shared>>
    tpu.enqueue_indirect_dma source(%dma_start3A_15 : memref<10240x128xf32, #tpu.memory_space<vmem_shared>>) target(%arg7 : memref<128x128xf32, #tpu.memory_space<vmem>>) offsets(%dma_start3A_12 : memref<128xi32, #tpu.memory_space<vmem>>) semaphore(%arg9 : memref<!tpu.dma_semaphore, #tpu.memory_space<semaphore_mem>>)
    %dma_start3A_16 = arith.constant 128 : i32
    %dma_start3A_17 = tpu.memref_slice %arg6[%dma_start3A_16] : memref<4096xi32, #tpu.memory_space<vmem>> -> memref<128xi32, #tpu.memory_space<vmem>>
    %dma_start3A_18 = arith.constant 0 : i32
    %dma_start3A_19 = arith.constant 0 : i32
    %dma_start3A_20 = tpu.memref_slice %arg5[%dma_start3A_18, %dma_start3A_19] : memref<10240x128xf32, #tpu.memory_space<vmem_shared>> -> memref<10240x128xf32, #tpu.memory_space<vmem_shared>>
    tpu.enqueue_indirect_dma source(%dma_start3A_20 : memref<10240x128xf32, #tpu.memory_space<vmem_shared>>) target(%arg8 : memref<128x128xf32, #tpu.memory_space<vmem>>) offsets(%dma_start3A_17 : memref<128xi32, #tpu.memory_space<vmem>>) semaphore(%arg10 : memref<!tpu.dma_semaphore, #tpu.memory_space<semaphore_mem>>)
    %scan3A = arith.constant 0 : i32
    %scan3A_21 = arith.constant 0 : i32
    %scan3A_22 = arith.constant 16 : i32
    %scan3A_23 = arith.addi %scan3A_21, %scan3A_22 : i32
    %scan3A_24 = arith.constant 1 : i32
    scf.for %scan3A_26 = %scan3A_21 to %scan3A_23 step %scan3A_24  : i32 {
      %mul3A_27 = arith.constant 2 : i32
      %mul3A_28 = arith.muli %scan3A_26, %mul3A_27 : i32
      %add3A_29 = arith.constant 0 : i32
      %add3A_30 = arith.addi %mul3A_28, %add3A_29 : i32
      %dma_wait3A_31 = arith.constant 0 : i32
      %dma_wait3A_32 = tpu.memref_slice %arg6[%dma_wait3A_31] : memref<4096xi32, #tpu.memory_space<vmem>> -> memref<128xi32, #tpu.memory_space<vmem>>
      %dma_wait3A_33 = arith.constant 0 : i32
      %dma_wait3A_34 = arith.constant 0 : i32
      %dma_wait3A_35 = tpu.memref_slice %arg5[%dma_wait3A_33, %dma_wait3A_34] : memref<10240x128xf32, #tpu.memory_space<vmem_shared>> -> memref<10240x128xf32, #tpu.memory_space<vmem_shared>>
      tpu.wait_indirect_dma semaphore(%arg9 : memref<!tpu.dma_semaphore, #tpu.memory_space<semaphore_mem>>) src(%dma_wait3A_35 : memref<10240x128xf32, #tpu.memory_space<vmem_shared>>) dst(%arg7 : memref<128x128xf32, #tpu.memory_space<vmem>>)
      %mul3A_36 = arith.constant 128 : i32
      %mul3A_37 = arith.muli %add3A_30, %mul3A_36 : i32
      %dma_start3A_38 = arith.constant 0 : i32
      %dma_start3A_39 = tpu.memref_slice %arg4[%add3A, %mul3A_37, %dma_start3A_38] : memref<32x4096x128xf32, #tpu.memory_space<hbm>> -> memref<1x128x128xf32, #tpu.memory_space<hbm>>
      %dma_start3A_40 = tpu.memref_squeeze %dma_start3A_39 : memref<1x128x128xf32, #tpu.memory_space<hbm>> -> memref<128x128xf32, #tpu.memory_space<hbm>>
      %dma_start3A_41 = arith.constant 0 : i32
      %dma_start3A_42 = tpu.memref_slice %arg4[%add3A, %mul3A_37, %dma_start3A_41] : memref<32x4096x128xf32, #tpu.memory_space<hbm>> -> memref<1x128x128xf32, #tpu.memory_space<hbm>>
      %dma_start3A_43 = tpu.memref_squeeze %dma_start3A_42 : memref<1x128x128xf32, #tpu.memory_space<hbm>> -> memref<128x128xf32, #tpu.memory_space<hbm>>
      tpu.enqueue_dma source(%arg7 : memref<128x128xf32, #tpu.memory_space<vmem>>) target(%dma_start3A_43 : memref<128x128xf32, #tpu.memory_space<hbm>>) target_semaphore(%arg11 : memref<!tpu.dma_semaphore, #tpu.memory_space<semaphore_mem>>)
      %dma_wait3A_44 = arith.constant 0 : i32
      %dma_wait3A_45 = arith.constant 0 : i32
      %dma_wait3A_46 = tpu.memref_slice %arg4[%add3A, %dma_wait3A_44, %dma_wait3A_45] : memref<32x4096x128xf32, #tpu.memory_space<hbm>> -> memref<1x128x128xf32, #tpu.memory_space<hbm>>
      %dma_wait3A_47 = tpu.memref_squeeze %dma_wait3A_46 : memref<1x128x128xf32, #tpu.memory_space<hbm>> -> memref<128x128xf32, #tpu.memory_space<hbm>>
      %dma_wait3A_48 = arith.constant 0 : i32
      %dma_wait3A_49 = arith.constant 0 : i32
      %dma_wait3A_50 = tpu.memref_slice %arg4[%add3A, %dma_wait3A_48, %dma_wait3A_49] : memref<32x4096x128xf32, #tpu.memory_space<hbm>> -> memref<1x128x128xf32, #tpu.memory_space<hbm>>
      %dma_wait3A_51 = tpu.memref_squeeze %dma_wait3A_50 : memref<1x128x128xf32, #tpu.memory_space<hbm>> -> memref<128x128xf32, #tpu.memory_space<hbm>>
      tpu.wait_dma2 semaphore(%arg11 : memref<!tpu.dma_semaphore, #tpu.memory_space<semaphore_mem>>) src(%arg7 : memref<128x128xf32, #tpu.memory_space<vmem>>) dst(%dma_wait3A_51 : memref<128x128xf32, #tpu.memory_space<hbm>>)
      %lt3A = arith.constant 15 : i32
      %lt3A_52 = arith.cmpi slt, %scan3A_26, %lt3A : i32
      %convert_element_type3A = arith.extui %lt3A_52 : i1 to i32
      %cond3A = arith.constant 0 : i32
      %cond3A_53 = arith.cmpi ne, %convert_element_type3A, %cond3A : i32
      scf.if %cond3A_53 {
        %add3A_84 = arith.constant 2 : i32
        %add3A_85 = arith.addi %add3A_30, %add3A_84 : i32
        %mul3A_86 = arith.constant 128 : i32
        %mul3A_87 = arith.muli %add3A_85, %mul3A_86 : i32
        %dma_start3A_88 = tpu.memref_slice %arg6[%mul3A_87] : memref<4096xi32, #tpu.memory_space<vmem>> -> memref<128xi32, #tpu.memory_space<vmem>>
        %dma_start3A_89 = arith.constant 0 : i32
        %dma_start3A_90 = arith.constant 0 : i32
        %dma_start3A_91 = tpu.memref_slice %arg5[%dma_start3A_89, %dma_start3A_90] : memref<10240x128xf32, #tpu.memory_space<vmem_shared>> -> memref<10240x128xf32, #tpu.memory_space<vmem_shared>>
        tpu.enqueue_indirect_dma source(%dma_start3A_91 : memref<10240x128xf32, #tpu.memory_space<vmem_shared>>) target(%arg7 : memref<128x128xf32, #tpu.memory_space<vmem>>) offsets(%dma_start3A_88 : memref<128xi32, #tpu.memory_space<vmem>>) semaphore(%arg9 : memref<!tpu.dma_semaphore, #tpu.memory_space<semaphore_mem>>)
      } else {
      }
      %mul3A_54 = arith.constant 2 : i32
      %mul3A_55 = arith.muli %scan3A_26, %mul3A_54 : i32
      %add3A_56 = arith.constant 1 : i32
      %add3A_57 = arith.addi %mul3A_55, %add3A_56 : i32
      %dma_wait3A_58 = arith.constant 0 : i32
      %dma_wait3A_59 = tpu.memref_slice %arg6[%dma_wait3A_58] : memref<4096xi32, #tpu.memory_space<vmem>> -> memref<128xi32, #tpu.memory_space<vmem>>
      %dma_wait3A_60 = arith.constant 0 : i32
      %dma_wait3A_61 = arith.constant 0 : i32
      %dma_wait3A_62 = tpu.memref_slice %arg5[%dma_wait3A_60, %dma_wait3A_61] : memref<10240x128xf32, #tpu.memory_space<vmem_shared>> -> memref<10240x128xf32, #tpu.memory_space<vmem_shared>>
      tpu.wait_indirect_dma semaphore(%arg10 : memref<!tpu.dma_semaphore, #tpu.memory_space<semaphore_mem>>) src(%dma_wait3A_62 : memref<10240x128xf32, #tpu.memory_space<vmem_shared>>) dst(%arg8 : memref<128x128xf32, #tpu.memory_space<vmem>>)
      %mul3A_63 = arith.constant 128 : i32
      %mul3A_64 = arith.muli %add3A_57, %mul3A_63 : i32
      %dma_start3A_65 = arith.constant 0 : i32
      %dma_start3A_66 = tpu.memref_slice %arg4[%add3A, %mul3A_64, %dma_start3A_65] : memref<32x4096x128xf32, #tpu.memory_space<hbm>> -> memref<1x128x128xf32, #tpu.memory_space<hbm>>
      %dma_start3A_67 = tpu.memref_squeeze %dma_start3A_66 : memref<1x128x128xf32, #tpu.memory_space<hbm>> -> memref<128x128xf32, #tpu.memory_space<hbm>>
      %dma_start3A_68 = arith.constant 0 : i32
      %dma_start3A_69 = tpu.memref_slice %arg4[%add3A, %mul3A_64, %dma_start3A_68] : memref<32x4096x128xf32, #tpu.memory_space<hbm>> -> memref<1x128x128xf32, #tpu.memory_space<hbm>>
      %dma_start3A_70 = tpu.memref_squeeze %dma_start3A_69 : memref<1x128x128xf32, #tpu.memory_space<hbm>> -> memref<128x128xf32, #tpu.memory_space<hbm>>
      tpu.enqueue_dma source(%arg8 : memref<128x128xf32, #tpu.memory_space<vmem>>) target(%dma_start3A_70 : memref<128x128xf32, #tpu.memory_space<hbm>>) target_semaphore(%arg12 : memref<!tpu.dma_semaphore, #tpu.memory_space<semaphore_mem>>)
      %dma_wait3A_71 = arith.constant 0 : i32
      %dma_wait3A_72 = arith.constant 0 : i32
      %dma_wait3A_73 = tpu.memref_slice %arg4[%add3A, %dma_wait3A_71, %dma_wait3A_72] : memref<32x4096x128xf32, #tpu.memory_space<hbm>> -> memref<1x128x128xf32, #tpu.memory_space<hbm>>
      %dma_wait3A_74 = tpu.memref_squeeze %dma_wait3A_73 : memref<1x128x128xf32, #tpu.memory_space<hbm>> -> memref<128x128xf32, #tpu.memory_space<hbm>>
      %dma_wait3A_75 = arith.constant 0 : i32
      %dma_wait3A_76 = arith.constant 0 : i32
      %dma_wait3A_77 = tpu.memref_slice %arg4[%add3A, %dma_wait3A_75, %dma_wait3A_76] : memref<32x4096x128xf32, #tpu.memory_space<hbm>> -> memref<1x128x128xf32, #tpu.memory_space<hbm>>
      %dma_wait3A_78 = tpu.memref_squeeze %dma_wait3A_77 : memref<1x128x128xf32, #tpu.memory_space<hbm>> -> memref<128x128xf32, #tpu.memory_space<hbm>>
      tpu.wait_dma2 semaphore(%arg12 : memref<!tpu.dma_semaphore, #tpu.memory_space<semaphore_mem>>) src(%arg8 : memref<128x128xf32, #tpu.memory_space<vmem>>) dst(%dma_wait3A_78 : memref<128x128xf32, #tpu.memory_space<hbm>>)
      %lt3A_79 = arith.constant 15 : i32
      %lt3A_80 = arith.cmpi slt, %scan3A_26, %lt3A_79 : i32
      %convert_element_type3A_81 = arith.extui %lt3A_80 : i1 to i32
      %cond3A_82 = arith.constant 0 : i32
      %cond3A_83 = arith.cmpi ne, %convert_element_type3A_81, %cond3A_82 : i32
      scf.if %cond3A_83 {
        %add3A_84 = arith.constant 2 : i32
        %add3A_85 = arith.addi %add3A_57, %add3A_84 : i32
        %mul3A_86 = arith.constant 128 : i32
        %mul3A_87 = arith.muli %add3A_85, %mul3A_86 : i32
        %dma_start3A_88 = tpu.memref_slice %arg6[%mul3A_87] : memref<4096xi32, #tpu.memory_space<vmem>> -> memref<128xi32, #tpu.memory_space<vmem>>
        %dma_start3A_89 = arith.constant 0 : i32
        %dma_start3A_90 = arith.constant 0 : i32
        %dma_start3A_91 = tpu.memref_slice %arg5[%dma_start3A_89, %dma_start3A_90] : memref<10240x128xf32, #tpu.memory_space<vmem_shared>> -> memref<10240x128xf32, #tpu.memory_space<vmem_shared>>
        tpu.enqueue_indirect_dma source(%dma_start3A_91 : memref<10240x128xf32, #tpu.memory_space<vmem_shared>>) target(%arg8 : memref<128x128xf32, #tpu.memory_space<vmem>>) offsets(%dma_start3A_88 : memref<128xi32, #tpu.memory_space<vmem>>) semaphore(%arg10 : memref<!tpu.dma_semaphore, #tpu.memory_space<semaphore_mem>>)
      } else {
      }
    }
    %scan3A_25 = arith.constant 16 : i32
    return
  }
}

#map = affine_map<(d0, d1) -> (0, 0)>
#map1 = affine_map<(d0, d1) -> (0)>
#map2 = affine_map<(d0, d1) -> (0, 0, 0)>
module attributes {stable_mosaic.version = 14 : i64} {
  func.func @k(%arg0: i32, %arg1: i32, %arg2: memref<10240x128xf32, #tpu.memory_space<hbm>>, %arg3: memref<327680xi32, #tpu.memory_space<hbm>>, %arg4: memref<32x6144x128xf32, #tpu.memory_space<hbm>>, %arg5: memref<10240x128xf32, #tpu.memory_space<vmem_shared>>, %arg6: memref<6144xi32, #tpu.memory_space<vmem>>, %arg7: memref<128x128xf32, #tpu.memory_space<vmem>>, %arg8: memref<128x128xf32, #tpu.memory_space<vmem>>, %arg9: memref<!tpu.dma_semaphore, #tpu.memory_space<semaphore_mem>>, %arg10: memref<!tpu.dma_semaphore, #tpu.memory_space<semaphore_mem>>, %arg11: memref<!tpu.dma_semaphore, #tpu.memory_space<semaphore_mem>>, %arg12: memref<!tpu.dma_semaphore, #tpu.memory_space<semaphore_mem>>, %arg13: memref<!tpu.dma_semaphore, #tpu.memory_space<semaphore_mem>>) attributes {dimension_semantics = [#tpu.dimension_semantics<core_parallel>, #tpu.dimension_semantics<subcore_parallel>], iteration_bounds = array<i64: 2, 16>, scalar_prefetch = 0 : i64, scratch_operands = 9 : i64, tpu.core_type = #tpu.core_type<sc_vector_subcore>, window_params = [{transform_indices = #map}, {transform_indices = #map1}, {transform_indices = #map2}]} {
    %mul3A = arith.constant 2 : i32
    %mul3A_0 = arith.muli %arg1, %mul3A : i32
    %add3A = arith.addi %mul3A_0, %arg0 : i32
    %mul3A_1 = arith.constant 10240 : i32
    %mul3A_2 = arith.muli %add3A, %mul3A_1 : i32
    %add3A_3 = arith.constant 4096 : i32
    %add3A_4 = arith.addi %mul3A_2, %add3A_3 : i32
    %dma_start3A = tpu.memref_slice %arg3[%add3A_4] : memref<327680xi32, #tpu.memory_space<hbm>> -> memref<6144xi32, #tpu.memory_space<hbm>>
    %dma_start3A_5 = tpu.memref_slice %arg3[%add3A_4] : memref<327680xi32, #tpu.memory_space<hbm>> -> memref<6144xi32, #tpu.memory_space<hbm>>
    tpu.enqueue_dma source(%dma_start3A_5 : memref<6144xi32, #tpu.memory_space<hbm>>) target(%arg6 : memref<6144xi32, #tpu.memory_space<vmem>>) target_semaphore(%arg13 : memref<!tpu.dma_semaphore, #tpu.memory_space<semaphore_mem>>)
    %mul3A_6 = arith.constant 640 : i32
    %mul3A_7 = arith.muli %arg1, %mul3A_6 : i32
    %mul3A_8 = arith.constant 640 : i32
    %mul3A_9 = arith.muli %arg1, %mul3A_8 : i32
    "tpu.region"() ({
      %run_scoped3A = tpu.sem_alloc : memref<!tpu.dma_semaphore, #tpu.memory_space<semaphore_mem>>
      %dma_start3A_26 = arith.constant 0 : i32
      %dma_start3A_27 = tpu.memref_slice %arg5[%mul3A_9, %dma_start3A_26] : memref<10240x128xf32, #tpu.memory_space<vmem_shared>> -> memref<640x128xf32, #tpu.memory_space<vmem_shared>>
      %dma_start3A_28 = arith.constant 0 : i32
      %dma_start3A_29 = tpu.memref_slice %arg2[%mul3A_7, %dma_start3A_28] : memref<10240x128xf32, #tpu.memory_space<hbm>> -> memref<640x128xf32, #tpu.memory_space<hbm>>
      tpu.enqueue_dma source(%dma_start3A_29 : memref<640x128xf32, #tpu.memory_space<hbm>>) target(%dma_start3A_27 : memref<640x128xf32, #tpu.memory_space<vmem_shared>>) target_semaphore(%run_scoped3A : memref<!tpu.dma_semaphore, #tpu.memory_space<semaphore_mem>>)
      %dma_wait3A_30 = arith.constant 0 : i32
      %dma_wait3A_31 = tpu.memref_slice %arg5[%mul3A_9, %dma_wait3A_30] : memref<10240x128xf32, #tpu.memory_space<vmem_shared>> -> memref<640x128xf32, #tpu.memory_space<vmem_shared>>
      %dma_wait3A_32 = arith.constant 0 : i32
      %dma_wait3A_33 = tpu.memref_slice %arg2[%mul3A_7, %dma_wait3A_32] : memref<10240x128xf32, #tpu.memory_space<hbm>> -> memref<640x128xf32, #tpu.memory_space<hbm>>
      tpu.wait_dma2 semaphore(%run_scoped3A : memref<!tpu.dma_semaphore, #tpu.memory_space<semaphore_mem>>) src(%dma_wait3A_33 : memref<640x128xf32, #tpu.memory_space<hbm>>) dst(%dma_wait3A_31 : memref<640x128xf32, #tpu.memory_space<vmem_shared>>)
      tpu.yield
    }) : () -> ()
    %dma_wait3A = tpu.memref_slice %arg3[%add3A_4] : memref<327680xi32, #tpu.memory_space<hbm>> -> memref<6144xi32, #tpu.memory_space<hbm>>
    %dma_wait3A_10 = tpu.memref_slice %arg3[%add3A_4] : memref<327680xi32, #tpu.memory_space<hbm>> -> memref<6144xi32, #tpu.memory_space<hbm>>
    tpu.wait_dma2 semaphore(%arg13 : memref<!tpu.dma_semaphore, #tpu.memory_space<semaphore_mem>>) src(%dma_wait3A_10 : memref<6144xi32, #tpu.memory_space<hbm>>) dst(%arg6 : memref<6144xi32, #tpu.memory_space<vmem>>)
    %barrier3A = arith.constant 0 : index
    tpu.barrier barrier_id(%barrier3A)
    %dma_start3A_11 = arith.constant 0 : i32
    %dma_start3A_12 = tpu.memref_slice %arg6[%dma_start3A_11] : memref<6144xi32, #tpu.memory_space<vmem>> -> memref<128xi32, #tpu.memory_space<vmem>>
    %dma_start3A_13 = arith.constant 0 : i32
    %dma_start3A_14 = arith.constant 0 : i32
    %dma_start3A_15 = tpu.memref_slice %arg5[%dma_start3A_13, %dma_start3A_14] : memref<10240x128xf32, #tpu.memory_space<vmem_shared>> -> memref<10240x128xf32, #tpu.memory_space<vmem_shared>>
    tpu.enqueue_indirect_dma source(%dma_start3A_15 : memref<10240x128xf32, #tpu.memory_space<vmem_shared>>) target(%arg7 : memref<128x128xf32, #tpu.memory_space<vmem>>) offsets(%dma_start3A_12 : memref<128xi32, #tpu.memory_space<vmem>>) semaphore(%arg9 : memref<!tpu.dma_semaphore, #tpu.memory_space<semaphore_mem>>)
    %dma_start3A_16 = arith.constant 128 : i32
    %dma_start3A_17 = tpu.memref_slice %arg6[%dma_start3A_16] : memref<6144xi32, #tpu.memory_space<vmem>> -> memref<128xi32, #tpu.memory_space<vmem>>
    %dma_start3A_18 = arith.constant 0 : i32
    %dma_start3A_19 = arith.constant 0 : i32
    %dma_start3A_20 = tpu.memref_slice %arg5[%dma_start3A_18, %dma_start3A_19] : memref<10240x128xf32, #tpu.memory_space<vmem_shared>> -> memref<10240x128xf32, #tpu.memory_space<vmem_shared>>
    tpu.enqueue_indirect_dma source(%dma_start3A_20 : memref<10240x128xf32, #tpu.memory_space<vmem_shared>>) target(%arg8 : memref<128x128xf32, #tpu.memory_space<vmem>>) offsets(%dma_start3A_17 : memref<128xi32, #tpu.memory_space<vmem>>) semaphore(%arg10 : memref<!tpu.dma_semaphore, #tpu.memory_space<semaphore_mem>>)
    %scan3A = arith.constant 0 : i32
    %scan3A_21 = arith.constant 0 : i32
    %scan3A_22 = arith.constant 24 : i32
    %scan3A_23 = arith.addi %scan3A_21, %scan3A_22 : i32
    %scan3A_24 = arith.constant 1 : i32
    scf.for %scan3A_26 = %scan3A_21 to %scan3A_23 step %scan3A_24  : i32 {
      %mul3A_27 = arith.constant 2 : i32
      %mul3A_28 = arith.muli %scan3A_26, %mul3A_27 : i32
      %add3A_29 = arith.constant 0 : i32
      %add3A_30 = arith.addi %mul3A_28, %add3A_29 : i32
      %dma_wait3A_31 = arith.constant 0 : i32
      %dma_wait3A_32 = tpu.memref_slice %arg6[%dma_wait3A_31] : memref<6144xi32, #tpu.memory_space<vmem>> -> memref<128xi32, #tpu.memory_space<vmem>>
      %dma_wait3A_33 = arith.constant 0 : i32
      %dma_wait3A_34 = arith.constant 0 : i32
      %dma_wait3A_35 = tpu.memref_slice %arg5[%dma_wait3A_33, %dma_wait3A_34] : memref<10240x128xf32, #tpu.memory_space<vmem_shared>> -> memref<10240x128xf32, #tpu.memory_space<vmem_shared>>
      tpu.wait_indirect_dma semaphore(%arg9 : memref<!tpu.dma_semaphore, #tpu.memory_space<semaphore_mem>>) src(%dma_wait3A_35 : memref<10240x128xf32, #tpu.memory_space<vmem_shared>>) dst(%arg7 : memref<128x128xf32, #tpu.memory_space<vmem>>)
      %mul3A_36 = arith.constant 128 : i32
      %mul3A_37 = arith.muli %add3A_30, %mul3A_36 : i32
      %dma_start3A_38 = arith.constant 0 : i32
      %dma_start3A_39 = tpu.memref_slice %arg4[%add3A, %mul3A_37, %dma_start3A_38] : memref<32x6144x128xf32, #tpu.memory_space<hbm>> -> memref<1x128x128xf32, #tpu.memory_space<hbm>>
      %dma_start3A_40 = tpu.memref_squeeze %dma_start3A_39 : memref<1x128x128xf32, #tpu.memory_space<hbm>> -> memref<128x128xf32, #tpu.memory_space<hbm>>
      %dma_start3A_41 = arith.constant 0 : i32
      %dma_start3A_42 = tpu.memref_slice %arg4[%add3A, %mul3A_37, %dma_start3A_41] : memref<32x6144x128xf32, #tpu.memory_space<hbm>> -> memref<1x128x128xf32, #tpu.memory_space<hbm>>
      %dma_start3A_43 = tpu.memref_squeeze %dma_start3A_42 : memref<1x128x128xf32, #tpu.memory_space<hbm>> -> memref<128x128xf32, #tpu.memory_space<hbm>>
      tpu.enqueue_dma source(%arg7 : memref<128x128xf32, #tpu.memory_space<vmem>>) target(%dma_start3A_43 : memref<128x128xf32, #tpu.memory_space<hbm>>) target_semaphore(%arg11 : memref<!tpu.dma_semaphore, #tpu.memory_space<semaphore_mem>>)
      %dma_wait3A_44 = arith.constant 0 : i32
      %dma_wait3A_45 = arith.constant 0 : i32
      %dma_wait3A_46 = tpu.memref_slice %arg4[%add3A, %dma_wait3A_44, %dma_wait3A_45] : memref<32x6144x128xf32, #tpu.memory_space<hbm>> -> memref<1x128x128xf32, #tpu.memory_space<hbm>>
      %dma_wait3A_47 = tpu.memref_squeeze %dma_wait3A_46 : memref<1x128x128xf32, #tpu.memory_space<hbm>> -> memref<128x128xf32, #tpu.memory_space<hbm>>
      %dma_wait3A_48 = arith.constant 0 : i32
      %dma_wait3A_49 = arith.constant 0 : i32
      %dma_wait3A_50 = tpu.memref_slice %arg4[%add3A, %dma_wait3A_48, %dma_wait3A_49] : memref<32x6144x128xf32, #tpu.memory_space<hbm>> -> memref<1x128x128xf32, #tpu.memory_space<hbm>>
      %dma_wait3A_51 = tpu.memref_squeeze %dma_wait3A_50 : memref<1x128x128xf32, #tpu.memory_space<hbm>> -> memref<128x128xf32, #tpu.memory_space<hbm>>
      tpu.wait_dma2 semaphore(%arg11 : memref<!tpu.dma_semaphore, #tpu.memory_space<semaphore_mem>>) src(%arg7 : memref<128x128xf32, #tpu.memory_space<vmem>>) dst(%dma_wait3A_51 : memref<128x128xf32, #tpu.memory_space<hbm>>)
      %lt3A = arith.constant 23 : i32
      %lt3A_52 = arith.cmpi slt, %scan3A_26, %lt3A : i32
      %convert_element_type3A = arith.extui %lt3A_52 : i1 to i32
      %cond3A = arith.constant 0 : i32
      %cond3A_53 = arith.cmpi ne, %convert_element_type3A, %cond3A : i32
      scf.if %cond3A_53 {
        %add3A_84 = arith.constant 2 : i32
        %add3A_85 = arith.addi %add3A_30, %add3A_84 : i32
        %mul3A_86 = arith.constant 128 : i32
        %mul3A_87 = arith.muli %add3A_85, %mul3A_86 : i32
        %dma_start3A_88 = tpu.memref_slice %arg6[%mul3A_87] : memref<6144xi32, #tpu.memory_space<vmem>> -> memref<128xi32, #tpu.memory_space<vmem>>
        %dma_start3A_89 = arith.constant 0 : i32
        %dma_start3A_90 = arith.constant 0 : i32
        %dma_start3A_91 = tpu.memref_slice %arg5[%dma_start3A_89, %dma_start3A_90] : memref<10240x128xf32, #tpu.memory_space<vmem_shared>> -> memref<10240x128xf32, #tpu.memory_space<vmem_shared>>
        tpu.enqueue_indirect_dma source(%dma_start3A_91 : memref<10240x128xf32, #tpu.memory_space<vmem_shared>>) target(%arg7 : memref<128x128xf32, #tpu.memory_space<vmem>>) offsets(%dma_start3A_88 : memref<128xi32, #tpu.memory_space<vmem>>) semaphore(%arg9 : memref<!tpu.dma_semaphore, #tpu.memory_space<semaphore_mem>>)
      } else {
      }
      %mul3A_54 = arith.constant 2 : i32
      %mul3A_55 = arith.muli %scan3A_26, %mul3A_54 : i32
      %add3A_56 = arith.constant 1 : i32
      %add3A_57 = arith.addi %mul3A_55, %add3A_56 : i32
      %dma_wait3A_58 = arith.constant 0 : i32
      %dma_wait3A_59 = tpu.memref_slice %arg6[%dma_wait3A_58] : memref<6144xi32, #tpu.memory_space<vmem>> -> memref<128xi32, #tpu.memory_space<vmem>>
      %dma_wait3A_60 = arith.constant 0 : i32
      %dma_wait3A_61 = arith.constant 0 : i32
      %dma_wait3A_62 = tpu.memref_slice %arg5[%dma_wait3A_60, %dma_wait3A_61] : memref<10240x128xf32, #tpu.memory_space<vmem_shared>> -> memref<10240x128xf32, #tpu.memory_space<vmem_shared>>
      tpu.wait_indirect_dma semaphore(%arg10 : memref<!tpu.dma_semaphore, #tpu.memory_space<semaphore_mem>>) src(%dma_wait3A_62 : memref<10240x128xf32, #tpu.memory_space<vmem_shared>>) dst(%arg8 : memref<128x128xf32, #tpu.memory_space<vmem>>)
      %mul3A_63 = arith.constant 128 : i32
      %mul3A_64 = arith.muli %add3A_57, %mul3A_63 : i32
      %dma_start3A_65 = arith.constant 0 : i32
      %dma_start3A_66 = tpu.memref_slice %arg4[%add3A, %mul3A_64, %dma_start3A_65] : memref<32x6144x128xf32, #tpu.memory_space<hbm>> -> memref<1x128x128xf32, #tpu.memory_space<hbm>>
      %dma_start3A_67 = tpu.memref_squeeze %dma_start3A_66 : memref<1x128x128xf32, #tpu.memory_space<hbm>> -> memref<128x128xf32, #tpu.memory_space<hbm>>
      %dma_start3A_68 = arith.constant 0 : i32
      %dma_start3A_69 = tpu.memref_slice %arg4[%add3A, %mul3A_64, %dma_start3A_68] : memref<32x6144x128xf32, #tpu.memory_space<hbm>> -> memref<1x128x128xf32, #tpu.memory_space<hbm>>
      %dma_start3A_70 = tpu.memref_squeeze %dma_start3A_69 : memref<1x128x128xf32, #tpu.memory_space<hbm>> -> memref<128x128xf32, #tpu.memory_space<hbm>>
      tpu.enqueue_dma source(%arg8 : memref<128x128xf32, #tpu.memory_space<vmem>>) target(%dma_start3A_70 : memref<128x128xf32, #tpu.memory_space<hbm>>) target_semaphore(%arg12 : memref<!tpu.dma_semaphore, #tpu.memory_space<semaphore_mem>>)
      %dma_wait3A_71 = arith.constant 0 : i32
      %dma_wait3A_72 = arith.constant 0 : i32
      %dma_wait3A_73 = tpu.memref_slice %arg4[%add3A, %dma_wait3A_71, %dma_wait3A_72] : memref<32x6144x128xf32, #tpu.memory_space<hbm>> -> memref<1x128x128xf32, #tpu.memory_space<hbm>>
      %dma_wait3A_74 = tpu.memref_squeeze %dma_wait3A_73 : memref<1x128x128xf32, #tpu.memory_space<hbm>> -> memref<128x128xf32, #tpu.memory_space<hbm>>
      %dma_wait3A_75 = arith.constant 0 : i32
      %dma_wait3A_76 = arith.constant 0 : i32
      %dma_wait3A_77 = tpu.memref_slice %arg4[%add3A, %dma_wait3A_75, %dma_wait3A_76] : memref<32x6144x128xf32, #tpu.memory_space<hbm>> -> memref<1x128x128xf32, #tpu.memory_space<hbm>>
      %dma_wait3A_78 = tpu.memref_squeeze %dma_wait3A_77 : memref<1x128x128xf32, #tpu.memory_space<hbm>> -> memref<128x128xf32, #tpu.memory_space<hbm>>
      tpu.wait_dma2 semaphore(%arg12 : memref<!tpu.dma_semaphore, #tpu.memory_space<semaphore_mem>>) src(%arg8 : memref<128x128xf32, #tpu.memory_space<vmem>>) dst(%dma_wait3A_78 : memref<128x128xf32, #tpu.memory_space<hbm>>)
      %lt3A_79 = arith.constant 23 : i32
      %lt3A_80 = arith.cmpi slt, %scan3A_26, %lt3A_79 : i32
      %convert_element_type3A_81 = arith.extui %lt3A_80 : i1 to i32
      %cond3A_82 = arith.constant 0 : i32
      %cond3A_83 = arith.cmpi ne, %convert_element_type3A_81, %cond3A_82 : i32
      scf.if %cond3A_83 {
        %add3A_84 = arith.constant 2 : i32
        %add3A_85 = arith.addi %add3A_57, %add3A_84 : i32
        %mul3A_86 = arith.constant 128 : i32
        %mul3A_87 = arith.muli %add3A_85, %mul3A_86 : i32
        %dma_start3A_88 = tpu.memref_slice %arg6[%mul3A_87] : memref<6144xi32, #tpu.memory_space<vmem>> -> memref<128xi32, #tpu.memory_space<vmem>>
        %dma_start3A_89 = arith.constant 0 : i32
        %dma_start3A_90 = arith.constant 0 : i32
        %dma_start3A_91 = tpu.memref_slice %arg5[%dma_start3A_89, %dma_start3A_90] : memref<10240x128xf32, #tpu.memory_space<vmem_shared>> -> memref<10240x128xf32, #tpu.memory_space<vmem_shared>>
        tpu.enqueue_indirect_dma source(%dma_start3A_91 : memref<10240x128xf32, #tpu.memory_space<vmem_shared>>) target(%arg8 : memref<128x128xf32, #tpu.memory_space<vmem>>) offsets(%dma_start3A_88 : memref<128xi32, #tpu.memory_space<vmem>>) semaphore(%arg10 : memref<!tpu.dma_semaphore, #tpu.memory_space<semaphore_mem>>)
      } else {
      }
    }
    %scan3A_25 = arith.constant 24 : i32
    return
  }
}

module attributes {stable_mosaic.version = 14 : i64} {
  func.func @_prep_g_body(%arg0: i32, %arg1: memref<2000x128xf32, #tpu.memory_space<vmem>>, %arg2: memref<128x128xf32, #tpu.memory_space<vmem>>, %arg3: memref<2000x128xf32, #tpu.memory_space<vmem>>) attributes {dimension_semantics = [#tpu.dimension_semantics<arbitrary>], iteration_bounds = array<i64: 5>, scalar_prefetch = 0 : i64, scratch_operands = 0 : i64, tpu.core_type = #tpu.core_type<tc>, window_params = [{transform_indices = @transform_0, window_bounds = array<i64: 2000, 128>}, {pipeline_mode = #tpu.pipeline_mode<synchronous>, transform_indices = @transform_1, window_bounds = array<i64: 128, 128>}, {transform_indices = @transform_2, window_bounds = array<i64: 2000, 128>}]} {
    %get3A = arith.constant 0 : index
    %get3A_0 = arith.constant 0 : index
    %get3A_1 = vector.load %arg1[%get3A, %get3A_0] : memref<2000x128xf32, #tpu.memory_space<vmem>>, vector<2000x128xf32>
    %get3A_2 = arith.constant 0 : index
    %get3A_3 = arith.constant 0 : index
    %get3A_4 = vector.load %arg2[%get3A_2, %get3A_3] : memref<128x128xf32, #tpu.memory_space<vmem>>, vector<128x128xf32>
    %dot_general3A = arith.constant dense<0.000000e+00> : vector<2000x128xf32>
    %dot_general3A_5 = tpu.matmul %get3A_1, %get3A_4, %dot_general3A {dimension_numbers = #tpu.dot_dimension_numbers<[1], [0], [0], [1], [0, 0, 1, 1], [], []>, transpose_lhs_hint = false} : vector<2000x128xf32>, vector<128x128xf32>, vector<2000x128xf32> -> vector<2000x128xf32>
    %swap3A = arith.constant 0 : index
    %swap3A_6 = arith.constant 0 : index
    %swap3A_7 = vector.load %arg3[%swap3A, %swap3A_6] : memref<2000x128xf32, #tpu.memory_space<vmem>>, vector<2000x128xf32>
    tpu.vector_store %arg3[%swap3A, %swap3A_6], %dot_general3A_5 {strides = array<i32>} : memref<2000x128xf32, #tpu.memory_space<vmem>>, vector<2000x128xf32>,
    return
  }
  func.func @transform_0(%arg0: i32) -> (i32, i32) {
    %c0_i32 = arith.constant 0 : i32
    %c0_i32_0 = arith.constant 0 : i32
    return %arg0, %c0_i32 : i32, i32
  }
  func.func @transform_1(%arg0: i32) -> (i32, i32) {
    %c0_i32 = arith.constant 0 : i32
    %c0_i32_0 = arith.constant 0 : i32
    %c0_i32_1 = arith.constant 0 : i32
    return %c0_i32, %c0_i32_0 : i32, i32
  }
  func.func @transform_2(%arg0: i32) -> (i32, i32) {
    %c0_i32 = arith.constant 0 : i32
    %c0_i32_0 = arith.constant 0 : i32
    return %arg0, %c0_i32 : i32, i32
  }
}

module attributes {stable_mosaic.version = 14 : i64} {
  func.func @_prep_s_body(%arg0: i32, %arg1: memref<2000x128xf32, #tpu.memory_space<vmem>>, %arg2: memref<128x128xf32, #tpu.memory_space<vmem>>, %arg3: memref<1x128xf32, #tpu.memory_space<vmem>>, %arg4: memref<2000x128xf32, #tpu.memory_space<vmem>>) attributes {dimension_semantics = [#tpu.dimension_semantics<arbitrary>], iteration_bounds = array<i64: 5>, scalar_prefetch = 0 : i64, scratch_operands = 0 : i64, tpu.core_type = #tpu.core_type<tc>, window_params = [{transform_indices = @transform_0, window_bounds = array<i64: 2000, 128>}, {pipeline_mode = #tpu.pipeline_mode<synchronous>, transform_indices = @transform_1, window_bounds = array<i64: 128, 128>}, {pipeline_mode = #tpu.pipeline_mode<synchronous>, transform_indices = @transform_2, window_bounds = array<i64: 1, 128>}, {transform_indices = @transform_3, window_bounds = array<i64: 2000, 128>}]} {
    %get3A = arith.constant 0 : index
    %get3A_0 = arith.constant 0 : index
    %get3A_1 = vector.load %arg1[%get3A, %get3A_0] : memref<2000x128xf32, #tpu.memory_space<vmem>>, vector<2000x128xf32>
    %get3A_2 = arith.constant 0 : index
    %get3A_3 = arith.constant 0 : index
    %get3A_4 = vector.load %arg2[%get3A_2, %get3A_3] : memref<128x128xf32, #tpu.memory_space<vmem>>, vector<128x128xf32>
    %dot_general3A = arith.constant dense<0.000000e+00> : vector<2000x128xf32>
    %dot_general3A_5 = tpu.matmul %get3A_1, %get3A_4, %dot_general3A {dimension_numbers = #tpu.dot_dimension_numbers<[1], [0], [0], [1], [0, 0, 1, 1], [], []>, transpose_lhs_hint = false} : vector<2000x128xf32>, vector<128x128xf32>, vector<2000x128xf32> -> vector<2000x128xf32>
    %get3A_6 = arith.constant 0 : index
    %get3A_7 = arith.constant 0 : index
    %get3A_8 = vector.load %arg3[%get3A_6, %get3A_7] : memref<1x128xf32, #tpu.memory_space<vmem>>, vector<1x128xf32>
    %add3A = vector.broadcast %get3A_8 : vector<1x128xf32> to vector<2000x128xf32>
    %add3A_9 = arith.addf %dot_general3A_5, %add3A : vector<2000x128xf32>
    %swap3A = arith.constant 0 : index
    %swap3A_10 = arith.constant 0 : index
    %swap3A_11 = vector.load %arg4[%swap3A, %swap3A_10] : memref<2000x128xf32, #tpu.memory_space<vmem>>, vector<2000x128xf32>
    tpu.vector_store %arg4[%swap3A, %swap3A_10], %add3A_9 {strides = array<i32>} : memref<2000x128xf32, #tpu.memory_space<vmem>>, vector<2000x128xf32>,
    return
  }
  func.func @transform_0(%arg0: i32) -> (i32, i32) {
    %c0_i32 = arith.constant 0 : i32
    %c0_i32_0 = arith.constant 0 : i32
    return %arg0, %c0_i32 : i32, i32
  }
  func.func @transform_1(%arg0: i32) -> (i32, i32) {
    %c0_i32 = arith.constant 0 : i32
    %c0_i32_0 = arith.constant 0 : i32
    %c0_i32_1 = arith.constant 0 : i32
    return %c0_i32, %c0_i32_0 : i32, i32
  }
  func.func @transform_2(%arg0: i32) -> (i32, i32) {
    %c0_i32 = arith.constant 0 : i32
    %c0_i32_0 = arith.constant 0 : i32
    %c0_i32_1 = arith.constant 0 : i32
    return %c0_i32, %c0_i32_0 : i32, i32
  }
  func.func @transform_3(%arg0: i32) -> (i32, i32) {
    %c0_i32 = arith.constant 0 : i32
    %c0_i32_0 = arith.constant 0 : i32
    return %arg0, %c0_i32 : i32, i32
  }
}

module attributes {stable_mosaic.version = 14 : i64} {
  func.func @body(%arg0: i32, %arg1: memref<32x512x128xf32, #tpu.memory_space<vmem>>, %arg2: memref<512x32xf32, #tpu.memory_space<vmem>>, %arg3: memref<512x128xf32, #tpu.memory_space<vmem>>, %arg4: memref<128x128xf32, #tpu.memory_space<vmem>>, %arg5: memref<1x128xf32, #tpu.memory_space<vmem>>, %arg6: memref<512x128xf32, #tpu.memory_space<vmem>>) attributes {dimension_semantics = [#tpu.dimension_semantics<arbitrary>], iteration_bounds = array<i64: 8>, scalar_prefetch = 0 : i64, scratch_operands = 0 : i64, tpu.core_type = #tpu.core_type<tc>, window_params = [{transform_indices = @transform_0, window_bounds = array<i64: 32, 512, 128>}, {transform_indices = @transform_1, window_bounds = array<i64: 512, 32>}, {transform_indices = @transform_2, window_bounds = array<i64: 512, 128>}, {pipeline_mode = #tpu.pipeline_mode<synchronous>, transform_indices = @transform_3, window_bounds = array<i64: 128, 128>}, {pipeline_mode = #tpu.pipeline_mode<synchronous>, transform_indices = @transform_4, window_bounds = array<i64: 1, 128>}, {transform_indices = @transform_5, window_bounds = array<i64: 512, 128>}]} {
    %get3A = arith.constant 0 : index
    %get3A_0 = arith.constant 0 : index
    %get3A_1 = vector.load %arg3[%get3A, %get3A_0] : memref<512x128xf32, #tpu.memory_space<vmem>>, vector<512x128xf32>
    %get3A_2 = arith.constant 0 : index
    %get3A_3 = arith.constant 0 : index
    %get3A_4 = vector.load %arg4[%get3A_2, %get3A_3] : memref<128x128xf32, #tpu.memory_space<vmem>>, vector<128x128xf32>
    %get3A_5 = arith.constant 0 : index
    %get3A_6 = arith.constant 0 : index
    %get3A_7 = vector.load %arg5[%get3A_5, %get3A_6] : memref<1x128xf32, #tpu.memory_space<vmem>>, vector<1x128xf32>
    %broadcast_in_dim3A = arith.constant 0.000000e+00 : f32
    %broadcast_in_dim3A_8 = vector.broadcast %broadcast_in_dim3A : f32 to vector<512x128xf32>
    %get3A_9 = arith.constant 0 : index
    %get3A_10 = arith.constant 0 : index
    %get3A_11 = arith.constant 0 : index
    %get3A_12 = vector.load %arg1[%get3A_9, %get3A_10, %get3A_11] : memref<32x512x128xf32, #tpu.memory_space<vmem>>, vector<1x512x128xf32>
    %get3A_13 = vector.shape_cast %get3A_12 : vector<1x512x128xf32> to vector<512x128xf32>
    %add3A = arith.addf %get3A_13, %get3A_1 : vector<512x128xf32>
    %min3A = arith.constant 0.000000e+00 : f32
    %min3A_14 = vector.broadcast %min3A : f32 to vector<512x128xf32>
    %min3A_15 = arith.minimumf %add3A, %min3A_14 : vector<512x128xf32>
    %exp3A = math.exp %min3A_15 : vector<512x128xf32>
    %sub3A = arith.constant 1.000000e+00 : f32
    %sub3A_16 = vector.broadcast %sub3A : f32 to vector<512x128xf32>
    %sub3A_17 = arith.subf %exp3A, %sub3A_16 : vector<512x128xf32>
    %max3A = arith.maximumf %add3A, %sub3A_17 : vector<512x128xf32>
    %dot_general3A = arith.constant dense<0.000000e+00> : vector<512x128xf32>
    %dot_general3A_18 = tpu.matmul %max3A, %get3A_4, %dot_general3A {dimension_numbers = #tpu.dot_dimension_numbers<[1], [0], [0], [1], [0, 0, 1, 1], [], []>, transpose_lhs_hint = false} : vector<512x128xf32>, vector<128x128xf32>, vector<512x128xf32> -> vector<512x128xf32>
    %add3A_19 = vector.broadcast %get3A_7 : vector<1x128xf32> to vector<512x128xf32>
    %add3A_20 = arith.addf %dot_general3A_18, %add3A_19 : vector<512x128xf32>
    %min3A_21 = arith.constant 0.000000e+00 : f32
    %min3A_22 = vector.broadcast %min3A_21 : f32 to vector<512x128xf32>
    %min3A_23 = arith.minimumf %add3A_20, %min3A_22 : vector<512x128xf32>
    %exp3A_24 = math.exp %min3A_23 : vector<512x128xf32>
    %sub3A_25 = arith.constant 1.000000e+00 : f32
    %sub3A_26 = vector.broadcast %sub3A_25 : f32 to vector<512x128xf32>
    %sub3A_27 = arith.subf %exp3A_24, %sub3A_26 : vector<512x128xf32>
    %max3A_28 = arith.maximumf %add3A_20, %sub3A_27 : vector<512x128xf32>
    %get3A_29 = arith.constant 0 : index
    %get3A_30 = arith.constant 0 : index
    %get3A_31 = vector.load %arg2[%get3A_29, %get3A_30] : memref<512x32xf32, #tpu.memory_space<vmem>>, vector<512x1xf32>
    %mul3A = vector.broadcast %get3A_31 : vector<512x1xf32> to vector<512x128xf32>
    %mul3A_32 = arith.mulf %mul3A, %max3A_28 : vector<512x128xf32>
    %add3A_33 = arith.addf %broadcast_in_dim3A_8, %mul3A_32 : vector<512x128xf32>
    %get3A_34 = arith.constant 1 : index
    %get3A_35 = arith.constant 0 : index
    %get3A_36 = arith.constant 0 : index
    %get3A_37 = vector.load %arg1[%get3A_34, %get3A_35, %get3A_36] : memref<32x512x128xf32, #tpu.memory_space<vmem>>, vector<1x512x128xf32>
    %get3A_38 = vector.shape_cast %get3A_37 : vector<1x512x128xf32> to vector<512x128xf32>
    %add3A_39 = arith.addf %get3A_38, %get3A_1 : vector<512x128xf32>
    %min3A_40 = arith.constant 0.000000e+00 : f32
    %min3A_41 = vector.broadcast %min3A_40 : f32 to vector<512x128xf32>
    %min3A_42 = arith.minimumf %add3A_39, %min3A_41 : vector<512x128xf32>
    %exp3A_43 = math.exp %min3A_42 : vector<512x128xf32>
    %sub3A_44 = arith.constant 1.000000e+00 : f32
    %sub3A_45 = vector.broadcast %sub3A_44 : f32 to vector<512x128xf32>
    %sub3A_46 = arith.subf %exp3A_43, %sub3A_45 : vector<512x128xf32>
    %max3A_47 = arith.maximumf %add3A_39, %sub3A_46 : vector<512x128xf32>
    %dot_general3A_48 = arith.constant dense<0.000000e+00> : vector<512x128xf32>
    %dot_general3A_49 = tpu.matmul %max3A_47, %get3A_4, %dot_general3A_48 {dimension_numbers = #tpu.dot_dimension_numbers<[1], [0], [0], [1], [0, 0, 1, 1], [], []>, transpose_lhs_hint = false} : vector<512x128xf32>, vector<128x128xf32>, vector<512x128xf32> -> vector<512x128xf32>
    %add3A_50 = vector.broadcast %get3A_7 : vector<1x128xf32> to vector<512x128xf32>
    %add3A_51 = arith.addf %dot_general3A_49, %add3A_50 : vector<512x128xf32>
    %min3A_52 = arith.constant 0.000000e+00 : f32
    %min3A_53 = vector.broadcast %min3A_52 : f32 to vector<512x128xf32>
    %min3A_54 = arith.minimumf %add3A_51, %min3A_53 : vector<512x128xf32>
    %exp3A_55 = math.exp %min3A_54 : vector<512x128xf32>
    %sub3A_56 = arith.constant 1.000000e+00 : f32
    %sub3A_57 = vector.broadcast %sub3A_56 : f32 to vector<512x128xf32>
    %sub3A_58 = arith.subf %exp3A_55, %sub3A_57 : vector<512x128xf32>
    %max3A_59 = arith.maximumf %add3A_51, %sub3A_58 : vector<512x128xf32>
    %get3A_60 = arith.constant 0 : index
    %get3A_61 = arith.constant 1 : index
    %get3A_62 = vector.load %arg2[%get3A_60, %get3A_61] : memref<512x32xf32, #tpu.memory_space<vmem>>, vector<512x1xf32>
    %mul3A_63 = vector.broadcast %get3A_62 : vector<512x1xf32> to vector<512x128xf32>
    %mul3A_64 = arith.mulf %mul3A_63, %max3A_59 : vector<512x128xf32>
    %add3A_65 = arith.addf %add3A_33, %mul3A_64 : vector<512x128xf32>
    %get3A_66 = arith.constant 2 : index
    %get3A_67 = arith.constant 0 : index
    %get3A_68 = arith.constant 0 : index
    %get3A_69 = vector.load %arg1[%get3A_66, %get3A_67, %get3A_68] : memref<32x512x128xf32, #tpu.memory_space<vmem>>, vector<1x512x128xf32>
    %get3A_70 = vector.shape_cast %get3A_69 : vector<1x512x128xf32> to vector<512x128xf32>
    %add3A_71 = arith.addf %get3A_70, %get3A_1 : vector<512x128xf32>
    %min3A_72 = arith.constant 0.000000e+00 : f32
    %min3A_73 = vector.broadcast %min3A_72 : f32 to vector<512x128xf32>
    %min3A_74 = arith.minimumf %add3A_71, %min3A_73 : vector<512x128xf32>
    %exp3A_75 = math.exp %min3A_74 : vector<512x128xf32>
    %sub3A_76 = arith.constant 1.000000e+00 : f32
    %sub3A_77 = vector.broadcast %sub3A_76 : f32 to vector<512x128xf32>
    %sub3A_78 = arith.subf %exp3A_75, %sub3A_77 : vector<512x128xf32>
    %max3A_79 = arith.maximumf %add3A_71, %sub3A_78 : vector<512x128xf32>
    %dot_general3A_80 = arith.constant dense<0.000000e+00> : vector<512x128xf32>
    %dot_general3A_81 = tpu.matmul %max3A_79, %get3A_4, %dot_general3A_80 {dimension_numbers = #tpu.dot_dimension_numbers<[1], [0], [0], [1], [0, 0, 1, 1], [], []>, transpose_lhs_hint = false} : vector<512x128xf32>, vector<128x128xf32>, vector<512x128xf32> -> vector<512x128xf32>
    %add3A_82 = vector.broadcast %get3A_7 : vector<1x128xf32> to vector<512x128xf32>
    %add3A_83 = arith.addf %dot_general3A_81, %add3A_82 : vector<512x128xf32>
    %min3A_84 = arith.constant 0.000000e+00 : f32
    %min3A_85 = vector.broadcast %min3A_84 : f32 to vector<512x128xf32>
    %min3A_86 = arith.minimumf %add3A_83, %min3A_85 : vector<512x128xf32>
    %exp3A_87 = math.exp %min3A_86 : vector<512x128xf32>
    %sub3A_88 = arith.constant 1.000000e+00 : f32
    %sub3A_89 = vector.broadcast %sub3A_88 : f32 to vector<512x128xf32>
    %sub3A_90 = arith.subf %exp3A_87, %sub3A_89 : vector<512x128xf32>
    %max3A_91 = arith.maximumf %add3A_83, %sub3A_90 : vector<512x128xf32>
    %get3A_92 = arith.constant 0 : index
    %get3A_93 = arith.constant 2 : index
    %get3A_94 = vector.load %arg2[%get3A_92, %get3A_93] : memref<512x32xf32, #tpu.memory_space<vmem>>, vector<512x1xf32>
    %mul3A_95 = vector.broadcast %get3A_94 : vector<512x1xf32> to vector<512x128xf32>
    %mul3A_96 = arith.mulf %mul3A_95, %max3A_91 : vector<512x128xf32>
    %add3A_97 = arith.addf %add3A_65, %mul3A_96 : vector<512x128xf32>
    %get3A_98 = arith.constant 3 : index
    %get3A_99 = arith.constant 0 : index
    %get3A_100 = arith.constant 0 : index
    %get3A_101 = vector.load %arg1[%get3A_98, %get3A_99, %get3A_100] : memref<32x512x128xf32, #tpu.memory_space<vmem>>, vector<1x512x128xf32>
    %get3A_102 = vector.shape_cast %get3A_101 : vector<1x512x128xf32> to vector<512x128xf32>
    %add3A_103 = arith.addf %get3A_102, %get3A_1 : vector<512x128xf32>
    %min3A_104 = arith.constant 0.000000e+00 : f32
    %min3A_105 = vector.broadcast %min3A_104 : f32 to vector<512x128xf32>
    %min3A_106 = arith.minimumf %add3A_103, %min3A_105 : vector<512x128xf32>
    %exp3A_107 = math.exp %min3A_106 : vector<512x128xf32>
    %sub3A_108 = arith.constant 1.000000e+00 : f32
    %sub3A_109 = vector.broadcast %sub3A_108 : f32 to vector<512x128xf32>
    %sub3A_110 = arith.subf %exp3A_107, %sub3A_109 : vector<512x128xf32>
    %max3A_111 = arith.maximumf %add3A_103, %sub3A_110 : vector<512x128xf32>
    %dot_general3A_112 = arith.constant dense<0.000000e+00> : vector<512x128xf32>
    %dot_general3A_113 = tpu.matmul %max3A_111, %get3A_4, %dot_general3A_112 {dimension_numbers = #tpu.dot_dimension_numbers<[1], [0], [0], [1], [0, 0, 1, 1], [], []>, transpose_lhs_hint = false} : vector<512x128xf32>, vector<128x128xf32>, vector<512x128xf32> -> vector<512x128xf32>
    %add3A_114 = vector.broadcast %get3A_7 : vector<1x128xf32> to vector<512x128xf32>
    %add3A_115 = arith.addf %dot_general3A_113, %add3A_114 : vector<512x128xf32>
    %min3A_116 = arith.constant 0.000000e+00 : f32
    %min3A_117 = vector.broadcast %min3A_116 : f32 to vector<512x128xf32>
    %min3A_118 = arith.minimumf %add3A_115, %min3A_117 : vector<512x128xf32>
    %exp3A_119 = math.exp %min3A_118 : vector<512x128xf32>
    %sub3A_120 = arith.constant 1.000000e+00 : f32
    %sub3A_121 = vector.broadcast %sub3A_120 : f32 to vector<512x128xf32>
    %sub3A_122 = arith.subf %exp3A_119, %sub3A_121 : vector<512x128xf32>
    %max3A_123 = arith.maximumf %add3A_115, %sub3A_122 : vector<512x128xf32>
    %get3A_124 = arith.constant 0 : index
    %get3A_125 = arith.constant 3 : index
    %get3A_126 = vector.load %arg2[%get3A_124, %get3A_125] : memref<512x32xf32, #tpu.memory_space<vmem>>, vector<512x1xf32>
    %mul3A_127 = vector.broadcast %get3A_126 : vector<512x1xf32> to vector<512x128xf32>
    %mul3A_128 = arith.mulf %mul3A_127, %max3A_123 : vector<512x128xf32>
    %add3A_129 = arith.addf %add3A_97, %mul3A_128 : vector<512x128xf32>
    %get3A_130 = arith.constant 4 : index
    %get3A_131 = arith.constant 0 : index
    %get3A_132 = arith.constant 0 : index
    %get3A_133 = vector.load %arg1[%get3A_130, %get3A_131, %get3A_132] : memref<32x512x128xf32, #tpu.memory_space<vmem>>, vector<1x512x128xf32>
    %get3A_134 = vector.shape_cast %get3A_133 : vector<1x512x128xf32> to vector<512x128xf32>
    %add3A_135 = arith.addf %get3A_134, %get3A_1 : vector<512x128xf32>
    %min3A_136 = arith.constant 0.000000e+00 : f32
    %min3A_137 = vector.broadcast %min3A_136 : f32 to vector<512x128xf32>
    %min3A_138 = arith.minimumf %add3A_135, %min3A_137 : vector<512x128xf32>
    %exp3A_139 = math.exp %min3A_138 : vector<512x128xf32>
    %sub3A_140 = arith.constant 1.000000e+00 : f32
    %sub3A_141 = vector.broadcast %sub3A_140 : f32 to vector<512x128xf32>
    %sub3A_142 = arith.subf %exp3A_139, %sub3A_141 : vector<512x128xf32>
    %max3A_143 = arith.maximumf %add3A_135, %sub3A_142 : vector<512x128xf32>
    %dot_general3A_144 = arith.constant dense<0.000000e+00> : vector<512x128xf32>
    %dot_general3A_145 = tpu.matmul %max3A_143, %get3A_4, %dot_general3A_144 {dimension_numbers = #tpu.dot_dimension_numbers<[1], [0], [0], [1], [0, 0, 1, 1], [], []>, transpose_lhs_hint = false} : vector<512x128xf32>, vector<128x128xf32>, vector<512x128xf32> -> vector<512x128xf32>
    %add3A_146 = vector.broadcast %get3A_7 : vector<1x128xf32> to vector<512x128xf32>
    %add3A_147 = arith.addf %dot_general3A_145, %add3A_146 : vector<512x128xf32>
    %min3A_148 = arith.constant 0.000000e+00 : f32
    %min3A_149 = vector.broadcast %min3A_148 : f32 to vector<512x128xf32>
    %min3A_150 = arith.minimumf %add3A_147, %min3A_149 : vector<512x128xf32>
    %exp3A_151 = math.exp %min3A_150 : vector<512x128xf32>
    %sub3A_152 = arith.constant 1.000000e+00 : f32
    %sub3A_153 = vector.broadcast %sub3A_152 : f32 to vector<512x128xf32>
    %sub3A_154 = arith.subf %exp3A_151, %sub3A_153 : vector<512x128xf32>
    %max3A_155 = arith.maximumf %add3A_147, %sub3A_154 : vector<512x128xf32>
    %get3A_156 = arith.constant 0 : index
    %get3A_157 = arith.constant 4 : index
    %get3A_158 = vector.load %arg2[%get3A_156, %get3A_157] : memref<512x32xf32, #tpu.memory_space<vmem>>, vector<512x1xf32>
    %mul3A_159 = vector.broadcast %get3A_158 : vector<512x1xf32> to vector<512x128xf32>
    %mul3A_160 = arith.mulf %mul3A_159, %max3A_155 : vector<512x128xf32>
    %add3A_161 = arith.addf %add3A_129, %mul3A_160 : vector<512x128xf32>
    %get3A_162 = arith.constant 5 : index
    %get3A_163 = arith.constant 0 : index
    %get3A_164 = arith.constant 0 : index
    %get3A_165 = vector.load %arg1[%get3A_162, %get3A_163, %get3A_164] : memref<32x512x128xf32, #tpu.memory_space<vmem>>, vector<1x512x128xf32>
    %get3A_166 = vector.shape_cast %get3A_165 : vector<1x512x128xf32> to vector<512x128xf32>
    %add3A_167 = arith.addf %get3A_166, %get3A_1 : vector<512x128xf32>
    %min3A_168 = arith.constant 0.000000e+00 : f32
    %min3A_169 = vector.broadcast %min3A_168 : f32 to vector<512x128xf32>
    %min3A_170 = arith.minimumf %add3A_167, %min3A_169 : vector<512x128xf32>
    %exp3A_171 = math.exp %min3A_170 : vector<512x128xf32>
    %sub3A_172 = arith.constant 1.000000e+00 : f32
    %sub3A_173 = vector.broadcast %sub3A_172 : f32 to vector<512x128xf32>
    %sub3A_174 = arith.subf %exp3A_171, %sub3A_173 : vector<512x128xf32>
    %max3A_175 = arith.maximumf %add3A_167, %sub3A_174 : vector<512x128xf32>
    %dot_general3A_176 = arith.constant dense<0.000000e+00> : vector<512x128xf32>
    %dot_general3A_177 = tpu.matmul %max3A_175, %get3A_4, %dot_general3A_176 {dimension_numbers = #tpu.dot_dimension_numbers<[1], [0], [0], [1], [0, 0, 1, 1], [], []>, transpose_lhs_hint = false} : vector<512x128xf32>, vector<128x128xf32>, vector<512x128xf32> -> vector<512x128xf32>
    %add3A_178 = vector.broadcast %get3A_7 : vector<1x128xf32> to vector<512x128xf32>
    %add3A_179 = arith.addf %dot_general3A_177, %add3A_178 : vector<512x128xf32>
    %min3A_180 = arith.constant 0.000000e+00 : f32
    %min3A_181 = vector.broadcast %min3A_180 : f32 to vector<512x128xf32>
    %min3A_182 = arith.minimumf %add3A_179, %min3A_181 : vector<512x128xf32>
    %exp3A_183 = math.exp %min3A_182 : vector<512x128xf32>
    %sub3A_184 = arith.constant 1.000000e+00 : f32
    %sub3A_185 = vector.broadcast %sub3A_184 : f32 to vector<512x128xf32>
    %sub3A_186 = arith.subf %exp3A_183, %sub3A_185 : vector<512x128xf32>
    %max3A_187 = arith.maximumf %add3A_179, %sub3A_186 : vector<512x128xf32>
    %get3A_188 = arith.constant 0 : index
    %get3A_189 = arith.constant 5 : index
    %get3A_190 = vector.load %arg2[%get3A_188, %get3A_189] : memref<512x32xf32, #tpu.memory_space<vmem>>, vector<512x1xf32>
    %mul3A_191 = vector.broadcast %get3A_190 : vector<512x1xf32> to vector<512x128xf32>
    %mul3A_192 = arith.mulf %mul3A_191, %max3A_187 : vector<512x128xf32>
    %add3A_193 = arith.addf %add3A_161, %mul3A_192 : vector<512x128xf32>
    %get3A_194 = arith.constant 6 : index
    %get3A_195 = arith.constant 0 : index
    %get3A_196 = arith.constant 0 : index
    %get3A_197 = vector.load %arg1[%get3A_194, %get3A_195, %get3A_196] : memref<32x512x128xf32, #tpu.memory_space<vmem>>, vector<1x512x128xf32>
    %get3A_198 = vector.shape_cast %get3A_197 : vector<1x512x128xf32> to vector<512x128xf32>
    %add3A_199 = arith.addf %get3A_198, %get3A_1 : vector<512x128xf32>
    %min3A_200 = arith.constant 0.000000e+00 : f32
    %min3A_201 = vector.broadcast %min3A_200 : f32 to vector<512x128xf32>
    %min3A_202 = arith.minimumf %add3A_199, %min3A_201 : vector<512x128xf32>
    %exp3A_203 = math.exp %min3A_202 : vector<512x128xf32>
    %sub3A_204 = arith.constant 1.000000e+00 : f32
    %sub3A_205 = vector.broadcast %sub3A_204 : f32 to vector<512x128xf32>
    %sub3A_206 = arith.subf %exp3A_203, %sub3A_205 : vector<512x128xf32>
    %max3A_207 = arith.maximumf %add3A_199, %sub3A_206 : vector<512x128xf32>
    %dot_general3A_208 = arith.constant dense<0.000000e+00> : vector<512x128xf32>
    %dot_general3A_209 = tpu.matmul %max3A_207, %get3A_4, %dot_general3A_208 {dimension_numbers = #tpu.dot_dimension_numbers<[1], [0], [0], [1], [0, 0, 1, 1], [], []>, transpose_lhs_hint = false} : vector<512x128xf32>, vector<128x128xf32>, vector<512x128xf32> -> vector<512x128xf32>
    %add3A_210 = vector.broadcast %get3A_7 : vector<1x128xf32> to vector<512x128xf32>
    %add3A_211 = arith.addf %dot_general3A_209, %add3A_210 : vector<512x128xf32>
    %min3A_212 = arith.constant 0.000000e+00 : f32
    %min3A_213 = vector.broadcast %min3A_212 : f32 to vector<512x128xf32>
    %min3A_214 = arith.minimumf %add3A_211, %min3A_213 : vector<512x128xf32>
    %exp3A_215 = math.exp %min3A_214 : vector<512x128xf32>
    %sub3A_216 = arith.constant 1.000000e+00 : f32
    %sub3A_217 = vector.broadcast %sub3A_216 : f32 to vector<512x128xf32>
    %sub3A_218 = arith.subf %exp3A_215, %sub3A_217 : vector<512x128xf32>
    %max3A_219 = arith.maximumf %add3A_211, %sub3A_218 : vector<512x128xf32>
    %get3A_220 = arith.constant 0 : index
    %get3A_221 = arith.constant 6 : index
    %get3A_222 = vector.load %arg2[%get3A_220, %get3A_221] : memref<512x32xf32, #tpu.memory_space<vmem>>, vector<512x1xf32>
    %mul3A_223 = vector.broadcast %get3A_222 : vector<512x1xf32> to vector<512x128xf32>
    %mul3A_224 = arith.mulf %mul3A_223, %max3A_219 : vector<512x128xf32>
    %add3A_225 = arith.addf %add3A_193, %mul3A_224 : vector<512x128xf32>
    %get3A_226 = arith.constant 7 : index
    %get3A_227 = arith.constant 0 : index
    %get3A_228 = arith.constant 0 : index
    %get3A_229 = vector.load %arg1[%get3A_226, %get3A_227, %get3A_228] : memref<32x512x128xf32, #tpu.memory_space<vmem>>, vector<1x512x128xf32>
    %get3A_230 = vector.shape_cast %get3A_229 : vector<1x512x128xf32> to vector<512x128xf32>
    %add3A_231 = arith.addf %get3A_230, %get3A_1 : vector<512x128xf32>
    %min3A_232 = arith.constant 0.000000e+00 : f32
    %min3A_233 = vector.broadcast %min3A_232 : f32 to vector<512x128xf32>
    %min3A_234 = arith.minimumf %add3A_231, %min3A_233 : vector<512x128xf32>
    %exp3A_235 = math.exp %min3A_234 : vector<512x128xf32>
    %sub3A_236 = arith.constant 1.000000e+00 : f32
    %sub3A_237 = vector.broadcast %sub3A_236 : f32 to vector<512x128xf32>
    %sub3A_238 = arith.subf %exp3A_235, %sub3A_237 : vector<512x128xf32>
    %max3A_239 = arith.maximumf %add3A_231, %sub3A_238 : vector<512x128xf32>
    %dot_general3A_240 = arith.constant dense<0.000000e+00> : vector<512x128xf32>
    %dot_general3A_241 = tpu.matmul %max3A_239, %get3A_4, %dot_general3A_240 {dimension_numbers = #tpu.dot_dimension_numbers<[1], [0], [0], [1], [0, 0, 1, 1], [], []>, transpose_lhs_hint = false} : vector<512x128xf32>, vector<128x128xf32>, vector<512x128xf32> -> vector<512x128xf32>
    %add3A_242 = vector.broadcast %get3A_7 : vector<1x128xf32> to vector<512x128xf32>
    %add3A_243 = arith.addf %dot_general3A_241, %add3A_242 : vector<512x128xf32>
    %min3A_244 = arith.constant 0.000000e+00 : f32
    %min3A_245 = vector.broadcast %min3A_244 : f32 to vector<512x128xf32>
    %min3A_246 = arith.minimumf %add3A_243, %min3A_245 : vector<512x128xf32>
    %exp3A_247 = math.exp %min3A_246 : vector<512x128xf32>
    %sub3A_248 = arith.constant 1.000000e+00 : f32
    %sub3A_249 = vector.broadcast %sub3A_248 : f32 to vector<512x128xf32>
    %sub3A_250 = arith.subf %exp3A_247, %sub3A_249 : vector<512x128xf32>
    %max3A_251 = arith.maximumf %add3A_243, %sub3A_250 : vector<512x128xf32>
    %get3A_252 = arith.constant 0 : index
    %get3A_253 = arith.constant 7 : index
    %get3A_254 = vector.load %arg2[%get3A_252, %get3A_253] : memref<512x32xf32, #tpu.memory_space<vmem>>, vector<512x1xf32>
    %mul3A_255 = vector.broadcast %get3A_254 : vector<512x1xf32> to vector<512x128xf32>
    %mul3A_256 = arith.mulf %mul3A_255, %max3A_251 : vector<512x128xf32>
    %add3A_257 = arith.addf %add3A_225, %mul3A_256 : vector<512x128xf32>
    %get3A_258 = arith.constant 8 : index
    %get3A_259 = arith.constant 0 : index
    %get3A_260 = arith.constant 0 : index
    %get3A_261 = vector.load %arg1[%get3A_258, %get3A_259, %get3A_260] : memref<32x512x128xf32, #tpu.memory_space<vmem>>, vector<1x512x128xf32>
    %get3A_262 = vector.shape_cast %get3A_261 : vector<1x512x128xf32> to vector<512x128xf32>
    %add3A_263 = arith.addf %get3A_262, %get3A_1 : vector<512x128xf32>
    %min3A_264 = arith.constant 0.000000e+00 : f32
    %min3A_265 = vector.broadcast %min3A_264 : f32 to vector<512x128xf32>
    %min3A_266 = arith.minimumf %add3A_263, %min3A_265 : vector<512x128xf32>
    %exp3A_267 = math.exp %min3A_266 : vector<512x128xf32>
    %sub3A_268 = arith.constant 1.000000e+00 : f32
    %sub3A_269 = vector.broadcast %sub3A_268 : f32 to vector<512x128xf32>
    %sub3A_270 = arith.subf %exp3A_267, %sub3A_269 : vector<512x128xf32>
    %max3A_271 = arith.maximumf %add3A_263, %sub3A_270 : vector<512x128xf32>
    %dot_general3A_272 = arith.constant dense<0.000000e+00> : vector<512x128xf32>
    %dot_general3A_273 = tpu.matmul %max3A_271, %get3A_4, %dot_general3A_272 {dimension_numbers = #tpu.dot_dimension_numbers<[1], [0], [0], [1], [0, 0, 1, 1], [], []>, transpose_lhs_hint = false} : vector<512x128xf32>, vector<128x128xf32>, vector<512x128xf32> -> vector<512x128xf32>
    %add3A_274 = vector.broadcast %get3A_7 : vector<1x128xf32> to vector<512x128xf32>
    %add3A_275 = arith.addf %dot_general3A_273, %add3A_274 : vector<512x128xf32>
    %min3A_276 = arith.constant 0.000000e+00 : f32
    %min3A_277 = vector.broadcast %min3A_276 : f32 to vector<512x128xf32>
    %min3A_278 = arith.minimumf %add3A_275, %min3A_277 : vector<512x128xf32>
    %exp3A_279 = math.exp %min3A_278 : vector<512x128xf32>
    %sub3A_280 = arith.constant 1.000000e+00 : f32
    %sub3A_281 = vector.broadcast %sub3A_280 : f32 to vector<512x128xf32>
    %sub3A_282 = arith.subf %exp3A_279, %sub3A_281 : vector<512x128xf32>
    %max3A_283 = arith.maximumf %add3A_275, %sub3A_282 : vector<512x128xf32>
    %get3A_284 = arith.constant 0 : index
    %get3A_285 = arith.constant 8 : index
    %get3A_286 = vector.load %arg2[%get3A_284, %get3A_285] : memref<512x32xf32, #tpu.memory_space<vmem>>, vector<512x1xf32>
    %mul3A_287 = vector.broadcast %get3A_286 : vector<512x1xf32> to vector<512x128xf32>
    %mul3A_288 = arith.mulf %mul3A_287, %max3A_283 : vector<512x128xf32>
    %add3A_289 = arith.addf %add3A_257, %mul3A_288 : vector<512x128xf32>
    %get3A_290 = arith.constant 9 : index
    %get3A_291 = arith.constant 0 : index
    %get3A_292 = arith.constant 0 : index
    %get3A_293 = vector.load %arg1[%get3A_290, %get3A_291, %get3A_292] : memref<32x512x128xf32, #tpu.memory_space<vmem>>, vector<1x512x128xf32>
    %get3A_294 = vector.shape_cast %get3A_293 : vector<1x512x128xf32> to vector<512x128xf32>
    %add3A_295 = arith.addf %get3A_294, %get3A_1 : vector<512x128xf32>
    %min3A_296 = arith.constant 0.000000e+00 : f32
    %min3A_297 = vector.broadcast %min3A_296 : f32 to vector<512x128xf32>
    %min3A_298 = arith.minimumf %add3A_295, %min3A_297 : vector<512x128xf32>
    %exp3A_299 = math.exp %min3A_298 : vector<512x128xf32>
    %sub3A_300 = arith.constant 1.000000e+00 : f32
    %sub3A_301 = vector.broadcast %sub3A_300 : f32 to vector<512x128xf32>
    %sub3A_302 = arith.subf %exp3A_299, %sub3A_301 : vector<512x128xf32>
    %max3A_303 = arith.maximumf %add3A_295, %sub3A_302 : vector<512x128xf32>
    %dot_general3A_304 = arith.constant dense<0.000000e+00> : vector<512x128xf32>
    %dot_general3A_305 = tpu.matmul %max3A_303, %get3A_4, %dot_general3A_304 {dimension_numbers = #tpu.dot_dimension_numbers<[1], [0], [0], [1], [0, 0, 1, 1], [], []>, transpose_lhs_hint = false} : vector<512x128xf32>, vector<128x128xf32>, vector<512x128xf32> -> vector<512x128xf32>
    %add3A_306 = vector.broadcast %get3A_7 : vector<1x128xf32> to vector<512x128xf32>
    %add3A_307 = arith.addf %dot_general3A_305, %add3A_306 : vector<512x128xf32>
    %min3A_308 = arith.constant 0.000000e+00 : f32
    %min3A_309 = vector.broadcast %min3A_308 : f32 to vector<512x128xf32>
    %min3A_310 = arith.minimumf %add3A_307, %min3A_309 : vector<512x128xf32>
    %exp3A_311 = math.exp %min3A_310 : vector<512x128xf32>
    %sub3A_312 = arith.constant 1.000000e+00 : f32
    %sub3A_313 = vector.broadcast %sub3A_312 : f32 to vector<512x128xf32>
    %sub3A_314 = arith.subf %exp3A_311, %sub3A_313 : vector<512x128xf32>
    %max3A_315 = arith.maximumf %add3A_307, %sub3A_314 : vector<512x128xf32>
    %get3A_316 = arith.constant 0 : index
    %get3A_317 = arith.constant 9 : index
    %get3A_318 = vector.load %arg2[%get3A_316, %get3A_317] : memref<512x32xf32, #tpu.memory_space<vmem>>, vector<512x1xf32>
    %mul3A_319 = vector.broadcast %get3A_318 : vector<512x1xf32> to vector<512x128xf32>
    %mul3A_320 = arith.mulf %mul3A_319, %max3A_315 : vector<512x128xf32>
    %add3A_321 = arith.addf %add3A_289, %mul3A_320 : vector<512x128xf32>
    %get3A_322 = arith.constant 10 : index
    %get3A_323 = arith.constant 0 : index
    %get3A_324 = arith.constant 0 : index
    %get3A_325 = vector.load %arg1[%get3A_322, %get3A_323, %get3A_324] : memref<32x512x128xf32, #tpu.memory_space<vmem>>, vector<1x512x128xf32>
    %get3A_326 = vector.shape_cast %get3A_325 : vector<1x512x128xf32> to vector<512x128xf32>
    %add3A_327 = arith.addf %get3A_326, %get3A_1 : vector<512x128xf32>
    %min3A_328 = arith.constant 0.000000e+00 : f32
    %min3A_329 = vector.broadcast %min3A_328 : f32 to vector<512x128xf32>
    %min3A_330 = arith.minimumf %add3A_327, %min3A_329 : vector<512x128xf32>
    %exp3A_331 = math.exp %min3A_330 : vector<512x128xf32>
    %sub3A_332 = arith.constant 1.000000e+00 : f32
    %sub3A_333 = vector.broadcast %sub3A_332 : f32 to vector<512x128xf32>
    %sub3A_334 = arith.subf %exp3A_331, %sub3A_333 : vector<512x128xf32>
    %max3A_335 = arith.maximumf %add3A_327, %sub3A_334 : vector<512x128xf32>
    %dot_general3A_336 = arith.constant dense<0.000000e+00> : vector<512x128xf32>
    %dot_general3A_337 = tpu.matmul %max3A_335, %get3A_4, %dot_general3A_336 {dimension_numbers = #tpu.dot_dimension_numbers<[1], [0], [0], [1], [0, 0, 1, 1], [], []>, transpose_lhs_hint = false} : vector<512x128xf32>, vector<128x128xf32>, vector<512x128xf32> -> vector<512x128xf32>
    %add3A_338 = vector.broadcast %get3A_7 : vector<1x128xf32> to vector<512x128xf32>
    %add3A_339 = arith.addf %dot_general3A_337, %add3A_338 : vector<512x128xf32>
    %min3A_340 = arith.constant 0.000000e+00 : f32
    %min3A_341 = vector.broadcast %min3A_340 : f32 to vector<512x128xf32>
    %min3A_342 = arith.minimumf %add3A_339, %min3A_341 : vector<512x128xf32>
    %exp3A_343 = math.exp %min3A_342 : vector<512x128xf32>
    %sub3A_344 = arith.constant 1.000000e+00 : f32
    %sub3A_345 = vector.broadcast %sub3A_344 : f32 to vector<512x128xf32>
    %sub3A_346 = arith.subf %exp3A_343, %sub3A_345 : vector<512x128xf32>
    %max3A_347 = arith.maximumf %add3A_339, %sub3A_346 : vector<512x128xf32>
    %get3A_348 = arith.constant 0 : index
    %get3A_349 = arith.constant 10 : index
    %get3A_350 = vector.load %arg2[%get3A_348, %get3A_349] : memref<512x32xf32, #tpu.memory_space<vmem>>, vector<512x1xf32>
    %mul3A_351 = vector.broadcast %get3A_350 : vector<512x1xf32> to vector<512x128xf32>
    %mul3A_352 = arith.mulf %mul3A_351, %max3A_347 : vector<512x128xf32>
    %add3A_353 = arith.addf %add3A_321, %mul3A_352 : vector<512x128xf32>
    %get3A_354 = arith.constant 11 : index
    %get3A_355 = arith.constant 0 : index
    %get3A_356 = arith.constant 0 : index
    %get3A_357 = vector.load %arg1[%get3A_354, %get3A_355, %get3A_356] : memref<32x512x128xf32, #tpu.memory_space<vmem>>, vector<1x512x128xf32>
    %get3A_358 = vector.shape_cast %get3A_357 : vector<1x512x128xf32> to vector<512x128xf32>
    %add3A_359 = arith.addf %get3A_358, %get3A_1 : vector<512x128xf32>
    %min3A_360 = arith.constant 0.000000e+00 : f32
    %min3A_361 = vector.broadcast %min3A_360 : f32 to vector<512x128xf32>
    %min3A_362 = arith.minimumf %add3A_359, %min3A_361 : vector<512x128xf32>
    %exp3A_363 = math.exp %min3A_362 : vector<512x128xf32>
    %sub3A_364 = arith.constant 1.000000e+00 : f32
    %sub3A_365 = vector.broadcast %sub3A_364 : f32 to vector<512x128xf32>
    %sub3A_366 = arith.subf %exp3A_363, %sub3A_365 : vector<512x128xf32>
    %max3A_367 = arith.maximumf %add3A_359, %sub3A_366 : vector<512x128xf32>
    %dot_general3A_368 = arith.constant dense<0.000000e+00> : vector<512x128xf32>
    %dot_general3A_369 = tpu.matmul %max3A_367, %get3A_4, %dot_general3A_368 {dimension_numbers = #tpu.dot_dimension_numbers<[1], [0], [0], [1], [0, 0, 1, 1], [], []>, transpose_lhs_hint = false} : vector<512x128xf32>, vector<128x128xf32>, vector<512x128xf32> -> vector<512x128xf32>
    %add3A_370 = vector.broadcast %get3A_7 : vector<1x128xf32> to vector<512x128xf32>
    %add3A_371 = arith.addf %dot_general3A_369, %add3A_370 : vector<512x128xf32>
    %min3A_372 = arith.constant 0.000000e+00 : f32
    %min3A_373 = vector.broadcast %min3A_372 : f32 to vector<512x128xf32>
    %min3A_374 = arith.minimumf %add3A_371, %min3A_373 : vector<512x128xf32>
    %exp3A_375 = math.exp %min3A_374 : vector<512x128xf32>
    %sub3A_376 = arith.constant 1.000000e+00 : f32
    %sub3A_377 = vector.broadcast %sub3A_376 : f32 to vector<512x128xf32>
    %sub3A_378 = arith.subf %exp3A_375, %sub3A_377 : vector<512x128xf32>
    %max3A_379 = arith.maximumf %add3A_371, %sub3A_378 : vector<512x128xf32>
    %get3A_380 = arith.constant 0 : index
    %get3A_381 = arith.constant 11 : index
    %get3A_382 = vector.load %arg2[%get3A_380, %get3A_381] : memref<512x32xf32, #tpu.memory_space<vmem>>, vector<512x1xf32>
    %mul3A_383 = vector.broadcast %get3A_382 : vector<512x1xf32> to vector<512x128xf32>
    %mul3A_384 = arith.mulf %mul3A_383, %max3A_379 : vector<512x128xf32>
    %add3A_385 = arith.addf %add3A_353, %mul3A_384 : vector<512x128xf32>
    %get3A_386 = arith.constant 12 : index
    %get3A_387 = arith.constant 0 : index
    %get3A_388 = arith.constant 0 : index
    %get3A_389 = vector.load %arg1[%get3A_386, %get3A_387, %get3A_388] : memref<32x512x128xf32, #tpu.memory_space<vmem>>, vector<1x512x128xf32>
    %get3A_390 = vector.shape_cast %get3A_389 : vector<1x512x128xf32> to vector<512x128xf32>
    %add3A_391 = arith.addf %get3A_390, %get3A_1 : vector<512x128xf32>
    %min3A_392 = arith.constant 0.000000e+00 : f32
    %min3A_393 = vector.broadcast %min3A_392 : f32 to vector<512x128xf32>
    %min3A_394 = arith.minimumf %add3A_391, %min3A_393 : vector<512x128xf32>
    %exp3A_395 = math.exp %min3A_394 : vector<512x128xf32>
    %sub3A_396 = arith.constant 1.000000e+00 : f32
    %sub3A_397 = vector.broadcast %sub3A_396 : f32 to vector<512x128xf32>
    %sub3A_398 = arith.subf %exp3A_395, %sub3A_397 : vector<512x128xf32>
    %max3A_399 = arith.maximumf %add3A_391, %sub3A_398 : vector<512x128xf32>
    %dot_general3A_400 = arith.constant dense<0.000000e+00> : vector<512x128xf32>
    %dot_general3A_401 = tpu.matmul %max3A_399, %get3A_4, %dot_general3A_400 {dimension_numbers = #tpu.dot_dimension_numbers<[1], [0], [0], [1], [0, 0, 1, 1], [], []>, transpose_lhs_hint = false} : vector<512x128xf32>, vector<128x128xf32>, vector<512x128xf32> -> vector<512x128xf32>
    %add3A_402 = vector.broadcast %get3A_7 : vector<1x128xf32> to vector<512x128xf32>
    %add3A_403 = arith.addf %dot_general3A_401, %add3A_402 : vector<512x128xf32>
    %min3A_404 = arith.constant 0.000000e+00 : f32
    %min3A_405 = vector.broadcast %min3A_404 : f32 to vector<512x128xf32>
    %min3A_406 = arith.minimumf %add3A_403, %min3A_405 : vector<512x128xf32>
    %exp3A_407 = math.exp %min3A_406 : vector<512x128xf32>
    %sub3A_408 = arith.constant 1.000000e+00 : f32
    %sub3A_409 = vector.broadcast %sub3A_408 : f32 to vector<512x128xf32>
    %sub3A_410 = arith.subf %exp3A_407, %sub3A_409 : vector<512x128xf32>
    %max3A_411 = arith.maximumf %add3A_403, %sub3A_410 : vector<512x128xf32>
    %get3A_412 = arith.constant 0 : index
    %get3A_413 = arith.constant 12 : index
    %get3A_414 = vector.load %arg2[%get3A_412, %get3A_413] : memref<512x32xf32, #tpu.memory_space<vmem>>, vector<512x1xf32>
    %mul3A_415 = vector.broadcast %get3A_414 : vector<512x1xf32> to vector<512x128xf32>
    %mul3A_416 = arith.mulf %mul3A_415, %max3A_411 : vector<512x128xf32>
    %add3A_417 = arith.addf %add3A_385, %mul3A_416 : vector<512x128xf32>
    %get3A_418 = arith.constant 13 : index
    %get3A_419 = arith.constant 0 : index
    %get3A_420 = arith.constant 0 : index
    %get3A_421 = vector.load %arg1[%get3A_418, %get3A_419, %get3A_420] : memref<32x512x128xf32, #tpu.memory_space<vmem>>, vector<1x512x128xf32>
    %get3A_422 = vector.shape_cast %get3A_421 : vector<1x512x128xf32> to vector<512x128xf32>
    %add3A_423 = arith.addf %get3A_422, %get3A_1 : vector<512x128xf32>
    %min3A_424 = arith.constant 0.000000e+00 : f32
    %min3A_425 = vector.broadcast %min3A_424 : f32 to vector<512x128xf32>
    %min3A_426 = arith.minimumf %add3A_423, %min3A_425 : vector<512x128xf32>
    %exp3A_427 = math.exp %min3A_426 : vector<512x128xf32>
    %sub3A_428 = arith.constant 1.000000e+00 : f32
    %sub3A_429 = vector.broadcast %sub3A_428 : f32 to vector<512x128xf32>
    %sub3A_430 = arith.subf %exp3A_427, %sub3A_429 : vector<512x128xf32>
    %max3A_431 = arith.maximumf %add3A_423, %sub3A_430 : vector<512x128xf32>
    %dot_general3A_432 = arith.constant dense<0.000000e+00> : vector<512x128xf32>
    %dot_general3A_433 = tpu.matmul %max3A_431, %get3A_4, %dot_general3A_432 {dimension_numbers = #tpu.dot_dimension_numbers<[1], [0], [0], [1], [0, 0, 1, 1], [], []>, transpose_lhs_hint = false} : vector<512x128xf32>, vector<128x128xf32>, vector<512x128xf32> -> vector<512x128xf32>
    %add3A_434 = vector.broadcast %get3A_7 : vector<1x128xf32> to vector<512x128xf32>
    %add3A_435 = arith.addf %dot_general3A_433, %add3A_434 : vector<512x128xf32>
    %min3A_436 = arith.constant 0.000000e+00 : f32
    %min3A_437 = vector.broadcast %min3A_436 : f32 to vector<512x128xf32>
    %min3A_438 = arith.minimumf %add3A_435, %min3A_437 : vector<512x128xf32>
    %exp3A_439 = math.exp %min3A_438 : vector<512x128xf32>
    %sub3A_440 = arith.constant 1.000000e+00 : f32
    %sub3A_441 = vector.broadcast %sub3A_440 : f32 to vector<512x128xf32>
    %sub3A_442 = arith.subf %exp3A_439, %sub3A_441 : vector<512x128xf32>
    %max3A_443 = arith.maximumf %add3A_435, %sub3A_442 : vector<512x128xf32>
    %get3A_444 = arith.constant 0 : index
    %get3A_445 = arith.constant 13 : index
    %get3A_446 = vector.load %arg2[%get3A_444, %get3A_445] : memref<512x32xf32, #tpu.memory_space<vmem>>, vector<512x1xf32>
    %mul3A_447 = vector.broadcast %get3A_446 : vector<512x1xf32> to vector<512x128xf32>
    %mul3A_448 = arith.mulf %mul3A_447, %max3A_443 : vector<512x128xf32>
    %add3A_449 = arith.addf %add3A_417, %mul3A_448 : vector<512x128xf32>
    %get3A_450 = arith.constant 14 : index
    %get3A_451 = arith.constant 0 : index
    %get3A_452 = arith.constant 0 : index
    %get3A_453 = vector.load %arg1[%get3A_450, %get3A_451, %get3A_452] : memref<32x512x128xf32, #tpu.memory_space<vmem>>, vector<1x512x128xf32>
    %get3A_454 = vector.shape_cast %get3A_453 : vector<1x512x128xf32> to vector<512x128xf32>
    %add3A_455 = arith.addf %get3A_454, %get3A_1 : vector<512x128xf32>
    %min3A_456 = arith.constant 0.000000e+00 : f32
    %min3A_457 = vector.broadcast %min3A_456 : f32 to vector<512x128xf32>
    %min3A_458 = arith.minimumf %add3A_455, %min3A_457 : vector<512x128xf32>
    %exp3A_459 = math.exp %min3A_458 : vector<512x128xf32>
    %sub3A_460 = arith.constant 1.000000e+00 : f32
    %sub3A_461 = vector.broadcast %sub3A_460 : f32 to vector<512x128xf32>
    %sub3A_462 = arith.subf %exp3A_459, %sub3A_461 : vector<512x128xf32>
    %max3A_463 = arith.maximumf %add3A_455, %sub3A_462 : vector<512x128xf32>
    %dot_general3A_464 = arith.constant dense<0.000000e+00> : vector<512x128xf32>
    %dot_general3A_465 = tpu.matmul %max3A_463, %get3A_4, %dot_general3A_464 {dimension_numbers = #tpu.dot_dimension_numbers<[1], [0], [0], [1], [0, 0, 1, 1], [], []>, transpose_lhs_hint = false} : vector<512x128xf32>, vector<128x128xf32>, vector<512x128xf32> -> vector<512x128xf32>
    %add3A_466 = vector.broadcast %get3A_7 : vector<1x128xf32> to vector<512x128xf32>
    %add3A_467 = arith.addf %dot_general3A_465, %add3A_466 : vector<512x128xf32>
    %min3A_468 = arith.constant 0.000000e+00 : f32
    %min3A_469 = vector.broadcast %min3A_468 : f32 to vector<512x128xf32>
    %min3A_470 = arith.minimumf %add3A_467, %min3A_469 : vector<512x128xf32>
    %exp3A_471 = math.exp %min3A_470 : vector<512x128xf32>
    %sub3A_472 = arith.constant 1.000000e+00 : f32
    %sub3A_473 = vector.broadcast %sub3A_472 : f32 to vector<512x128xf32>
    %sub3A_474 = arith.subf %exp3A_471, %sub3A_473 : vector<512x128xf32>
    %max3A_475 = arith.maximumf %add3A_467, %sub3A_474 : vector<512x128xf32>
    %get3A_476 = arith.constant 0 : index
    %get3A_477 = arith.constant 14 : index
    %get3A_478 = vector.load %arg2[%get3A_476, %get3A_477] : memref<512x32xf32, #tpu.memory_space<vmem>>, vector<512x1xf32>
    %mul3A_479 = vector.broadcast %get3A_478 : vector<512x1xf32> to vector<512x128xf32>
    %mul3A_480 = arith.mulf %mul3A_479, %max3A_475 : vector<512x128xf32>
    %add3A_481 = arith.addf %add3A_449, %mul3A_480 : vector<512x128xf32>
    %get3A_482 = arith.constant 15 : index
    %get3A_483 = arith.constant 0 : index
    %get3A_484 = arith.constant 0 : index
    %get3A_485 = vector.load %arg1[%get3A_482, %get3A_483, %get3A_484] : memref<32x512x128xf32, #tpu.memory_space<vmem>>, vector<1x512x128xf32>
    %get3A_486 = vector.shape_cast %get3A_485 : vector<1x512x128xf32> to vector<512x128xf32>
    %add3A_487 = arith.addf %get3A_486, %get3A_1 : vector<512x128xf32>
    %min3A_488 = arith.constant 0.000000e+00 : f32
    %min3A_489 = vector.broadcast %min3A_488 : f32 to vector<512x128xf32>
    %min3A_490 = arith.minimumf %add3A_487, %min3A_489 : vector<512x128xf32>
    %exp3A_491 = math.exp %min3A_490 : vector<512x128xf32>
    %sub3A_492 = arith.constant 1.000000e+00 : f32
    %sub3A_493 = vector.broadcast %sub3A_492 : f32 to vector<512x128xf32>
    %sub3A_494 = arith.subf %exp3A_491, %sub3A_493 : vector<512x128xf32>
    %max3A_495 = arith.maximumf %add3A_487, %sub3A_494 : vector<512x128xf32>
    %dot_general3A_496 = arith.constant dense<0.000000e+00> : vector<512x128xf32>
    %dot_general3A_497 = tpu.matmul %max3A_495, %get3A_4, %dot_general3A_496 {dimension_numbers = #tpu.dot_dimension_numbers<[1], [0], [0], [1], [0, 0, 1, 1], [], []>, transpose_lhs_hint = false} : vector<512x128xf32>, vector<128x128xf32>, vector<512x128xf32> -> vector<512x128xf32>
    %add3A_498 = vector.broadcast %get3A_7 : vector<1x128xf32> to vector<512x128xf32>
    %add3A_499 = arith.addf %dot_general3A_497, %add3A_498 : vector<512x128xf32>
    %min3A_500 = arith.constant 0.000000e+00 : f32
    %min3A_501 = vector.broadcast %min3A_500 : f32 to vector<512x128xf32>
    %min3A_502 = arith.minimumf %add3A_499, %min3A_501 : vector<512x128xf32>
    %exp3A_503 = math.exp %min3A_502 : vector<512x128xf32>
    %sub3A_504 = arith.constant 1.000000e+00 : f32
    %sub3A_505 = vector.broadcast %sub3A_504 : f32 to vector<512x128xf32>
    %sub3A_506 = arith.subf %exp3A_503, %sub3A_505 : vector<512x128xf32>
    %max3A_507 = arith.maximumf %add3A_499, %sub3A_506 : vector<512x128xf32>
    %get3A_508 = arith.constant 0 : index
    %get3A_509 = arith.constant 15 : index
    %get3A_510 = vector.load %arg2[%get3A_508, %get3A_509] : memref<512x32xf32, #tpu.memory_space<vmem>>, vector<512x1xf32>
    %mul3A_511 = vector.broadcast %get3A_510 : vector<512x1xf32> to vector<512x128xf32>
    %mul3A_512 = arith.mulf %mul3A_511, %max3A_507 : vector<512x128xf32>
    %add3A_513 = arith.addf %add3A_481, %mul3A_512 : vector<512x128xf32>
    %get3A_514 = arith.constant 16 : index
    %get3A_515 = arith.constant 0 : index
    %get3A_516 = arith.constant 0 : index
    %get3A_517 = vector.load %arg1[%get3A_514, %get3A_515, %get3A_516] : memref<32x512x128xf32, #tpu.memory_space<vmem>>, vector<1x512x128xf32>
    %get3A_518 = vector.shape_cast %get3A_517 : vector<1x512x128xf32> to vector<512x128xf32>
    %add3A_519 = arith.addf %get3A_518, %get3A_1 : vector<512x128xf32>
    %min3A_520 = arith.constant 0.000000e+00 : f32
    %min3A_521 = vector.broadcast %min3A_520 : f32 to vector<512x128xf32>
    %min3A_522 = arith.minimumf %add3A_519, %min3A_521 : vector<512x128xf32>
    %exp3A_523 = math.exp %min3A_522 : vector<512x128xf32>
    %sub3A_524 = arith.constant 1.000000e+00 : f32
    %sub3A_525 = vector.broadcast %sub3A_524 : f32 to vector<512x128xf32>
    %sub3A_526 = arith.subf %exp3A_523, %sub3A_525 : vector<512x128xf32>
    %max3A_527 = arith.maximumf %add3A_519, %sub3A_526 : vector<512x128xf32>
    %dot_general3A_528 = arith.constant dense<0.000000e+00> : vector<512x128xf32>
    %dot_general3A_529 = tpu.matmul %max3A_527, %get3A_4, %dot_general3A_528 {dimension_numbers = #tpu.dot_dimension_numbers<[1], [0], [0], [1], [0, 0, 1, 1], [], []>, transpose_lhs_hint = false} : vector<512x128xf32>, vector<128x128xf32>, vector<512x128xf32> -> vector<512x128xf32>
    %add3A_530 = vector.broadcast %get3A_7 : vector<1x128xf32> to vector<512x128xf32>
    %add3A_531 = arith.addf %dot_general3A_529, %add3A_530 : vector<512x128xf32>
    %min3A_532 = arith.constant 0.000000e+00 : f32
    %min3A_533 = vector.broadcast %min3A_532 : f32 to vector<512x128xf32>
    %min3A_534 = arith.minimumf %add3A_531, %min3A_533 : vector<512x128xf32>
    %exp3A_535 = math.exp %min3A_534 : vector<512x128xf32>
    %sub3A_536 = arith.constant 1.000000e+00 : f32
    %sub3A_537 = vector.broadcast %sub3A_536 : f32 to vector<512x128xf32>
    %sub3A_538 = arith.subf %exp3A_535, %sub3A_537 : vector<512x128xf32>
    %max3A_539 = arith.maximumf %add3A_531, %sub3A_538 : vector<512x128xf32>
    %get3A_540 = arith.constant 0 : index
    %get3A_541 = arith.constant 16 : index
    %get3A_542 = vector.load %arg2[%get3A_540, %get3A_541] : memref<512x32xf32, #tpu.memory_space<vmem>>, vector<512x1xf32>
    %mul3A_543 = vector.broadcast %get3A_542 : vector<512x1xf32> to vector<512x128xf32>
    %mul3A_544 = arith.mulf %mul3A_543, %max3A_539 : vector<512x128xf32>
    %add3A_545 = arith.addf %add3A_513, %mul3A_544 : vector<512x128xf32>
    %get3A_546 = arith.constant 17 : index
    %get3A_547 = arith.constant 0 : index
    %get3A_548 = arith.constant 0 : index
    %get3A_549 = vector.load %arg1[%get3A_546, %get3A_547, %get3A_548] : memref<32x512x128xf32, #tpu.memory_space<vmem>>, vector<1x512x128xf32>
    %get3A_550 = vector.shape_cast %get3A_549 : vector<1x512x128xf32> to vector<512x128xf32>
    %add3A_551 = arith.addf %get3A_550, %get3A_1 : vector<512x128xf32>
    %min3A_552 = arith.constant 0.000000e+00 : f32
    %min3A_553 = vector.broadcast %min3A_552 : f32 to vector<512x128xf32>
    %min3A_554 = arith.minimumf %add3A_551, %min3A_553 : vector<512x128xf32>
    %exp3A_555 = math.exp %min3A_554 : vector<512x128xf32>
    %sub3A_556 = arith.constant 1.000000e+00 : f32
    %sub3A_557 = vector.broadcast %sub3A_556 : f32 to vector<512x128xf32>
    %sub3A_558 = arith.subf %exp3A_555, %sub3A_557 : vector<512x128xf32>
    %max3A_559 = arith.maximumf %add3A_551, %sub3A_558 : vector<512x128xf32>
    %dot_general3A_560 = arith.constant dense<0.000000e+00> : vector<512x128xf32>
    %dot_general3A_561 = tpu.matmul %max3A_559, %get3A_4, %dot_general3A_560 {dimension_numbers = #tpu.dot_dimension_numbers<[1], [0], [0], [1], [0, 0, 1, 1], [], []>, transpose_lhs_hint = false} : vector<512x128xf32>, vector<128x128xf32>, vector<512x128xf32> -> vector<512x128xf32>
    %add3A_562 = vector.broadcast %get3A_7 : vector<1x128xf32> to vector<512x128xf32>
    %add3A_563 = arith.addf %dot_general3A_561, %add3A_562 : vector<512x128xf32>
    %min3A_564 = arith.constant 0.000000e+00 : f32
    %min3A_565 = vector.broadcast %min3A_564 : f32 to vector<512x128xf32>
    %min3A_566 = arith.minimumf %add3A_563, %min3A_565 : vector<512x128xf32>
    %exp3A_567 = math.exp %min3A_566 : vector<512x128xf32>
    %sub3A_568 = arith.constant 1.000000e+00 : f32
    %sub3A_569 = vector.broadcast %sub3A_568 : f32 to vector<512x128xf32>
    %sub3A_570 = arith.subf %exp3A_567, %sub3A_569 : vector<512x128xf32>
    %max3A_571 = arith.maximumf %add3A_563, %sub3A_570 : vector<512x128xf32>
    %get3A_572 = arith.constant 0 : index
    %get3A_573 = arith.constant 17 : index
    %get3A_574 = vector.load %arg2[%get3A_572, %get3A_573] : memref<512x32xf32, #tpu.memory_space<vmem>>, vector<512x1xf32>
    %mul3A_575 = vector.broadcast %get3A_574 : vector<512x1xf32> to vector<512x128xf32>
    %mul3A_576 = arith.mulf %mul3A_575, %max3A_571 : vector<512x128xf32>
    %add3A_577 = arith.addf %add3A_545, %mul3A_576 : vector<512x128xf32>
    %get3A_578 = arith.constant 18 : index
    %get3A_579 = arith.constant 0 : index
    %get3A_580 = arith.constant 0 : index
    %get3A_581 = vector.load %arg1[%get3A_578, %get3A_579, %get3A_580] : memref<32x512x128xf32, #tpu.memory_space<vmem>>, vector<1x512x128xf32>
    %get3A_582 = vector.shape_cast %get3A_581 : vector<1x512x128xf32> to vector<512x128xf32>
    %add3A_583 = arith.addf %get3A_582, %get3A_1 : vector<512x128xf32>
    %min3A_584 = arith.constant 0.000000e+00 : f32
    %min3A_585 = vector.broadcast %min3A_584 : f32 to vector<512x128xf32>
    %min3A_586 = arith.minimumf %add3A_583, %min3A_585 : vector<512x128xf32>
    %exp3A_587 = math.exp %min3A_586 : vector<512x128xf32>
    %sub3A_588 = arith.constant 1.000000e+00 : f32
    %sub3A_589 = vector.broadcast %sub3A_588 : f32 to vector<512x128xf32>
    %sub3A_590 = arith.subf %exp3A_587, %sub3A_589 : vector<512x128xf32>
    %max3A_591 = arith.maximumf %add3A_583, %sub3A_590 : vector<512x128xf32>
    %dot_general3A_592 = arith.constant dense<0.000000e+00> : vector<512x128xf32>
    %dot_general3A_593 = tpu.matmul %max3A_591, %get3A_4, %dot_general3A_592 {dimension_numbers = #tpu.dot_dimension_numbers<[1], [0], [0], [1], [0, 0, 1, 1], [], []>, transpose_lhs_hint = false} : vector<512x128xf32>, vector<128x128xf32>, vector<512x128xf32> -> vector<512x128xf32>
    %add3A_594 = vector.broadcast %get3A_7 : vector<1x128xf32> to vector<512x128xf32>
    %add3A_595 = arith.addf %dot_general3A_593, %add3A_594 : vector<512x128xf32>
    %min3A_596 = arith.constant 0.000000e+00 : f32
    %min3A_597 = vector.broadcast %min3A_596 : f32 to vector<512x128xf32>
    %min3A_598 = arith.minimumf %add3A_595, %min3A_597 : vector<512x128xf32>
    %exp3A_599 = math.exp %min3A_598 : vector<512x128xf32>
    %sub3A_600 = arith.constant 1.000000e+00 : f32
    %sub3A_601 = vector.broadcast %sub3A_600 : f32 to vector<512x128xf32>
    %sub3A_602 = arith.subf %exp3A_599, %sub3A_601 : vector<512x128xf32>
    %max3A_603 = arith.maximumf %add3A_595, %sub3A_602 : vector<512x128xf32>
    %get3A_604 = arith.constant 0 : index
    %get3A_605 = arith.constant 18 : index
    %get3A_606 = vector.load %arg2[%get3A_604, %get3A_605] : memref<512x32xf32, #tpu.memory_space<vmem>>, vector<512x1xf32>
    %mul3A_607 = vector.broadcast %get3A_606 : vector<512x1xf32> to vector<512x128xf32>
    %mul3A_608 = arith.mulf %mul3A_607, %max3A_603 : vector<512x128xf32>
    %add3A_609 = arith.addf %add3A_577, %mul3A_608 : vector<512x128xf32>
    %get3A_610 = arith.constant 19 : index
    %get3A_611 = arith.constant 0 : index
    %get3A_612 = arith.constant 0 : index
    %get3A_613 = vector.load %arg1[%get3A_610, %get3A_611, %get3A_612] : memref<32x512x128xf32, #tpu.memory_space<vmem>>, vector<1x512x128xf32>
    %get3A_614 = vector.shape_cast %get3A_613 : vector<1x512x128xf32> to vector<512x128xf32>
    %add3A_615 = arith.addf %get3A_614, %get3A_1 : vector<512x128xf32>
    %min3A_616 = arith.constant 0.000000e+00 : f32
    %min3A_617 = vector.broadcast %min3A_616 : f32 to vector<512x128xf32>
    %min3A_618 = arith.minimumf %add3A_615, %min3A_617 : vector<512x128xf32>
    %exp3A_619 = math.exp %min3A_618 : vector<512x128xf32>
    %sub3A_620 = arith.constant 1.000000e+00 : f32
    %sub3A_621 = vector.broadcast %sub3A_620 : f32 to vector<512x128xf32>
    %sub3A_622 = arith.subf %exp3A_619, %sub3A_621 : vector<512x128xf32>
    %max3A_623 = arith.maximumf %add3A_615, %sub3A_622 : vector<512x128xf32>
    %dot_general3A_624 = arith.constant dense<0.000000e+00> : vector<512x128xf32>
    %dot_general3A_625 = tpu.matmul %max3A_623, %get3A_4, %dot_general3A_624 {dimension_numbers = #tpu.dot_dimension_numbers<[1], [0], [0], [1], [0, 0, 1, 1], [], []>, transpose_lhs_hint = false} : vector<512x128xf32>, vector<128x128xf32>, vector<512x128xf32> -> vector<512x128xf32>
    %add3A_626 = vector.broadcast %get3A_7 : vector<1x128xf32> to vector<512x128xf32>
    %add3A_627 = arith.addf %dot_general3A_625, %add3A_626 : vector<512x128xf32>
    %min3A_628 = arith.constant 0.000000e+00 : f32
    %min3A_629 = vector.broadcast %min3A_628 : f32 to vector<512x128xf32>
    %min3A_630 = arith.minimumf %add3A_627, %min3A_629 : vector<512x128xf32>
    %exp3A_631 = math.exp %min3A_630 : vector<512x128xf32>
    %sub3A_632 = arith.constant 1.000000e+00 : f32
    %sub3A_633 = vector.broadcast %sub3A_632 : f32 to vector<512x128xf32>
    %sub3A_634 = arith.subf %exp3A_631, %sub3A_633 : vector<512x128xf32>
    %max3A_635 = arith.maximumf %add3A_627, %sub3A_634 : vector<512x128xf32>
    %get3A_636 = arith.constant 0 : index
    %get3A_637 = arith.constant 19 : index
    %get3A_638 = vector.load %arg2[%get3A_636, %get3A_637] : memref<512x32xf32, #tpu.memory_space<vmem>>, vector<512x1xf32>
    %mul3A_639 = vector.broadcast %get3A_638 : vector<512x1xf32> to vector<512x128xf32>
    %mul3A_640 = arith.mulf %mul3A_639, %max3A_635 : vector<512x128xf32>
    %add3A_641 = arith.addf %add3A_609, %mul3A_640 : vector<512x128xf32>
    %get3A_642 = arith.constant 20 : index
    %get3A_643 = arith.constant 0 : index
    %get3A_644 = arith.constant 0 : index
    %get3A_645 = vector.load %arg1[%get3A_642, %get3A_643, %get3A_644] : memref<32x512x128xf32, #tpu.memory_space<vmem>>, vector<1x512x128xf32>
    %get3A_646 = vector.shape_cast %get3A_645 : vector<1x512x128xf32> to vector<512x128xf32>
    %add3A_647 = arith.addf %get3A_646, %get3A_1 : vector<512x128xf32>
    %min3A_648 = arith.constant 0.000000e+00 : f32
    %min3A_649 = vector.broadcast %min3A_648 : f32 to vector<512x128xf32>
    %min3A_650 = arith.minimumf %add3A_647, %min3A_649 : vector<512x128xf32>
    %exp3A_651 = math.exp %min3A_650 : vector<512x128xf32>
    %sub3A_652 = arith.constant 1.000000e+00 : f32
    %sub3A_653 = vector.broadcast %sub3A_652 : f32 to vector<512x128xf32>
    %sub3A_654 = arith.subf %exp3A_651, %sub3A_653 : vector<512x128xf32>
    %max3A_655 = arith.maximumf %add3A_647, %sub3A_654 : vector<512x128xf32>
    %dot_general3A_656 = arith.constant dense<0.000000e+00> : vector<512x128xf32>
    %dot_general3A_657 = tpu.matmul %max3A_655, %get3A_4, %dot_general3A_656 {dimension_numbers = #tpu.dot_dimension_numbers<[1], [0], [0], [1], [0, 0, 1, 1], [], []>, transpose_lhs_hint = false} : vector<512x128xf32>, vector<128x128xf32>, vector<512x128xf32> -> vector<512x128xf32>
    %add3A_658 = vector.broadcast %get3A_7 : vector<1x128xf32> to vector<512x128xf32>
    %add3A_659 = arith.addf %dot_general3A_657, %add3A_658 : vector<512x128xf32>
    %min3A_660 = arith.constant 0.000000e+00 : f32
    %min3A_661 = vector.broadcast %min3A_660 : f32 to vector<512x128xf32>
    %min3A_662 = arith.minimumf %add3A_659, %min3A_661 : vector<512x128xf32>
    %exp3A_663 = math.exp %min3A_662 : vector<512x128xf32>
    %sub3A_664 = arith.constant 1.000000e+00 : f32
    %sub3A_665 = vector.broadcast %sub3A_664 : f32 to vector<512x128xf32>
    %sub3A_666 = arith.subf %exp3A_663, %sub3A_665 : vector<512x128xf32>
    %max3A_667 = arith.maximumf %add3A_659, %sub3A_666 : vector<512x128xf32>
    %get3A_668 = arith.constant 0 : index
    %get3A_669 = arith.constant 20 : index
    %get3A_670 = vector.load %arg2[%get3A_668, %get3A_669] : memref<512x32xf32, #tpu.memory_space<vmem>>, vector<512x1xf32>
    %mul3A_671 = vector.broadcast %get3A_670 : vector<512x1xf32> to vector<512x128xf32>
    %mul3A_672 = arith.mulf %mul3A_671, %max3A_667 : vector<512x128xf32>
    %add3A_673 = arith.addf %add3A_641, %mul3A_672 : vector<512x128xf32>
    %get3A_674 = arith.constant 21 : index
    %get3A_675 = arith.constant 0 : index
    %get3A_676 = arith.constant 0 : index
    %get3A_677 = vector.load %arg1[%get3A_674, %get3A_675, %get3A_676] : memref<32x512x128xf32, #tpu.memory_space<vmem>>, vector<1x512x128xf32>
    %get3A_678 = vector.shape_cast %get3A_677 : vector<1x512x128xf32> to vector<512x128xf32>
    %add3A_679 = arith.addf %get3A_678, %get3A_1 : vector<512x128xf32>
    %min3A_680 = arith.constant 0.000000e+00 : f32
    %min3A_681 = vector.broadcast %min3A_680 : f32 to vector<512x128xf32>
    %min3A_682 = arith.minimumf %add3A_679, %min3A_681 : vector<512x128xf32>
    %exp3A_683 = math.exp %min3A_682 : vector<512x128xf32>
    %sub3A_684 = arith.constant 1.000000e+00 : f32
    %sub3A_685 = vector.broadcast %sub3A_684 : f32 to vector<512x128xf32>
    %sub3A_686 = arith.subf %exp3A_683, %sub3A_685 : vector<512x128xf32>
    %max3A_687 = arith.maximumf %add3A_679, %sub3A_686 : vector<512x128xf32>
    %dot_general3A_688 = arith.constant dense<0.000000e+00> : vector<512x128xf32>
    %dot_general3A_689 = tpu.matmul %max3A_687, %get3A_4, %dot_general3A_688 {dimension_numbers = #tpu.dot_dimension_numbers<[1], [0], [0], [1], [0, 0, 1, 1], [], []>, transpose_lhs_hint = false} : vector<512x128xf32>, vector<128x128xf32>, vector<512x128xf32> -> vector<512x128xf32>
    %add3A_690 = vector.broadcast %get3A_7 : vector<1x128xf32> to vector<512x128xf32>
    %add3A_691 = arith.addf %dot_general3A_689, %add3A_690 : vector<512x128xf32>
    %min3A_692 = arith.constant 0.000000e+00 : f32
    %min3A_693 = vector.broadcast %min3A_692 : f32 to vector<512x128xf32>
    %min3A_694 = arith.minimumf %add3A_691, %min3A_693 : vector<512x128xf32>
    %exp3A_695 = math.exp %min3A_694 : vector<512x128xf32>
    %sub3A_696 = arith.constant 1.000000e+00 : f32
    %sub3A_697 = vector.broadcast %sub3A_696 : f32 to vector<512x128xf32>
    %sub3A_698 = arith.subf %exp3A_695, %sub3A_697 : vector<512x128xf32>
    %max3A_699 = arith.maximumf %add3A_691, %sub3A_698 : vector<512x128xf32>
    %get3A_700 = arith.constant 0 : index
    %get3A_701 = arith.constant 21 : index
    %get3A_702 = vector.load %arg2[%get3A_700, %get3A_701] : memref<512x32xf32, #tpu.memory_space<vmem>>, vector<512x1xf32>
    %mul3A_703 = vector.broadcast %get3A_702 : vector<512x1xf32> to vector<512x128xf32>
    %mul3A_704 = arith.mulf %mul3A_703, %max3A_699 : vector<512x128xf32>
    %add3A_705 = arith.addf %add3A_673, %mul3A_704 : vector<512x128xf32>
    %get3A_706 = arith.constant 22 : index
    %get3A_707 = arith.constant 0 : index
    %get3A_708 = arith.constant 0 : index
    %get3A_709 = vector.load %arg1[%get3A_706, %get3A_707, %get3A_708] : memref<32x512x128xf32, #tpu.memory_space<vmem>>, vector<1x512x128xf32>
    %get3A_710 = vector.shape_cast %get3A_709 : vector<1x512x128xf32> to vector<512x128xf32>
    %add3A_711 = arith.addf %get3A_710, %get3A_1 : vector<512x128xf32>
    %min3A_712 = arith.constant 0.000000e+00 : f32
    %min3A_713 = vector.broadcast %min3A_712 : f32 to vector<512x128xf32>
    %min3A_714 = arith.minimumf %add3A_711, %min3A_713 : vector<512x128xf32>
    %exp3A_715 = math.exp %min3A_714 : vector<512x128xf32>
    %sub3A_716 = arith.constant 1.000000e+00 : f32
    %sub3A_717 = vector.broadcast %sub3A_716 : f32 to vector<512x128xf32>
    %sub3A_718 = arith.subf %exp3A_715, %sub3A_717 : vector<512x128xf32>
    %max3A_719 = arith.maximumf %add3A_711, %sub3A_718 : vector<512x128xf32>
    %dot_general3A_720 = arith.constant dense<0.000000e+00> : vector<512x128xf32>
    %dot_general3A_721 = tpu.matmul %max3A_719, %get3A_4, %dot_general3A_720 {dimension_numbers = #tpu.dot_dimension_numbers<[1], [0], [0], [1], [0, 0, 1, 1], [], []>, transpose_lhs_hint = false} : vector<512x128xf32>, vector<128x128xf32>, vector<512x128xf32> -> vector<512x128xf32>
    %add3A_722 = vector.broadcast %get3A_7 : vector<1x128xf32> to vector<512x128xf32>
    %add3A_723 = arith.addf %dot_general3A_721, %add3A_722 : vector<512x128xf32>
    %min3A_724 = arith.constant 0.000000e+00 : f32
    %min3A_725 = vector.broadcast %min3A_724 : f32 to vector<512x128xf32>
    %min3A_726 = arith.minimumf %add3A_723, %min3A_725 : vector<512x128xf32>
    %exp3A_727 = math.exp %min3A_726 : vector<512x128xf32>
    %sub3A_728 = arith.constant 1.000000e+00 : f32
    %sub3A_729 = vector.broadcast %sub3A_728 : f32 to vector<512x128xf32>
    %sub3A_730 = arith.subf %exp3A_727, %sub3A_729 : vector<512x128xf32>
    %max3A_731 = arith.maximumf %add3A_723, %sub3A_730 : vector<512x128xf32>
    %get3A_732 = arith.constant 0 : index
    %get3A_733 = arith.constant 22 : index
    %get3A_734 = vector.load %arg2[%get3A_732, %get3A_733] : memref<512x32xf32, #tpu.memory_space<vmem>>, vector<512x1xf32>
    %mul3A_735 = vector.broadcast %get3A_734 : vector<512x1xf32> to vector<512x128xf32>
    %mul3A_736 = arith.mulf %mul3A_735, %max3A_731 : vector<512x128xf32>
    %add3A_737 = arith.addf %add3A_705, %mul3A_736 : vector<512x128xf32>
    %get3A_738 = arith.constant 23 : index
    %get3A_739 = arith.constant 0 : index
    %get3A_740 = arith.constant 0 : index
    %get3A_741 = vector.load %arg1[%get3A_738, %get3A_739, %get3A_740] : memref<32x512x128xf32, #tpu.memory_space<vmem>>, vector<1x512x128xf32>
    %get3A_742 = vector.shape_cast %get3A_741 : vector<1x512x128xf32> to vector<512x128xf32>
    %add3A_743 = arith.addf %get3A_742, %get3A_1 : vector<512x128xf32>
    %min3A_744 = arith.constant 0.000000e+00 : f32
    %min3A_745 = vector.broadcast %min3A_744 : f32 to vector<512x128xf32>
    %min3A_746 = arith.minimumf %add3A_743, %min3A_745 : vector<512x128xf32>
    %exp3A_747 = math.exp %min3A_746 : vector<512x128xf32>
    %sub3A_748 = arith.constant 1.000000e+00 : f32
    %sub3A_749 = vector.broadcast %sub3A_748 : f32 to vector<512x128xf32>
    %sub3A_750 = arith.subf %exp3A_747, %sub3A_749 : vector<512x128xf32>
    %max3A_751 = arith.maximumf %add3A_743, %sub3A_750 : vector<512x128xf32>
    %dot_general3A_752 = arith.constant dense<0.000000e+00> : vector<512x128xf32>
    %dot_general3A_753 = tpu.matmul %max3A_751, %get3A_4, %dot_general3A_752 {dimension_numbers = #tpu.dot_dimension_numbers<[1], [0], [0], [1], [0, 0, 1, 1], [], []>, transpose_lhs_hint = false} : vector<512x128xf32>, vector<128x128xf32>, vector<512x128xf32> -> vector<512x128xf32>
    %add3A_754 = vector.broadcast %get3A_7 : vector<1x128xf32> to vector<512x128xf32>
    %add3A_755 = arith.addf %dot_general3A_753, %add3A_754 : vector<512x128xf32>
    %min3A_756 = arith.constant 0.000000e+00 : f32
    %min3A_757 = vector.broadcast %min3A_756 : f32 to vector<512x128xf32>
    %min3A_758 = arith.minimumf %add3A_755, %min3A_757 : vector<512x128xf32>
    %exp3A_759 = math.exp %min3A_758 : vector<512x128xf32>
    %sub3A_760 = arith.constant 1.000000e+00 : f32
    %sub3A_761 = vector.broadcast %sub3A_760 : f32 to vector<512x128xf32>
    %sub3A_762 = arith.subf %exp3A_759, %sub3A_761 : vector<512x128xf32>
    %max3A_763 = arith.maximumf %add3A_755, %sub3A_762 : vector<512x128xf32>
    %get3A_764 = arith.constant 0 : index
    %get3A_765 = arith.constant 23 : index
    %get3A_766 = vector.load %arg2[%get3A_764, %get3A_765] : memref<512x32xf32, #tpu.memory_space<vmem>>, vector<512x1xf32>
    %mul3A_767 = vector.broadcast %get3A_766 : vector<512x1xf32> to vector<512x128xf32>
    %mul3A_768 = arith.mulf %mul3A_767, %max3A_763 : vector<512x128xf32>
    %add3A_769 = arith.addf %add3A_737, %mul3A_768 : vector<512x128xf32>
    %get3A_770 = arith.constant 24 : index
    %get3A_771 = arith.constant 0 : index
    %get3A_772 = arith.constant 0 : index
    %get3A_773 = vector.load %arg1[%get3A_770, %get3A_771, %get3A_772] : memref<32x512x128xf32, #tpu.memory_space<vmem>>, vector<1x512x128xf32>
    %get3A_774 = vector.shape_cast %get3A_773 : vector<1x512x128xf32> to vector<512x128xf32>
    %add3A_775 = arith.addf %get3A_774, %get3A_1 : vector<512x128xf32>
    %min3A_776 = arith.constant 0.000000e+00 : f32
    %min3A_777 = vector.broadcast %min3A_776 : f32 to vector<512x128xf32>
    %min3A_778 = arith.minimumf %add3A_775, %min3A_777 : vector<512x128xf32>
    %exp3A_779 = math.exp %min3A_778 : vector<512x128xf32>
    %sub3A_780 = arith.constant 1.000000e+00 : f32
    %sub3A_781 = vector.broadcast %sub3A_780 : f32 to vector<512x128xf32>
    %sub3A_782 = arith.subf %exp3A_779, %sub3A_781 : vector<512x128xf32>
    %max3A_783 = arith.maximumf %add3A_775, %sub3A_782 : vector<512x128xf32>
    %dot_general3A_784 = arith.constant dense<0.000000e+00> : vector<512x128xf32>
    %dot_general3A_785 = tpu.matmul %max3A_783, %get3A_4, %dot_general3A_784 {dimension_numbers = #tpu.dot_dimension_numbers<[1], [0], [0], [1], [0, 0, 1, 1], [], []>, transpose_lhs_hint = false} : vector<512x128xf32>, vector<128x128xf32>, vector<512x128xf32> -> vector<512x128xf32>
    %add3A_786 = vector.broadcast %get3A_7 : vector<1x128xf32> to vector<512x128xf32>
    %add3A_787 = arith.addf %dot_general3A_785, %add3A_786 : vector<512x128xf32>
    %min3A_788 = arith.constant 0.000000e+00 : f32
    %min3A_789 = vector.broadcast %min3A_788 : f32 to vector<512x128xf32>
    %min3A_790 = arith.minimumf %add3A_787, %min3A_789 : vector<512x128xf32>
    %exp3A_791 = math.exp %min3A_790 : vector<512x128xf32>
    %sub3A_792 = arith.constant 1.000000e+00 : f32
    %sub3A_793 = vector.broadcast %sub3A_792 : f32 to vector<512x128xf32>
    %sub3A_794 = arith.subf %exp3A_791, %sub3A_793 : vector<512x128xf32>
    %max3A_795 = arith.maximumf %add3A_787, %sub3A_794 : vector<512x128xf32>
    %get3A_796 = arith.constant 0 : index
    %get3A_797 = arith.constant 24 : index
    %get3A_798 = vector.load %arg2[%get3A_796, %get3A_797] : memref<512x32xf32, #tpu.memory_space<vmem>>, vector<512x1xf32>
    %mul3A_799 = vector.broadcast %get3A_798 : vector<512x1xf32> to vector<512x128xf32>
    %mul3A_800 = arith.mulf %mul3A_799, %max3A_795 : vector<512x128xf32>
    %add3A_801 = arith.addf %add3A_769, %mul3A_800 : vector<512x128xf32>
    %get3A_802 = arith.constant 25 : index
    %get3A_803 = arith.constant 0 : index
    %get3A_804 = arith.constant 0 : index
    %get3A_805 = vector.load %arg1[%get3A_802, %get3A_803, %get3A_804] : memref<32x512x128xf32, #tpu.memory_space<vmem>>, vector<1x512x128xf32>
    %get3A_806 = vector.shape_cast %get3A_805 : vector<1x512x128xf32> to vector<512x128xf32>
    %add3A_807 = arith.addf %get3A_806, %get3A_1 : vector<512x128xf32>
    %min3A_808 = arith.constant 0.000000e+00 : f32
    %min3A_809 = vector.broadcast %min3A_808 : f32 to vector<512x128xf32>
    %min3A_810 = arith.minimumf %add3A_807, %min3A_809 : vector<512x128xf32>
    %exp3A_811 = math.exp %min3A_810 : vector<512x128xf32>
    %sub3A_812 = arith.constant 1.000000e+00 : f32
    %sub3A_813 = vector.broadcast %sub3A_812 : f32 to vector<512x128xf32>
    %sub3A_814 = arith.subf %exp3A_811, %sub3A_813 : vector<512x128xf32>
    %max3A_815 = arith.maximumf %add3A_807, %sub3A_814 : vector<512x128xf32>
    %dot_general3A_816 = arith.constant dense<0.000000e+00> : vector<512x128xf32>
    %dot_general3A_817 = tpu.matmul %max3A_815, %get3A_4, %dot_general3A_816 {dimension_numbers = #tpu.dot_dimension_numbers<[1], [0], [0], [1], [0, 0, 1, 1], [], []>, transpose_lhs_hint = false} : vector<512x128xf32>, vector<128x128xf32>, vector<512x128xf32> -> vector<512x128xf32>
    %add3A_818 = vector.broadcast %get3A_7 : vector<1x128xf32> to vector<512x128xf32>
    %add3A_819 = arith.addf %dot_general3A_817, %add3A_818 : vector<512x128xf32>
    %min3A_820 = arith.constant 0.000000e+00 : f32
    %min3A_821 = vector.broadcast %min3A_820 : f32 to vector<512x128xf32>
    %min3A_822 = arith.minimumf %add3A_819, %min3A_821 : vector<512x128xf32>
    %exp3A_823 = math.exp %min3A_822 : vector<512x128xf32>
    %sub3A_824 = arith.constant 1.000000e+00 : f32
    %sub3A_825 = vector.broadcast %sub3A_824 : f32 to vector<512x128xf32>
    %sub3A_826 = arith.subf %exp3A_823, %sub3A_825 : vector<512x128xf32>
    %max3A_827 = arith.maximumf %add3A_819, %sub3A_826 : vector<512x128xf32>
    %get3A_828 = arith.constant 0 : index
    %get3A_829 = arith.constant 25 : index
    %get3A_830 = vector.load %arg2[%get3A_828, %get3A_829] : memref<512x32xf32, #tpu.memory_space<vmem>>, vector<512x1xf32>
    %mul3A_831 = vector.broadcast %get3A_830 : vector<512x1xf32> to vector<512x128xf32>
    %mul3A_832 = arith.mulf %mul3A_831, %max3A_827 : vector<512x128xf32>
    %add3A_833 = arith.addf %add3A_801, %mul3A_832 : vector<512x128xf32>
    %get3A_834 = arith.constant 26 : index
    %get3A_835 = arith.constant 0 : index
    %get3A_836 = arith.constant 0 : index
    %get3A_837 = vector.load %arg1[%get3A_834, %get3A_835, %get3A_836] : memref<32x512x128xf32, #tpu.memory_space<vmem>>, vector<1x512x128xf32>
    %get3A_838 = vector.shape_cast %get3A_837 : vector<1x512x128xf32> to vector<512x128xf32>
    %add3A_839 = arith.addf %get3A_838, %get3A_1 : vector<512x128xf32>
    %min3A_840 = arith.constant 0.000000e+00 : f32
    %min3A_841 = vector.broadcast %min3A_840 : f32 to vector<512x128xf32>
    %min3A_842 = arith.minimumf %add3A_839, %min3A_841 : vector<512x128xf32>
    %exp3A_843 = math.exp %min3A_842 : vector<512x128xf32>
    %sub3A_844 = arith.constant 1.000000e+00 : f32
    %sub3A_845 = vector.broadcast %sub3A_844 : f32 to vector<512x128xf32>
    %sub3A_846 = arith.subf %exp3A_843, %sub3A_845 : vector<512x128xf32>
    %max3A_847 = arith.maximumf %add3A_839, %sub3A_846 : vector<512x128xf32>
    %dot_general3A_848 = arith.constant dense<0.000000e+00> : vector<512x128xf32>
    %dot_general3A_849 = tpu.matmul %max3A_847, %get3A_4, %dot_general3A_848 {dimension_numbers = #tpu.dot_dimension_numbers<[1], [0], [0], [1], [0, 0, 1, 1], [], []>, transpose_lhs_hint = false} : vector<512x128xf32>, vector<128x128xf32>, vector<512x128xf32> -> vector<512x128xf32>
    %add3A_850 = vector.broadcast %get3A_7 : vector<1x128xf32> to vector<512x128xf32>
    %add3A_851 = arith.addf %dot_general3A_849, %add3A_850 : vector<512x128xf32>
    %min3A_852 = arith.constant 0.000000e+00 : f32
    %min3A_853 = vector.broadcast %min3A_852 : f32 to vector<512x128xf32>
    %min3A_854 = arith.minimumf %add3A_851, %min3A_853 : vector<512x128xf32>
    %exp3A_855 = math.exp %min3A_854 : vector<512x128xf32>
    %sub3A_856 = arith.constant 1.000000e+00 : f32
    %sub3A_857 = vector.broadcast %sub3A_856 : f32 to vector<512x128xf32>
    %sub3A_858 = arith.subf %exp3A_855, %sub3A_857 : vector<512x128xf32>
    %max3A_859 = arith.maximumf %add3A_851, %sub3A_858 : vector<512x128xf32>
    %get3A_860 = arith.constant 0 : index
    %get3A_861 = arith.constant 26 : index
    %get3A_862 = vector.load %arg2[%get3A_860, %get3A_861] : memref<512x32xf32, #tpu.memory_space<vmem>>, vector<512x1xf32>
    %mul3A_863 = vector.broadcast %get3A_862 : vector<512x1xf32> to vector<512x128xf32>
    %mul3A_864 = arith.mulf %mul3A_863, %max3A_859 : vector<512x128xf32>
    %add3A_865 = arith.addf %add3A_833, %mul3A_864 : vector<512x128xf32>
    %get3A_866 = arith.constant 27 : index
    %get3A_867 = arith.constant 0 : index
    %get3A_868 = arith.constant 0 : index
    %get3A_869 = vector.load %arg1[%get3A_866, %get3A_867, %get3A_868] : memref<32x512x128xf32, #tpu.memory_space<vmem>>, vector<1x512x128xf32>
    %get3A_870 = vector.shape_cast %get3A_869 : vector<1x512x128xf32> to vector<512x128xf32>
    %add3A_871 = arith.addf %get3A_870, %get3A_1 : vector<512x128xf32>
    %min3A_872 = arith.constant 0.000000e+00 : f32
    %min3A_873 = vector.broadcast %min3A_872 : f32 to vector<512x128xf32>
    %min3A_874 = arith.minimumf %add3A_871, %min3A_873 : vector<512x128xf32>
    %exp3A_875 = math.exp %min3A_874 : vector<512x128xf32>
    %sub3A_876 = arith.constant 1.000000e+00 : f32
    %sub3A_877 = vector.broadcast %sub3A_876 : f32 to vector<512x128xf32>
    %sub3A_878 = arith.subf %exp3A_875, %sub3A_877 : vector<512x128xf32>
    %max3A_879 = arith.maximumf %add3A_871, %sub3A_878 : vector<512x128xf32>
    %dot_general3A_880 = arith.constant dense<0.000000e+00> : vector<512x128xf32>
    %dot_general3A_881 = tpu.matmul %max3A_879, %get3A_4, %dot_general3A_880 {dimension_numbers = #tpu.dot_dimension_numbers<[1], [0], [0], [1], [0, 0, 1, 1], [], []>, transpose_lhs_hint = false} : vector<512x128xf32>, vector<128x128xf32>, vector<512x128xf32> -> vector<512x128xf32>
    %add3A_882 = vector.broadcast %get3A_7 : vector<1x128xf32> to vector<512x128xf32>
    %add3A_883 = arith.addf %dot_general3A_881, %add3A_882 : vector<512x128xf32>
    %min3A_884 = arith.constant 0.000000e+00 : f32
    %min3A_885 = vector.broadcast %min3A_884 : f32 to vector<512x128xf32>
    %min3A_886 = arith.minimumf %add3A_883, %min3A_885 : vector<512x128xf32>
    %exp3A_887 = math.exp %min3A_886 : vector<512x128xf32>
    %sub3A_888 = arith.constant 1.000000e+00 : f32
    %sub3A_889 = vector.broadcast %sub3A_888 : f32 to vector<512x128xf32>
    %sub3A_890 = arith.subf %exp3A_887, %sub3A_889 : vector<512x128xf32>
    %max3A_891 = arith.maximumf %add3A_883, %sub3A_890 : vector<512x128xf32>
    %get3A_892 = arith.constant 0 : index
    %get3A_893 = arith.constant 27 : index
    %get3A_894 = vector.load %arg2[%get3A_892, %get3A_893] : memref<512x32xf32, #tpu.memory_space<vmem>>, vector<512x1xf32>
    %mul3A_895 = vector.broadcast %get3A_894 : vector<512x1xf32> to vector<512x128xf32>
    %mul3A_896 = arith.mulf %mul3A_895, %max3A_891 : vector<512x128xf32>
    %add3A_897 = arith.addf %add3A_865, %mul3A_896 : vector<512x128xf32>
    %get3A_898 = arith.constant 28 : index
    %get3A_899 = arith.constant 0 : index
    %get3A_900 = arith.constant 0 : index
    %get3A_901 = vector.load %arg1[%get3A_898, %get3A_899, %get3A_900] : memref<32x512x128xf32, #tpu.memory_space<vmem>>, vector<1x512x128xf32>
    %get3A_902 = vector.shape_cast %get3A_901 : vector<1x512x128xf32> to vector<512x128xf32>
    %add3A_903 = arith.addf %get3A_902, %get3A_1 : vector<512x128xf32>
    %min3A_904 = arith.constant 0.000000e+00 : f32
    %min3A_905 = vector.broadcast %min3A_904 : f32 to vector<512x128xf32>
    %min3A_906 = arith.minimumf %add3A_903, %min3A_905 : vector<512x128xf32>
    %exp3A_907 = math.exp %min3A_906 : vector<512x128xf32>
    %sub3A_908 = arith.constant 1.000000e+00 : f32
    %sub3A_909 = vector.broadcast %sub3A_908 : f32 to vector<512x128xf32>
    %sub3A_910 = arith.subf %exp3A_907, %sub3A_909 : vector<512x128xf32>
    %max3A_911 = arith.maximumf %add3A_903, %sub3A_910 : vector<512x128xf32>
    %dot_general3A_912 = arith.constant dense<0.000000e+00> : vector<512x128xf32>
    %dot_general3A_913 = tpu.matmul %max3A_911, %get3A_4, %dot_general3A_912 {dimension_numbers = #tpu.dot_dimension_numbers<[1], [0], [0], [1], [0, 0, 1, 1], [], []>, transpose_lhs_hint = false} : vector<512x128xf32>, vector<128x128xf32>, vector<512x128xf32> -> vector<512x128xf32>
    %add3A_914 = vector.broadcast %get3A_7 : vector<1x128xf32> to vector<512x128xf32>
    %add3A_915 = arith.addf %dot_general3A_913, %add3A_914 : vector<512x128xf32>
    %min3A_916 = arith.constant 0.000000e+00 : f32
    %min3A_917 = vector.broadcast %min3A_916 : f32 to vector<512x128xf32>
    %min3A_918 = arith.minimumf %add3A_915, %min3A_917 : vector<512x128xf32>
    %exp3A_919 = math.exp %min3A_918 : vector<512x128xf32>
    %sub3A_920 = arith.constant 1.000000e+00 : f32
    %sub3A_921 = vector.broadcast %sub3A_920 : f32 to vector<512x128xf32>
    %sub3A_922 = arith.subf %exp3A_919, %sub3A_921 : vector<512x128xf32>
    %max3A_923 = arith.maximumf %add3A_915, %sub3A_922 : vector<512x128xf32>
    %get3A_924 = arith.constant 0 : index
    %get3A_925 = arith.constant 28 : index
    %get3A_926 = vector.load %arg2[%get3A_924, %get3A_925] : memref<512x32xf32, #tpu.memory_space<vmem>>, vector<512x1xf32>
    %mul3A_927 = vector.broadcast %get3A_926 : vector<512x1xf32> to vector<512x128xf32>
    %mul3A_928 = arith.mulf %mul3A_927, %max3A_923 : vector<512x128xf32>
    %add3A_929 = arith.addf %add3A_897, %mul3A_928 : vector<512x128xf32>
    %get3A_930 = arith.constant 29 : index
    %get3A_931 = arith.constant 0 : index
    %get3A_932 = arith.constant 0 : index
    %get3A_933 = vector.load %arg1[%get3A_930, %get3A_931, %get3A_932] : memref<32x512x128xf32, #tpu.memory_space<vmem>>, vector<1x512x128xf32>
    %get3A_934 = vector.shape_cast %get3A_933 : vector<1x512x128xf32> to vector<512x128xf32>
    %add3A_935 = arith.addf %get3A_934, %get3A_1 : vector<512x128xf32>
    %min3A_936 = arith.constant 0.000000e+00 : f32
    %min3A_937 = vector.broadcast %min3A_936 : f32 to vector<512x128xf32>
    %min3A_938 = arith.minimumf %add3A_935, %min3A_937 : vector<512x128xf32>
    %exp3A_939 = math.exp %min3A_938 : vector<512x128xf32>
    %sub3A_940 = arith.constant 1.000000e+00 : f32
    %sub3A_941 = vector.broadcast %sub3A_940 : f32 to vector<512x128xf32>
    %sub3A_942 = arith.subf %exp3A_939, %sub3A_941 : vector<512x128xf32>
    %max3A_943 = arith.maximumf %add3A_935, %sub3A_942 : vector<512x128xf32>
    %dot_general3A_944 = arith.constant dense<0.000000e+00> : vector<512x128xf32>
    %dot_general3A_945 = tpu.matmul %max3A_943, %get3A_4, %dot_general3A_944 {dimension_numbers = #tpu.dot_dimension_numbers<[1], [0], [0], [1], [0, 0, 1, 1], [], []>, transpose_lhs_hint = false} : vector<512x128xf32>, vector<128x128xf32>, vector<512x128xf32> -> vector<512x128xf32>
    %add3A_946 = vector.broadcast %get3A_7 : vector<1x128xf32> to vector<512x128xf32>
    %add3A_947 = arith.addf %dot_general3A_945, %add3A_946 : vector<512x128xf32>
    %min3A_948 = arith.constant 0.000000e+00 : f32
    %min3A_949 = vector.broadcast %min3A_948 : f32 to vector<512x128xf32>
    %min3A_950 = arith.minimumf %add3A_947, %min3A_949 : vector<512x128xf32>
    %exp3A_951 = math.exp %min3A_950 : vector<512x128xf32>
    %sub3A_952 = arith.constant 1.000000e+00 : f32
    %sub3A_953 = vector.broadcast %sub3A_952 : f32 to vector<512x128xf32>
    %sub3A_954 = arith.subf %exp3A_951, %sub3A_953 : vector<512x128xf32>
    %max3A_955 = arith.maximumf %add3A_947, %sub3A_954 : vector<512x128xf32>
    %get3A_956 = arith.constant 0 : index
    %get3A_957 = arith.constant 29 : index
    %get3A_958 = vector.load %arg2[%get3A_956, %get3A_957] : memref<512x32xf32, #tpu.memory_space<vmem>>, vector<512x1xf32>
    %mul3A_959 = vector.broadcast %get3A_958 : vector<512x1xf32> to vector<512x128xf32>
    %mul3A_960 = arith.mulf %mul3A_959, %max3A_955 : vector<512x128xf32>
    %add3A_961 = arith.addf %add3A_929, %mul3A_960 : vector<512x128xf32>
    %get3A_962 = arith.constant 30 : index
    %get3A_963 = arith.constant 0 : index
    %get3A_964 = arith.constant 0 : index
    %get3A_965 = vector.load %arg1[%get3A_962, %get3A_963, %get3A_964] : memref<32x512x128xf32, #tpu.memory_space<vmem>>, vector<1x512x128xf32>
    %get3A_966 = vector.shape_cast %get3A_965 : vector<1x512x128xf32> to vector<512x128xf32>
    %add3A_967 = arith.addf %get3A_966, %get3A_1 : vector<512x128xf32>
    %min3A_968 = arith.constant 0.000000e+00 : f32
    %min3A_969 = vector.broadcast %min3A_968 : f32 to vector<512x128xf32>
    %min3A_970 = arith.minimumf %add3A_967, %min3A_969 : vector<512x128xf32>
    %exp3A_971 = math.exp %min3A_970 : vector<512x128xf32>
    %sub3A_972 = arith.constant 1.000000e+00 : f32
    %sub3A_973 = vector.broadcast %sub3A_972 : f32 to vector<512x128xf32>
    %sub3A_974 = arith.subf %exp3A_971, %sub3A_973 : vector<512x128xf32>
    %max3A_975 = arith.maximumf %add3A_967, %sub3A_974 : vector<512x128xf32>
    %dot_general3A_976 = arith.constant dense<0.000000e+00> : vector<512x128xf32>
    %dot_general3A_977 = tpu.matmul %max3A_975, %get3A_4, %dot_general3A_976 {dimension_numbers = #tpu.dot_dimension_numbers<[1], [0], [0], [1], [0, 0, 1, 1], [], []>, transpose_lhs_hint = false} : vector<512x128xf32>, vector<128x128xf32>, vector<512x128xf32> -> vector<512x128xf32>
    %add3A_978 = vector.broadcast %get3A_7 : vector<1x128xf32> to vector<512x128xf32>
    %add3A_979 = arith.addf %dot_general3A_977, %add3A_978 : vector<512x128xf32>
    %min3A_980 = arith.constant 0.000000e+00 : f32
    %min3A_981 = vector.broadcast %min3A_980 : f32 to vector<512x128xf32>
    %min3A_982 = arith.minimumf %add3A_979, %min3A_981 : vector<512x128xf32>
    %exp3A_983 = math.exp %min3A_982 : vector<512x128xf32>
    %sub3A_984 = arith.constant 1.000000e+00 : f32
    %sub3A_985 = vector.broadcast %sub3A_984 : f32 to vector<512x128xf32>
    %sub3A_986 = arith.subf %exp3A_983, %sub3A_985 : vector<512x128xf32>
    %max3A_987 = arith.maximumf %add3A_979, %sub3A_986 : vector<512x128xf32>
    %get3A_988 = arith.constant 0 : index
    %get3A_989 = arith.constant 30 : index
    %get3A_990 = vector.load %arg2[%get3A_988, %get3A_989] : memref<512x32xf32, #tpu.memory_space<vmem>>, vector<512x1xf32>
    %mul3A_991 = vector.broadcast %get3A_990 : vector<512x1xf32> to vector<512x128xf32>
    %mul3A_992 = arith.mulf %mul3A_991, %max3A_987 : vector<512x128xf32>
    %add3A_993 = arith.addf %add3A_961, %mul3A_992 : vector<512x128xf32>
    %get3A_994 = arith.constant 31 : index
    %get3A_995 = arith.constant 0 : index
    %get3A_996 = arith.constant 0 : index
    %get3A_997 = vector.load %arg1[%get3A_994, %get3A_995, %get3A_996] : memref<32x512x128xf32, #tpu.memory_space<vmem>>, vector<1x512x128xf32>
    %get3A_998 = vector.shape_cast %get3A_997 : vector<1x512x128xf32> to vector<512x128xf32>
    %add3A_999 = arith.addf %get3A_998, %get3A_1 : vector<512x128xf32>
    %min3A_1000 = arith.constant 0.000000e+00 : f32
    %min3A_1001 = vector.broadcast %min3A_1000 : f32 to vector<512x128xf32>
    %min3A_1002 = arith.minimumf %add3A_999, %min3A_1001 : vector<512x128xf32>
    %exp3A_1003 = math.exp %min3A_1002 : vector<512x128xf32>
    %sub3A_1004 = arith.constant 1.000000e+00 : f32
    %sub3A_1005 = vector.broadcast %sub3A_1004 : f32 to vector<512x128xf32>
    %sub3A_1006 = arith.subf %exp3A_1003, %sub3A_1005 : vector<512x128xf32>
    %max3A_1007 = arith.maximumf %add3A_999, %sub3A_1006 : vector<512x128xf32>
    %dot_general3A_1008 = arith.constant dense<0.000000e+00> : vector<512x128xf32>
    %dot_general3A_1009 = tpu.matmul %max3A_1007, %get3A_4, %dot_general3A_1008 {dimension_numbers = #tpu.dot_dimension_numbers<[1], [0], [0], [1], [0, 0, 1, 1], [], []>, transpose_lhs_hint = false} : vector<512x128xf32>, vector<128x128xf32>, vector<512x128xf32> -> vector<512x128xf32>
    %add3A_1010 = vector.broadcast %get3A_7 : vector<1x128xf32> to vector<512x128xf32>
    %add3A_1011 = arith.addf %dot_general3A_1009, %add3A_1010 : vector<512x128xf32>
    %min3A_1012 = arith.constant 0.000000e+00 : f32
    %min3A_1013 = vector.broadcast %min3A_1012 : f32 to vector<512x128xf32>
    %min3A_1014 = arith.minimumf %add3A_1011, %min3A_1013 : vector<512x128xf32>
    %exp3A_1015 = math.exp %min3A_1014 : vector<512x128xf32>
    %sub3A_1016 = arith.constant 1.000000e+00 : f32
    %sub3A_1017 = vector.broadcast %sub3A_1016 : f32 to vector<512x128xf32>
    %sub3A_1018 = arith.subf %exp3A_1015, %sub3A_1017 : vector<512x128xf32>
    %max3A_1019 = arith.maximumf %add3A_1011, %sub3A_1018 : vector<512x128xf32>
    %get3A_1020 = arith.constant 0 : index
    %get3A_1021 = arith.constant 31 : index
    %get3A_1022 = vector.load %arg2[%get3A_1020, %get3A_1021] : memref<512x32xf32, #tpu.memory_space<vmem>>, vector<512x1xf32>
    %mul3A_1023 = vector.broadcast %get3A_1022 : vector<512x1xf32> to vector<512x128xf32>
    %mul3A_1024 = arith.mulf %mul3A_1023, %max3A_1019 : vector<512x128xf32>
    %add3A_1025 = arith.addf %add3A_993, %mul3A_1024 : vector<512x128xf32>
    %swap3A = arith.constant 0 : index
    %swap3A_1026 = arith.constant 0 : index
    %swap3A_1027 = vector.load %arg6[%swap3A, %swap3A_1026] : memref<512x128xf32, #tpu.memory_space<vmem>>, vector<512x128xf32>
    tpu.vector_store %arg6[%swap3A, %swap3A_1026], %add3A_1025 {strides = array<i32>} : memref<512x128xf32, #tpu.memory_space<vmem>>, vector<512x128xf32>,
    return
  }
  func.func @transform_0(%arg0: i32) -> (i32, i32, i32) {
    %c0_i32 = arith.constant 0 : i32
    %c0_i32_0 = arith.constant 0 : i32
    %c0_i32_1 = arith.constant 0 : i32
    return %c0_i32, %arg0, %c0_i32_0 : i32, i32, i32
  }
  func.func @transform_1(%arg0: i32) -> (i32, i32) {
    %c0_i32 = arith.constant 0 : i32
    %c0_i32_0 = arith.constant 0 : i32
    return %arg0, %c0_i32 : i32, i32
  }
  func.func @transform_2(%arg0: i32) -> (i32, i32) {
    %c0_i32 = arith.constant 0 : i32
    %c0_i32_0 = arith.constant 0 : i32
    return %arg0, %c0_i32 : i32, i32
  }
  func.func @transform_3(%arg0: i32) -> (i32, i32) {
    %c0_i32 = arith.constant 0 : i32
    %c0_i32_0 = arith.constant 0 : i32
    %c0_i32_1 = arith.constant 0 : i32
    return %c0_i32, %c0_i32_0 : i32, i32
  }
  func.func @transform_4(%arg0: i32) -> (i32, i32) {
    %c0_i32 = arith.constant 0 : i32
    %c0_i32_0 = arith.constant 0 : i32
    %c0_i32_1 = arith.constant 0 : i32
    return %c0_i32, %c0_i32_0 : i32, i32
  }
  func.func @transform_5(%arg0: i32) -> (i32, i32) {
    %c0_i32 = arith.constant 0 : i32
    %c0_i32_0 = arith.constant 0 : i32
    return %arg0, %c0_i32 : i32, i32
  }
}

module attributes {stable_mosaic.version = 14 : i64} {
  func.func @body(%arg0: i32, %arg1: memref<32x328x128xf32, #tpu.memory_space<vmem>>, %arg2: memref<328x32xf32, #tpu.memory_space<vmem>>, %arg3: memref<328x128xf32, #tpu.memory_space<vmem>>, %arg4: memref<128x128xf32, #tpu.memory_space<vmem>>, %arg5: memref<1x128xf32, #tpu.memory_space<vmem>>, %arg6: memref<328x128xf32, #tpu.memory_space<vmem>>) attributes {dimension_semantics = [#tpu.dimension_semantics<arbitrary>], iteration_bounds = array<i64: 18>, scalar_prefetch = 0 : i64, scratch_operands = 0 : i64, tpu.core_type = #tpu.core_type<tc>, window_params = [{transform_indices = @transform_0, window_bounds = array<i64: 32, 328, 128>}, {transform_indices = @transform_1, window_bounds = array<i64: 328, 32>}, {transform_indices = @transform_2, window_bounds = array<i64: 328, 128>}, {pipeline_mode = #tpu.pipeline_mode<synchronous>, transform_indices = @transform_3, window_bounds = array<i64: 128, 128>}, {pipeline_mode = #tpu.pipeline_mode<synchronous>, transform_indices = @transform_4, window_bounds = array<i64: 1, 128>}, {transform_indices = @transform_5, window_bounds = array<i64: 328, 128>}]} {
    %get3A = arith.constant 0 : index
    %get3A_0 = arith.constant 0 : index
    %get3A_1 = vector.load %arg3[%get3A, %get3A_0] : memref<328x128xf32, #tpu.memory_space<vmem>>, vector<328x128xf32>
    %get3A_2 = arith.constant 0 : index
    %get3A_3 = arith.constant 0 : index
    %get3A_4 = vector.load %arg4[%get3A_2, %get3A_3] : memref<128x128xf32, #tpu.memory_space<vmem>>, vector<128x128xf32>
    %get3A_5 = arith.constant 0 : index
    %get3A_6 = arith.constant 0 : index
    %get3A_7 = vector.load %arg5[%get3A_5, %get3A_6] : memref<1x128xf32, #tpu.memory_space<vmem>>, vector<1x128xf32>
    %broadcast_in_dim3A = arith.constant 0.000000e+00 : f32
    %broadcast_in_dim3A_8 = vector.broadcast %broadcast_in_dim3A : f32 to vector<328x128xf32>
    %get3A_9 = arith.constant 0 : index
    %get3A_10 = arith.constant 0 : index
    %get3A_11 = arith.constant 0 : index
    %get3A_12 = vector.load %arg1[%get3A_9, %get3A_10, %get3A_11] : memref<32x328x128xf32, #tpu.memory_space<vmem>>, vector<1x328x128xf32>
    %get3A_13 = vector.shape_cast %get3A_12 : vector<1x328x128xf32> to vector<328x128xf32>
    %add3A = arith.addf %get3A_13, %get3A_1 : vector<328x128xf32>
    %min3A = arith.constant 0.000000e+00 : f32
    %min3A_14 = vector.broadcast %min3A : f32 to vector<328x128xf32>
    %min3A_15 = arith.minimumf %add3A, %min3A_14 : vector<328x128xf32>
    %exp3A = math.exp %min3A_15 : vector<328x128xf32>
    %sub3A = arith.constant 1.000000e+00 : f32
    %sub3A_16 = vector.broadcast %sub3A : f32 to vector<328x128xf32>
    %sub3A_17 = arith.subf %exp3A, %sub3A_16 : vector<328x128xf32>
    %max3A = arith.maximumf %add3A, %sub3A_17 : vector<328x128xf32>
    %dot_general3A = arith.constant dense<0.000000e+00> : vector<328x128xf32>
    %dot_general3A_18 = tpu.matmul %max3A, %get3A_4, %dot_general3A {dimension_numbers = #tpu.dot_dimension_numbers<[1], [0], [0], [1], [0, 0, 1, 1], [], []>, transpose_lhs_hint = false} : vector<328x128xf32>, vector<128x128xf32>, vector<328x128xf32> -> vector<328x128xf32>
    %add3A_19 = vector.broadcast %get3A_7 : vector<1x128xf32> to vector<328x128xf32>
    %add3A_20 = arith.addf %dot_general3A_18, %add3A_19 : vector<328x128xf32>
    %min3A_21 = arith.constant 0.000000e+00 : f32
    %min3A_22 = vector.broadcast %min3A_21 : f32 to vector<328x128xf32>
    %min3A_23 = arith.minimumf %add3A_20, %min3A_22 : vector<328x128xf32>
    %exp3A_24 = math.exp %min3A_23 : vector<328x128xf32>
    %sub3A_25 = arith.constant 1.000000e+00 : f32
    %sub3A_26 = vector.broadcast %sub3A_25 : f32 to vector<328x128xf32>
    %sub3A_27 = arith.subf %exp3A_24, %sub3A_26 : vector<328x128xf32>
    %max3A_28 = arith.maximumf %add3A_20, %sub3A_27 : vector<328x128xf32>
    %get3A_29 = arith.constant 0 : index
    %get3A_30 = arith.constant 0 : index
    %get3A_31 = vector.load %arg2[%get3A_29, %get3A_30] : memref<328x32xf32, #tpu.memory_space<vmem>>, vector<328x1xf32>
    %mul3A = vector.broadcast %get3A_31 : vector<328x1xf32> to vector<328x128xf32>
    %mul3A_32 = arith.mulf %mul3A, %max3A_28 : vector<328x128xf32>
    %add3A_33 = arith.addf %broadcast_in_dim3A_8, %mul3A_32 : vector<328x128xf32>
    %get3A_34 = arith.constant 1 : index
    %get3A_35 = arith.constant 0 : index
    %get3A_36 = arith.constant 0 : index
    %get3A_37 = vector.load %arg1[%get3A_34, %get3A_35, %get3A_36] : memref<32x328x128xf32, #tpu.memory_space<vmem>>, vector<1x328x128xf32>
    %get3A_38 = vector.shape_cast %get3A_37 : vector<1x328x128xf32> to vector<328x128xf32>
    %add3A_39 = arith.addf %get3A_38, %get3A_1 : vector<328x128xf32>
    %min3A_40 = arith.constant 0.000000e+00 : f32
    %min3A_41 = vector.broadcast %min3A_40 : f32 to vector<328x128xf32>
    %min3A_42 = arith.minimumf %add3A_39, %min3A_41 : vector<328x128xf32>
    %exp3A_43 = math.exp %min3A_42 : vector<328x128xf32>
    %sub3A_44 = arith.constant 1.000000e+00 : f32
    %sub3A_45 = vector.broadcast %sub3A_44 : f32 to vector<328x128xf32>
    %sub3A_46 = arith.subf %exp3A_43, %sub3A_45 : vector<328x128xf32>
    %max3A_47 = arith.maximumf %add3A_39, %sub3A_46 : vector<328x128xf32>
    %dot_general3A_48 = arith.constant dense<0.000000e+00> : vector<328x128xf32>
    %dot_general3A_49 = tpu.matmul %max3A_47, %get3A_4, %dot_general3A_48 {dimension_numbers = #tpu.dot_dimension_numbers<[1], [0], [0], [1], [0, 0, 1, 1], [], []>, transpose_lhs_hint = false} : vector<328x128xf32>, vector<128x128xf32>, vector<328x128xf32> -> vector<328x128xf32>
    %add3A_50 = vector.broadcast %get3A_7 : vector<1x128xf32> to vector<328x128xf32>
    %add3A_51 = arith.addf %dot_general3A_49, %add3A_50 : vector<328x128xf32>
    %min3A_52 = arith.constant 0.000000e+00 : f32
    %min3A_53 = vector.broadcast %min3A_52 : f32 to vector<328x128xf32>
    %min3A_54 = arith.minimumf %add3A_51, %min3A_53 : vector<328x128xf32>
    %exp3A_55 = math.exp %min3A_54 : vector<328x128xf32>
    %sub3A_56 = arith.constant 1.000000e+00 : f32
    %sub3A_57 = vector.broadcast %sub3A_56 : f32 to vector<328x128xf32>
    %sub3A_58 = arith.subf %exp3A_55, %sub3A_57 : vector<328x128xf32>
    %max3A_59 = arith.maximumf %add3A_51, %sub3A_58 : vector<328x128xf32>
    %get3A_60 = arith.constant 0 : index
    %get3A_61 = arith.constant 1 : index
    %get3A_62 = vector.load %arg2[%get3A_60, %get3A_61] : memref<328x32xf32, #tpu.memory_space<vmem>>, vector<328x1xf32>
    %mul3A_63 = vector.broadcast %get3A_62 : vector<328x1xf32> to vector<328x128xf32>
    %mul3A_64 = arith.mulf %mul3A_63, %max3A_59 : vector<328x128xf32>
    %add3A_65 = arith.addf %add3A_33, %mul3A_64 : vector<328x128xf32>
    %get3A_66 = arith.constant 2 : index
    %get3A_67 = arith.constant 0 : index
    %get3A_68 = arith.constant 0 : index
    %get3A_69 = vector.load %arg1[%get3A_66, %get3A_67, %get3A_68] : memref<32x328x128xf32, #tpu.memory_space<vmem>>, vector<1x328x128xf32>
    %get3A_70 = vector.shape_cast %get3A_69 : vector<1x328x128xf32> to vector<328x128xf32>
    %add3A_71 = arith.addf %get3A_70, %get3A_1 : vector<328x128xf32>
    %min3A_72 = arith.constant 0.000000e+00 : f32
    %min3A_73 = vector.broadcast %min3A_72 : f32 to vector<328x128xf32>
    %min3A_74 = arith.minimumf %add3A_71, %min3A_73 : vector<328x128xf32>
    %exp3A_75 = math.exp %min3A_74 : vector<328x128xf32>
    %sub3A_76 = arith.constant 1.000000e+00 : f32
    %sub3A_77 = vector.broadcast %sub3A_76 : f32 to vector<328x128xf32>
    %sub3A_78 = arith.subf %exp3A_75, %sub3A_77 : vector<328x128xf32>
    %max3A_79 = arith.maximumf %add3A_71, %sub3A_78 : vector<328x128xf32>
    %dot_general3A_80 = arith.constant dense<0.000000e+00> : vector<328x128xf32>
    %dot_general3A_81 = tpu.matmul %max3A_79, %get3A_4, %dot_general3A_80 {dimension_numbers = #tpu.dot_dimension_numbers<[1], [0], [0], [1], [0, 0, 1, 1], [], []>, transpose_lhs_hint = false} : vector<328x128xf32>, vector<128x128xf32>, vector<328x128xf32> -> vector<328x128xf32>
    %add3A_82 = vector.broadcast %get3A_7 : vector<1x128xf32> to vector<328x128xf32>
    %add3A_83 = arith.addf %dot_general3A_81, %add3A_82 : vector<328x128xf32>
    %min3A_84 = arith.constant 0.000000e+00 : f32
    %min3A_85 = vector.broadcast %min3A_84 : f32 to vector<328x128xf32>
    %min3A_86 = arith.minimumf %add3A_83, %min3A_85 : vector<328x128xf32>
    %exp3A_87 = math.exp %min3A_86 : vector<328x128xf32>
    %sub3A_88 = arith.constant 1.000000e+00 : f32
    %sub3A_89 = vector.broadcast %sub3A_88 : f32 to vector<328x128xf32>
    %sub3A_90 = arith.subf %exp3A_87, %sub3A_89 : vector<328x128xf32>
    %max3A_91 = arith.maximumf %add3A_83, %sub3A_90 : vector<328x128xf32>
    %get3A_92 = arith.constant 0 : index
    %get3A_93 = arith.constant 2 : index
    %get3A_94 = vector.load %arg2[%get3A_92, %get3A_93] : memref<328x32xf32, #tpu.memory_space<vmem>>, vector<328x1xf32>
    %mul3A_95 = vector.broadcast %get3A_94 : vector<328x1xf32> to vector<328x128xf32>
    %mul3A_96 = arith.mulf %mul3A_95, %max3A_91 : vector<328x128xf32>
    %add3A_97 = arith.addf %add3A_65, %mul3A_96 : vector<328x128xf32>
    %get3A_98 = arith.constant 3 : index
    %get3A_99 = arith.constant 0 : index
    %get3A_100 = arith.constant 0 : index
    %get3A_101 = vector.load %arg1[%get3A_98, %get3A_99, %get3A_100] : memref<32x328x128xf32, #tpu.memory_space<vmem>>, vector<1x328x128xf32>
    %get3A_102 = vector.shape_cast %get3A_101 : vector<1x328x128xf32> to vector<328x128xf32>
    %add3A_103 = arith.addf %get3A_102, %get3A_1 : vector<328x128xf32>
    %min3A_104 = arith.constant 0.000000e+00 : f32
    %min3A_105 = vector.broadcast %min3A_104 : f32 to vector<328x128xf32>
    %min3A_106 = arith.minimumf %add3A_103, %min3A_105 : vector<328x128xf32>
    %exp3A_107 = math.exp %min3A_106 : vector<328x128xf32>
    %sub3A_108 = arith.constant 1.000000e+00 : f32
    %sub3A_109 = vector.broadcast %sub3A_108 : f32 to vector<328x128xf32>
    %sub3A_110 = arith.subf %exp3A_107, %sub3A_109 : vector<328x128xf32>
    %max3A_111 = arith.maximumf %add3A_103, %sub3A_110 : vector<328x128xf32>
    %dot_general3A_112 = arith.constant dense<0.000000e+00> : vector<328x128xf32>
    %dot_general3A_113 = tpu.matmul %max3A_111, %get3A_4, %dot_general3A_112 {dimension_numbers = #tpu.dot_dimension_numbers<[1], [0], [0], [1], [0, 0, 1, 1], [], []>, transpose_lhs_hint = false} : vector<328x128xf32>, vector<128x128xf32>, vector<328x128xf32> -> vector<328x128xf32>
    %add3A_114 = vector.broadcast %get3A_7 : vector<1x128xf32> to vector<328x128xf32>
    %add3A_115 = arith.addf %dot_general3A_113, %add3A_114 : vector<328x128xf32>
    %min3A_116 = arith.constant 0.000000e+00 : f32
    %min3A_117 = vector.broadcast %min3A_116 : f32 to vector<328x128xf32>
    %min3A_118 = arith.minimumf %add3A_115, %min3A_117 : vector<328x128xf32>
    %exp3A_119 = math.exp %min3A_118 : vector<328x128xf32>
    %sub3A_120 = arith.constant 1.000000e+00 : f32
    %sub3A_121 = vector.broadcast %sub3A_120 : f32 to vector<328x128xf32>
    %sub3A_122 = arith.subf %exp3A_119, %sub3A_121 : vector<328x128xf32>
    %max3A_123 = arith.maximumf %add3A_115, %sub3A_122 : vector<328x128xf32>
    %get3A_124 = arith.constant 0 : index
    %get3A_125 = arith.constant 3 : index
    %get3A_126 = vector.load %arg2[%get3A_124, %get3A_125] : memref<328x32xf32, #tpu.memory_space<vmem>>, vector<328x1xf32>
    %mul3A_127 = vector.broadcast %get3A_126 : vector<328x1xf32> to vector<328x128xf32>
    %mul3A_128 = arith.mulf %mul3A_127, %max3A_123 : vector<328x128xf32>
    %add3A_129 = arith.addf %add3A_97, %mul3A_128 : vector<328x128xf32>
    %get3A_130 = arith.constant 4 : index
    %get3A_131 = arith.constant 0 : index
    %get3A_132 = arith.constant 0 : index
    %get3A_133 = vector.load %arg1[%get3A_130, %get3A_131, %get3A_132] : memref<32x328x128xf32, #tpu.memory_space<vmem>>, vector<1x328x128xf32>
    %get3A_134 = vector.shape_cast %get3A_133 : vector<1x328x128xf32> to vector<328x128xf32>
    %add3A_135 = arith.addf %get3A_134, %get3A_1 : vector<328x128xf32>
    %min3A_136 = arith.constant 0.000000e+00 : f32
    %min3A_137 = vector.broadcast %min3A_136 : f32 to vector<328x128xf32>
    %min3A_138 = arith.minimumf %add3A_135, %min3A_137 : vector<328x128xf32>
    %exp3A_139 = math.exp %min3A_138 : vector<328x128xf32>
    %sub3A_140 = arith.constant 1.000000e+00 : f32
    %sub3A_141 = vector.broadcast %sub3A_140 : f32 to vector<328x128xf32>
    %sub3A_142 = arith.subf %exp3A_139, %sub3A_141 : vector<328x128xf32>
    %max3A_143 = arith.maximumf %add3A_135, %sub3A_142 : vector<328x128xf32>
    %dot_general3A_144 = arith.constant dense<0.000000e+00> : vector<328x128xf32>
    %dot_general3A_145 = tpu.matmul %max3A_143, %get3A_4, %dot_general3A_144 {dimension_numbers = #tpu.dot_dimension_numbers<[1], [0], [0], [1], [0, 0, 1, 1], [], []>, transpose_lhs_hint = false} : vector<328x128xf32>, vector<128x128xf32>, vector<328x128xf32> -> vector<328x128xf32>
    %add3A_146 = vector.broadcast %get3A_7 : vector<1x128xf32> to vector<328x128xf32>
    %add3A_147 = arith.addf %dot_general3A_145, %add3A_146 : vector<328x128xf32>
    %min3A_148 = arith.constant 0.000000e+00 : f32
    %min3A_149 = vector.broadcast %min3A_148 : f32 to vector<328x128xf32>
    %min3A_150 = arith.minimumf %add3A_147, %min3A_149 : vector<328x128xf32>
    %exp3A_151 = math.exp %min3A_150 : vector<328x128xf32>
    %sub3A_152 = arith.constant 1.000000e+00 : f32
    %sub3A_153 = vector.broadcast %sub3A_152 : f32 to vector<328x128xf32>
    %sub3A_154 = arith.subf %exp3A_151, %sub3A_153 : vector<328x128xf32>
    %max3A_155 = arith.maximumf %add3A_147, %sub3A_154 : vector<328x128xf32>
    %get3A_156 = arith.constant 0 : index
    %get3A_157 = arith.constant 4 : index
    %get3A_158 = vector.load %arg2[%get3A_156, %get3A_157] : memref<328x32xf32, #tpu.memory_space<vmem>>, vector<328x1xf32>
    %mul3A_159 = vector.broadcast %get3A_158 : vector<328x1xf32> to vector<328x128xf32>
    %mul3A_160 = arith.mulf %mul3A_159, %max3A_155 : vector<328x128xf32>
    %add3A_161 = arith.addf %add3A_129, %mul3A_160 : vector<328x128xf32>
    %get3A_162 = arith.constant 5 : index
    %get3A_163 = arith.constant 0 : index
    %get3A_164 = arith.constant 0 : index
    %get3A_165 = vector.load %arg1[%get3A_162, %get3A_163, %get3A_164] : memref<32x328x128xf32, #tpu.memory_space<vmem>>, vector<1x328x128xf32>
    %get3A_166 = vector.shape_cast %get3A_165 : vector<1x328x128xf32> to vector<328x128xf32>
    %add3A_167 = arith.addf %get3A_166, %get3A_1 : vector<328x128xf32>
    %min3A_168 = arith.constant 0.000000e+00 : f32
    %min3A_169 = vector.broadcast %min3A_168 : f32 to vector<328x128xf32>
    %min3A_170 = arith.minimumf %add3A_167, %min3A_169 : vector<328x128xf32>
    %exp3A_171 = math.exp %min3A_170 : vector<328x128xf32>
    %sub3A_172 = arith.constant 1.000000e+00 : f32
    %sub3A_173 = vector.broadcast %sub3A_172 : f32 to vector<328x128xf32>
    %sub3A_174 = arith.subf %exp3A_171, %sub3A_173 : vector<328x128xf32>
    %max3A_175 = arith.maximumf %add3A_167, %sub3A_174 : vector<328x128xf32>
    %dot_general3A_176 = arith.constant dense<0.000000e+00> : vector<328x128xf32>
    %dot_general3A_177 = tpu.matmul %max3A_175, %get3A_4, %dot_general3A_176 {dimension_numbers = #tpu.dot_dimension_numbers<[1], [0], [0], [1], [0, 0, 1, 1], [], []>, transpose_lhs_hint = false} : vector<328x128xf32>, vector<128x128xf32>, vector<328x128xf32> -> vector<328x128xf32>
    %add3A_178 = vector.broadcast %get3A_7 : vector<1x128xf32> to vector<328x128xf32>
    %add3A_179 = arith.addf %dot_general3A_177, %add3A_178 : vector<328x128xf32>
    %min3A_180 = arith.constant 0.000000e+00 : f32
    %min3A_181 = vector.broadcast %min3A_180 : f32 to vector<328x128xf32>
    %min3A_182 = arith.minimumf %add3A_179, %min3A_181 : vector<328x128xf32>
    %exp3A_183 = math.exp %min3A_182 : vector<328x128xf32>
    %sub3A_184 = arith.constant 1.000000e+00 : f32
    %sub3A_185 = vector.broadcast %sub3A_184 : f32 to vector<328x128xf32>
    %sub3A_186 = arith.subf %exp3A_183, %sub3A_185 : vector<328x128xf32>
    %max3A_187 = arith.maximumf %add3A_179, %sub3A_186 : vector<328x128xf32>
    %get3A_188 = arith.constant 0 : index
    %get3A_189 = arith.constant 5 : index
    %get3A_190 = vector.load %arg2[%get3A_188, %get3A_189] : memref<328x32xf32, #tpu.memory_space<vmem>>, vector<328x1xf32>
    %mul3A_191 = vector.broadcast %get3A_190 : vector<328x1xf32> to vector<328x128xf32>
    %mul3A_192 = arith.mulf %mul3A_191, %max3A_187 : vector<328x128xf32>
    %add3A_193 = arith.addf %add3A_161, %mul3A_192 : vector<328x128xf32>
    %get3A_194 = arith.constant 6 : index
    %get3A_195 = arith.constant 0 : index
    %get3A_196 = arith.constant 0 : index
    %get3A_197 = vector.load %arg1[%get3A_194, %get3A_195, %get3A_196] : memref<32x328x128xf32, #tpu.memory_space<vmem>>, vector<1x328x128xf32>
    %get3A_198 = vector.shape_cast %get3A_197 : vector<1x328x128xf32> to vector<328x128xf32>
    %add3A_199 = arith.addf %get3A_198, %get3A_1 : vector<328x128xf32>
    %min3A_200 = arith.constant 0.000000e+00 : f32
    %min3A_201 = vector.broadcast %min3A_200 : f32 to vector<328x128xf32>
    %min3A_202 = arith.minimumf %add3A_199, %min3A_201 : vector<328x128xf32>
    %exp3A_203 = math.exp %min3A_202 : vector<328x128xf32>
    %sub3A_204 = arith.constant 1.000000e+00 : f32
    %sub3A_205 = vector.broadcast %sub3A_204 : f32 to vector<328x128xf32>
    %sub3A_206 = arith.subf %exp3A_203, %sub3A_205 : vector<328x128xf32>
    %max3A_207 = arith.maximumf %add3A_199, %sub3A_206 : vector<328x128xf32>
    %dot_general3A_208 = arith.constant dense<0.000000e+00> : vector<328x128xf32>
    %dot_general3A_209 = tpu.matmul %max3A_207, %get3A_4, %dot_general3A_208 {dimension_numbers = #tpu.dot_dimension_numbers<[1], [0], [0], [1], [0, 0, 1, 1], [], []>, transpose_lhs_hint = false} : vector<328x128xf32>, vector<128x128xf32>, vector<328x128xf32> -> vector<328x128xf32>
    %add3A_210 = vector.broadcast %get3A_7 : vector<1x128xf32> to vector<328x128xf32>
    %add3A_211 = arith.addf %dot_general3A_209, %add3A_210 : vector<328x128xf32>
    %min3A_212 = arith.constant 0.000000e+00 : f32
    %min3A_213 = vector.broadcast %min3A_212 : f32 to vector<328x128xf32>
    %min3A_214 = arith.minimumf %add3A_211, %min3A_213 : vector<328x128xf32>
    %exp3A_215 = math.exp %min3A_214 : vector<328x128xf32>
    %sub3A_216 = arith.constant 1.000000e+00 : f32
    %sub3A_217 = vector.broadcast %sub3A_216 : f32 to vector<328x128xf32>
    %sub3A_218 = arith.subf %exp3A_215, %sub3A_217 : vector<328x128xf32>
    %max3A_219 = arith.maximumf %add3A_211, %sub3A_218 : vector<328x128xf32>
    %get3A_220 = arith.constant 0 : index
    %get3A_221 = arith.constant 6 : index
    %get3A_222 = vector.load %arg2[%get3A_220, %get3A_221] : memref<328x32xf32, #tpu.memory_space<vmem>>, vector<328x1xf32>
    %mul3A_223 = vector.broadcast %get3A_222 : vector<328x1xf32> to vector<328x128xf32>
    %mul3A_224 = arith.mulf %mul3A_223, %max3A_219 : vector<328x128xf32>
    %add3A_225 = arith.addf %add3A_193, %mul3A_224 : vector<328x128xf32>
    %get3A_226 = arith.constant 7 : index
    %get3A_227 = arith.constant 0 : index
    %get3A_228 = arith.constant 0 : index
    %get3A_229 = vector.load %arg1[%get3A_226, %get3A_227, %get3A_228] : memref<32x328x128xf32, #tpu.memory_space<vmem>>, vector<1x328x128xf32>
    %get3A_230 = vector.shape_cast %get3A_229 : vector<1x328x128xf32> to vector<328x128xf32>
    %add3A_231 = arith.addf %get3A_230, %get3A_1 : vector<328x128xf32>
    %min3A_232 = arith.constant 0.000000e+00 : f32
    %min3A_233 = vector.broadcast %min3A_232 : f32 to vector<328x128xf32>
    %min3A_234 = arith.minimumf %add3A_231, %min3A_233 : vector<328x128xf32>
    %exp3A_235 = math.exp %min3A_234 : vector<328x128xf32>
    %sub3A_236 = arith.constant 1.000000e+00 : f32
    %sub3A_237 = vector.broadcast %sub3A_236 : f32 to vector<328x128xf32>
    %sub3A_238 = arith.subf %exp3A_235, %sub3A_237 : vector<328x128xf32>
    %max3A_239 = arith.maximumf %add3A_231, %sub3A_238 : vector<328x128xf32>
    %dot_general3A_240 = arith.constant dense<0.000000e+00> : vector<328x128xf32>
    %dot_general3A_241 = tpu.matmul %max3A_239, %get3A_4, %dot_general3A_240 {dimension_numbers = #tpu.dot_dimension_numbers<[1], [0], [0], [1], [0, 0, 1, 1], [], []>, transpose_lhs_hint = false} : vector<328x128xf32>, vector<128x128xf32>, vector<328x128xf32> -> vector<328x128xf32>
    %add3A_242 = vector.broadcast %get3A_7 : vector<1x128xf32> to vector<328x128xf32>
    %add3A_243 = arith.addf %dot_general3A_241, %add3A_242 : vector<328x128xf32>
    %min3A_244 = arith.constant 0.000000e+00 : f32
    %min3A_245 = vector.broadcast %min3A_244 : f32 to vector<328x128xf32>
    %min3A_246 = arith.minimumf %add3A_243, %min3A_245 : vector<328x128xf32>
    %exp3A_247 = math.exp %min3A_246 : vector<328x128xf32>
    %sub3A_248 = arith.constant 1.000000e+00 : f32
    %sub3A_249 = vector.broadcast %sub3A_248 : f32 to vector<328x128xf32>
    %sub3A_250 = arith.subf %exp3A_247, %sub3A_249 : vector<328x128xf32>
    %max3A_251 = arith.maximumf %add3A_243, %sub3A_250 : vector<328x128xf32>
    %get3A_252 = arith.constant 0 : index
    %get3A_253 = arith.constant 7 : index
    %get3A_254 = vector.load %arg2[%get3A_252, %get3A_253] : memref<328x32xf32, #tpu.memory_space<vmem>>, vector<328x1xf32>
    %mul3A_255 = vector.broadcast %get3A_254 : vector<328x1xf32> to vector<328x128xf32>
    %mul3A_256 = arith.mulf %mul3A_255, %max3A_251 : vector<328x128xf32>
    %add3A_257 = arith.addf %add3A_225, %mul3A_256 : vector<328x128xf32>
    %get3A_258 = arith.constant 8 : index
    %get3A_259 = arith.constant 0 : index
    %get3A_260 = arith.constant 0 : index
    %get3A_261 = vector.load %arg1[%get3A_258, %get3A_259, %get3A_260] : memref<32x328x128xf32, #tpu.memory_space<vmem>>, vector<1x328x128xf32>
    %get3A_262 = vector.shape_cast %get3A_261 : vector<1x328x128xf32> to vector<328x128xf32>
    %add3A_263 = arith.addf %get3A_262, %get3A_1 : vector<328x128xf32>
    %min3A_264 = arith.constant 0.000000e+00 : f32
    %min3A_265 = vector.broadcast %min3A_264 : f32 to vector<328x128xf32>
    %min3A_266 = arith.minimumf %add3A_263, %min3A_265 : vector<328x128xf32>
    %exp3A_267 = math.exp %min3A_266 : vector<328x128xf32>
    %sub3A_268 = arith.constant 1.000000e+00 : f32
    %sub3A_269 = vector.broadcast %sub3A_268 : f32 to vector<328x128xf32>
    %sub3A_270 = arith.subf %exp3A_267, %sub3A_269 : vector<328x128xf32>
    %max3A_271 = arith.maximumf %add3A_263, %sub3A_270 : vector<328x128xf32>
    %dot_general3A_272 = arith.constant dense<0.000000e+00> : vector<328x128xf32>
    %dot_general3A_273 = tpu.matmul %max3A_271, %get3A_4, %dot_general3A_272 {dimension_numbers = #tpu.dot_dimension_numbers<[1], [0], [0], [1], [0, 0, 1, 1], [], []>, transpose_lhs_hint = false} : vector<328x128xf32>, vector<128x128xf32>, vector<328x128xf32> -> vector<328x128xf32>
    %add3A_274 = vector.broadcast %get3A_7 : vector<1x128xf32> to vector<328x128xf32>
    %add3A_275 = arith.addf %dot_general3A_273, %add3A_274 : vector<328x128xf32>
    %min3A_276 = arith.constant 0.000000e+00 : f32
    %min3A_277 = vector.broadcast %min3A_276 : f32 to vector<328x128xf32>
    %min3A_278 = arith.minimumf %add3A_275, %min3A_277 : vector<328x128xf32>
    %exp3A_279 = math.exp %min3A_278 : vector<328x128xf32>
    %sub3A_280 = arith.constant 1.000000e+00 : f32
    %sub3A_281 = vector.broadcast %sub3A_280 : f32 to vector<328x128xf32>
    %sub3A_282 = arith.subf %exp3A_279, %sub3A_281 : vector<328x128xf32>
    %max3A_283 = arith.maximumf %add3A_275, %sub3A_282 : vector<328x128xf32>
    %get3A_284 = arith.constant 0 : index
    %get3A_285 = arith.constant 8 : index
    %get3A_286 = vector.load %arg2[%get3A_284, %get3A_285] : memref<328x32xf32, #tpu.memory_space<vmem>>, vector<328x1xf32>
    %mul3A_287 = vector.broadcast %get3A_286 : vector<328x1xf32> to vector<328x128xf32>
    %mul3A_288 = arith.mulf %mul3A_287, %max3A_283 : vector<328x128xf32>
    %add3A_289 = arith.addf %add3A_257, %mul3A_288 : vector<328x128xf32>
    %get3A_290 = arith.constant 9 : index
    %get3A_291 = arith.constant 0 : index
    %get3A_292 = arith.constant 0 : index
    %get3A_293 = vector.load %arg1[%get3A_290, %get3A_291, %get3A_292] : memref<32x328x128xf32, #tpu.memory_space<vmem>>, vector<1x328x128xf32>
    %get3A_294 = vector.shape_cast %get3A_293 : vector<1x328x128xf32> to vector<328x128xf32>
    %add3A_295 = arith.addf %get3A_294, %get3A_1 : vector<328x128xf32>
    %min3A_296 = arith.constant 0.000000e+00 : f32
    %min3A_297 = vector.broadcast %min3A_296 : f32 to vector<328x128xf32>
    %min3A_298 = arith.minimumf %add3A_295, %min3A_297 : vector<328x128xf32>
    %exp3A_299 = math.exp %min3A_298 : vector<328x128xf32>
    %sub3A_300 = arith.constant 1.000000e+00 : f32
    %sub3A_301 = vector.broadcast %sub3A_300 : f32 to vector<328x128xf32>
    %sub3A_302 = arith.subf %exp3A_299, %sub3A_301 : vector<328x128xf32>
    %max3A_303 = arith.maximumf %add3A_295, %sub3A_302 : vector<328x128xf32>
    %dot_general3A_304 = arith.constant dense<0.000000e+00> : vector<328x128xf32>
    %dot_general3A_305 = tpu.matmul %max3A_303, %get3A_4, %dot_general3A_304 {dimension_numbers = #tpu.dot_dimension_numbers<[1], [0], [0], [1], [0, 0, 1, 1], [], []>, transpose_lhs_hint = false} : vector<328x128xf32>, vector<128x128xf32>, vector<328x128xf32> -> vector<328x128xf32>
    %add3A_306 = vector.broadcast %get3A_7 : vector<1x128xf32> to vector<328x128xf32>
    %add3A_307 = arith.addf %dot_general3A_305, %add3A_306 : vector<328x128xf32>
    %min3A_308 = arith.constant 0.000000e+00 : f32
    %min3A_309 = vector.broadcast %min3A_308 : f32 to vector<328x128xf32>
    %min3A_310 = arith.minimumf %add3A_307, %min3A_309 : vector<328x128xf32>
    %exp3A_311 = math.exp %min3A_310 : vector<328x128xf32>
    %sub3A_312 = arith.constant 1.000000e+00 : f32
    %sub3A_313 = vector.broadcast %sub3A_312 : f32 to vector<328x128xf32>
    %sub3A_314 = arith.subf %exp3A_311, %sub3A_313 : vector<328x128xf32>
    %max3A_315 = arith.maximumf %add3A_307, %sub3A_314 : vector<328x128xf32>
    %get3A_316 = arith.constant 0 : index
    %get3A_317 = arith.constant 9 : index
    %get3A_318 = vector.load %arg2[%get3A_316, %get3A_317] : memref<328x32xf32, #tpu.memory_space<vmem>>, vector<328x1xf32>
    %mul3A_319 = vector.broadcast %get3A_318 : vector<328x1xf32> to vector<328x128xf32>
    %mul3A_320 = arith.mulf %mul3A_319, %max3A_315 : vector<328x128xf32>
    %add3A_321 = arith.addf %add3A_289, %mul3A_320 : vector<328x128xf32>
    %get3A_322 = arith.constant 10 : index
    %get3A_323 = arith.constant 0 : index
    %get3A_324 = arith.constant 0 : index
    %get3A_325 = vector.load %arg1[%get3A_322, %get3A_323, %get3A_324] : memref<32x328x128xf32, #tpu.memory_space<vmem>>, vector<1x328x128xf32>
    %get3A_326 = vector.shape_cast %get3A_325 : vector<1x328x128xf32> to vector<328x128xf32>
    %add3A_327 = arith.addf %get3A_326, %get3A_1 : vector<328x128xf32>
    %min3A_328 = arith.constant 0.000000e+00 : f32
    %min3A_329 = vector.broadcast %min3A_328 : f32 to vector<328x128xf32>
    %min3A_330 = arith.minimumf %add3A_327, %min3A_329 : vector<328x128xf32>
    %exp3A_331 = math.exp %min3A_330 : vector<328x128xf32>
    %sub3A_332 = arith.constant 1.000000e+00 : f32
    %sub3A_333 = vector.broadcast %sub3A_332 : f32 to vector<328x128xf32>
    %sub3A_334 = arith.subf %exp3A_331, %sub3A_333 : vector<328x128xf32>
    %max3A_335 = arith.maximumf %add3A_327, %sub3A_334 : vector<328x128xf32>
    %dot_general3A_336 = arith.constant dense<0.000000e+00> : vector<328x128xf32>
    %dot_general3A_337 = tpu.matmul %max3A_335, %get3A_4, %dot_general3A_336 {dimension_numbers = #tpu.dot_dimension_numbers<[1], [0], [0], [1], [0, 0, 1, 1], [], []>, transpose_lhs_hint = false} : vector<328x128xf32>, vector<128x128xf32>, vector<328x128xf32> -> vector<328x128xf32>
    %add3A_338 = vector.broadcast %get3A_7 : vector<1x128xf32> to vector<328x128xf32>
    %add3A_339 = arith.addf %dot_general3A_337, %add3A_338 : vector<328x128xf32>
    %min3A_340 = arith.constant 0.000000e+00 : f32
    %min3A_341 = vector.broadcast %min3A_340 : f32 to vector<328x128xf32>
    %min3A_342 = arith.minimumf %add3A_339, %min3A_341 : vector<328x128xf32>
    %exp3A_343 = math.exp %min3A_342 : vector<328x128xf32>
    %sub3A_344 = arith.constant 1.000000e+00 : f32
    %sub3A_345 = vector.broadcast %sub3A_344 : f32 to vector<328x128xf32>
    %sub3A_346 = arith.subf %exp3A_343, %sub3A_345 : vector<328x128xf32>
    %max3A_347 = arith.maximumf %add3A_339, %sub3A_346 : vector<328x128xf32>
    %get3A_348 = arith.constant 0 : index
    %get3A_349 = arith.constant 10 : index
    %get3A_350 = vector.load %arg2[%get3A_348, %get3A_349] : memref<328x32xf32, #tpu.memory_space<vmem>>, vector<328x1xf32>
    %mul3A_351 = vector.broadcast %get3A_350 : vector<328x1xf32> to vector<328x128xf32>
    %mul3A_352 = arith.mulf %mul3A_351, %max3A_347 : vector<328x128xf32>
    %add3A_353 = arith.addf %add3A_321, %mul3A_352 : vector<328x128xf32>
    %get3A_354 = arith.constant 11 : index
    %get3A_355 = arith.constant 0 : index
    %get3A_356 = arith.constant 0 : index
    %get3A_357 = vector.load %arg1[%get3A_354, %get3A_355, %get3A_356] : memref<32x328x128xf32, #tpu.memory_space<vmem>>, vector<1x328x128xf32>
    %get3A_358 = vector.shape_cast %get3A_357 : vector<1x328x128xf32> to vector<328x128xf32>
    %add3A_359 = arith.addf %get3A_358, %get3A_1 : vector<328x128xf32>
    %min3A_360 = arith.constant 0.000000e+00 : f32
    %min3A_361 = vector.broadcast %min3A_360 : f32 to vector<328x128xf32>
    %min3A_362 = arith.minimumf %add3A_359, %min3A_361 : vector<328x128xf32>
    %exp3A_363 = math.exp %min3A_362 : vector<328x128xf32>
    %sub3A_364 = arith.constant 1.000000e+00 : f32
    %sub3A_365 = vector.broadcast %sub3A_364 : f32 to vector<328x128xf32>
    %sub3A_366 = arith.subf %exp3A_363, %sub3A_365 : vector<328x128xf32>
    %max3A_367 = arith.maximumf %add3A_359, %sub3A_366 : vector<328x128xf32>
    %dot_general3A_368 = arith.constant dense<0.000000e+00> : vector<328x128xf32>
    %dot_general3A_369 = tpu.matmul %max3A_367, %get3A_4, %dot_general3A_368 {dimension_numbers = #tpu.dot_dimension_numbers<[1], [0], [0], [1], [0, 0, 1, 1], [], []>, transpose_lhs_hint = false} : vector<328x128xf32>, vector<128x128xf32>, vector<328x128xf32> -> vector<328x128xf32>
    %add3A_370 = vector.broadcast %get3A_7 : vector<1x128xf32> to vector<328x128xf32>
    %add3A_371 = arith.addf %dot_general3A_369, %add3A_370 : vector<328x128xf32>
    %min3A_372 = arith.constant 0.000000e+00 : f32
    %min3A_373 = vector.broadcast %min3A_372 : f32 to vector<328x128xf32>
    %min3A_374 = arith.minimumf %add3A_371, %min3A_373 : vector<328x128xf32>
    %exp3A_375 = math.exp %min3A_374 : vector<328x128xf32>
    %sub3A_376 = arith.constant 1.000000e+00 : f32
    %sub3A_377 = vector.broadcast %sub3A_376 : f32 to vector<328x128xf32>
    %sub3A_378 = arith.subf %exp3A_375, %sub3A_377 : vector<328x128xf32>
    %max3A_379 = arith.maximumf %add3A_371, %sub3A_378 : vector<328x128xf32>
    %get3A_380 = arith.constant 0 : index
    %get3A_381 = arith.constant 11 : index
    %get3A_382 = vector.load %arg2[%get3A_380, %get3A_381] : memref<328x32xf32, #tpu.memory_space<vmem>>, vector<328x1xf32>
    %mul3A_383 = vector.broadcast %get3A_382 : vector<328x1xf32> to vector<328x128xf32>
    %mul3A_384 = arith.mulf %mul3A_383, %max3A_379 : vector<328x128xf32>
    %add3A_385 = arith.addf %add3A_353, %mul3A_384 : vector<328x128xf32>
    %get3A_386 = arith.constant 12 : index
    %get3A_387 = arith.constant 0 : index
    %get3A_388 = arith.constant 0 : index
    %get3A_389 = vector.load %arg1[%get3A_386, %get3A_387, %get3A_388] : memref<32x328x128xf32, #tpu.memory_space<vmem>>, vector<1x328x128xf32>
    %get3A_390 = vector.shape_cast %get3A_389 : vector<1x328x128xf32> to vector<328x128xf32>
    %add3A_391 = arith.addf %get3A_390, %get3A_1 : vector<328x128xf32>
    %min3A_392 = arith.constant 0.000000e+00 : f32
    %min3A_393 = vector.broadcast %min3A_392 : f32 to vector<328x128xf32>
    %min3A_394 = arith.minimumf %add3A_391, %min3A_393 : vector<328x128xf32>
    %exp3A_395 = math.exp %min3A_394 : vector<328x128xf32>
    %sub3A_396 = arith.constant 1.000000e+00 : f32
    %sub3A_397 = vector.broadcast %sub3A_396 : f32 to vector<328x128xf32>
    %sub3A_398 = arith.subf %exp3A_395, %sub3A_397 : vector<328x128xf32>
    %max3A_399 = arith.maximumf %add3A_391, %sub3A_398 : vector<328x128xf32>
    %dot_general3A_400 = arith.constant dense<0.000000e+00> : vector<328x128xf32>
    %dot_general3A_401 = tpu.matmul %max3A_399, %get3A_4, %dot_general3A_400 {dimension_numbers = #tpu.dot_dimension_numbers<[1], [0], [0], [1], [0, 0, 1, 1], [], []>, transpose_lhs_hint = false} : vector<328x128xf32>, vector<128x128xf32>, vector<328x128xf32> -> vector<328x128xf32>
    %add3A_402 = vector.broadcast %get3A_7 : vector<1x128xf32> to vector<328x128xf32>
    %add3A_403 = arith.addf %dot_general3A_401, %add3A_402 : vector<328x128xf32>
    %min3A_404 = arith.constant 0.000000e+00 : f32
    %min3A_405 = vector.broadcast %min3A_404 : f32 to vector<328x128xf32>
    %min3A_406 = arith.minimumf %add3A_403, %min3A_405 : vector<328x128xf32>
    %exp3A_407 = math.exp %min3A_406 : vector<328x128xf32>
    %sub3A_408 = arith.constant 1.000000e+00 : f32
    %sub3A_409 = vector.broadcast %sub3A_408 : f32 to vector<328x128xf32>
    %sub3A_410 = arith.subf %exp3A_407, %sub3A_409 : vector<328x128xf32>
    %max3A_411 = arith.maximumf %add3A_403, %sub3A_410 : vector<328x128xf32>
    %get3A_412 = arith.constant 0 : index
    %get3A_413 = arith.constant 12 : index
    %get3A_414 = vector.load %arg2[%get3A_412, %get3A_413] : memref<328x32xf32, #tpu.memory_space<vmem>>, vector<328x1xf32>
    %mul3A_415 = vector.broadcast %get3A_414 : vector<328x1xf32> to vector<328x128xf32>
    %mul3A_416 = arith.mulf %mul3A_415, %max3A_411 : vector<328x128xf32>
    %add3A_417 = arith.addf %add3A_385, %mul3A_416 : vector<328x128xf32>
    %get3A_418 = arith.constant 13 : index
    %get3A_419 = arith.constant 0 : index
    %get3A_420 = arith.constant 0 : index
    %get3A_421 = vector.load %arg1[%get3A_418, %get3A_419, %get3A_420] : memref<32x328x128xf32, #tpu.memory_space<vmem>>, vector<1x328x128xf32>
    %get3A_422 = vector.shape_cast %get3A_421 : vector<1x328x128xf32> to vector<328x128xf32>
    %add3A_423 = arith.addf %get3A_422, %get3A_1 : vector<328x128xf32>
    %min3A_424 = arith.constant 0.000000e+00 : f32
    %min3A_425 = vector.broadcast %min3A_424 : f32 to vector<328x128xf32>
    %min3A_426 = arith.minimumf %add3A_423, %min3A_425 : vector<328x128xf32>
    %exp3A_427 = math.exp %min3A_426 : vector<328x128xf32>
    %sub3A_428 = arith.constant 1.000000e+00 : f32
    %sub3A_429 = vector.broadcast %sub3A_428 : f32 to vector<328x128xf32>
    %sub3A_430 = arith.subf %exp3A_427, %sub3A_429 : vector<328x128xf32>
    %max3A_431 = arith.maximumf %add3A_423, %sub3A_430 : vector<328x128xf32>
    %dot_general3A_432 = arith.constant dense<0.000000e+00> : vector<328x128xf32>
    %dot_general3A_433 = tpu.matmul %max3A_431, %get3A_4, %dot_general3A_432 {dimension_numbers = #tpu.dot_dimension_numbers<[1], [0], [0], [1], [0, 0, 1, 1], [], []>, transpose_lhs_hint = false} : vector<328x128xf32>, vector<128x128xf32>, vector<328x128xf32> -> vector<328x128xf32>
    %add3A_434 = vector.broadcast %get3A_7 : vector<1x128xf32> to vector<328x128xf32>
    %add3A_435 = arith.addf %dot_general3A_433, %add3A_434 : vector<328x128xf32>
    %min3A_436 = arith.constant 0.000000e+00 : f32
    %min3A_437 = vector.broadcast %min3A_436 : f32 to vector<328x128xf32>
    %min3A_438 = arith.minimumf %add3A_435, %min3A_437 : vector<328x128xf32>
    %exp3A_439 = math.exp %min3A_438 : vector<328x128xf32>
    %sub3A_440 = arith.constant 1.000000e+00 : f32
    %sub3A_441 = vector.broadcast %sub3A_440 : f32 to vector<328x128xf32>
    %sub3A_442 = arith.subf %exp3A_439, %sub3A_441 : vector<328x128xf32>
    %max3A_443 = arith.maximumf %add3A_435, %sub3A_442 : vector<328x128xf32>
    %get3A_444 = arith.constant 0 : index
    %get3A_445 = arith.constant 13 : index
    %get3A_446 = vector.load %arg2[%get3A_444, %get3A_445] : memref<328x32xf32, #tpu.memory_space<vmem>>, vector<328x1xf32>
    %mul3A_447 = vector.broadcast %get3A_446 : vector<328x1xf32> to vector<328x128xf32>
    %mul3A_448 = arith.mulf %mul3A_447, %max3A_443 : vector<328x128xf32>
    %add3A_449 = arith.addf %add3A_417, %mul3A_448 : vector<328x128xf32>
    %get3A_450 = arith.constant 14 : index
    %get3A_451 = arith.constant 0 : index
    %get3A_452 = arith.constant 0 : index
    %get3A_453 = vector.load %arg1[%get3A_450, %get3A_451, %get3A_452] : memref<32x328x128xf32, #tpu.memory_space<vmem>>, vector<1x328x128xf32>
    %get3A_454 = vector.shape_cast %get3A_453 : vector<1x328x128xf32> to vector<328x128xf32>
    %add3A_455 = arith.addf %get3A_454, %get3A_1 : vector<328x128xf32>
    %min3A_456 = arith.constant 0.000000e+00 : f32
    %min3A_457 = vector.broadcast %min3A_456 : f32 to vector<328x128xf32>
    %min3A_458 = arith.minimumf %add3A_455, %min3A_457 : vector<328x128xf32>
    %exp3A_459 = math.exp %min3A_458 : vector<328x128xf32>
    %sub3A_460 = arith.constant 1.000000e+00 : f32
    %sub3A_461 = vector.broadcast %sub3A_460 : f32 to vector<328x128xf32>
    %sub3A_462 = arith.subf %exp3A_459, %sub3A_461 : vector<328x128xf32>
    %max3A_463 = arith.maximumf %add3A_455, %sub3A_462 : vector<328x128xf32>
    %dot_general3A_464 = arith.constant dense<0.000000e+00> : vector<328x128xf32>
    %dot_general3A_465 = tpu.matmul %max3A_463, %get3A_4, %dot_general3A_464 {dimension_numbers = #tpu.dot_dimension_numbers<[1], [0], [0], [1], [0, 0, 1, 1], [], []>, transpose_lhs_hint = false} : vector<328x128xf32>, vector<128x128xf32>, vector<328x128xf32> -> vector<328x128xf32>
    %add3A_466 = vector.broadcast %get3A_7 : vector<1x128xf32> to vector<328x128xf32>
    %add3A_467 = arith.addf %dot_general3A_465, %add3A_466 : vector<328x128xf32>
    %min3A_468 = arith.constant 0.000000e+00 : f32
    %min3A_469 = vector.broadcast %min3A_468 : f32 to vector<328x128xf32>
    %min3A_470 = arith.minimumf %add3A_467, %min3A_469 : vector<328x128xf32>
    %exp3A_471 = math.exp %min3A_470 : vector<328x128xf32>
    %sub3A_472 = arith.constant 1.000000e+00 : f32
    %sub3A_473 = vector.broadcast %sub3A_472 : f32 to vector<328x128xf32>
    %sub3A_474 = arith.subf %exp3A_471, %sub3A_473 : vector<328x128xf32>
    %max3A_475 = arith.maximumf %add3A_467, %sub3A_474 : vector<328x128xf32>
    %get3A_476 = arith.constant 0 : index
    %get3A_477 = arith.constant 14 : index
    %get3A_478 = vector.load %arg2[%get3A_476, %get3A_477] : memref<328x32xf32, #tpu.memory_space<vmem>>, vector<328x1xf32>
    %mul3A_479 = vector.broadcast %get3A_478 : vector<328x1xf32> to vector<328x128xf32>
    %mul3A_480 = arith.mulf %mul3A_479, %max3A_475 : vector<328x128xf32>
    %add3A_481 = arith.addf %add3A_449, %mul3A_480 : vector<328x128xf32>
    %get3A_482 = arith.constant 15 : index
    %get3A_483 = arith.constant 0 : index
    %get3A_484 = arith.constant 0 : index
    %get3A_485 = vector.load %arg1[%get3A_482, %get3A_483, %get3A_484] : memref<32x328x128xf32, #tpu.memory_space<vmem>>, vector<1x328x128xf32>
    %get3A_486 = vector.shape_cast %get3A_485 : vector<1x328x128xf32> to vector<328x128xf32>
    %add3A_487 = arith.addf %get3A_486, %get3A_1 : vector<328x128xf32>
    %min3A_488 = arith.constant 0.000000e+00 : f32
    %min3A_489 = vector.broadcast %min3A_488 : f32 to vector<328x128xf32>
    %min3A_490 = arith.minimumf %add3A_487, %min3A_489 : vector<328x128xf32>
    %exp3A_491 = math.exp %min3A_490 : vector<328x128xf32>
    %sub3A_492 = arith.constant 1.000000e+00 : f32
    %sub3A_493 = vector.broadcast %sub3A_492 : f32 to vector<328x128xf32>
    %sub3A_494 = arith.subf %exp3A_491, %sub3A_493 : vector<328x128xf32>
    %max3A_495 = arith.maximumf %add3A_487, %sub3A_494 : vector<328x128xf32>
    %dot_general3A_496 = arith.constant dense<0.000000e+00> : vector<328x128xf32>
    %dot_general3A_497 = tpu.matmul %max3A_495, %get3A_4, %dot_general3A_496 {dimension_numbers = #tpu.dot_dimension_numbers<[1], [0], [0], [1], [0, 0, 1, 1], [], []>, transpose_lhs_hint = false} : vector<328x128xf32>, vector<128x128xf32>, vector<328x128xf32> -> vector<328x128xf32>
    %add3A_498 = vector.broadcast %get3A_7 : vector<1x128xf32> to vector<328x128xf32>
    %add3A_499 = arith.addf %dot_general3A_497, %add3A_498 : vector<328x128xf32>
    %min3A_500 = arith.constant 0.000000e+00 : f32
    %min3A_501 = vector.broadcast %min3A_500 : f32 to vector<328x128xf32>
    %min3A_502 = arith.minimumf %add3A_499, %min3A_501 : vector<328x128xf32>
    %exp3A_503 = math.exp %min3A_502 : vector<328x128xf32>
    %sub3A_504 = arith.constant 1.000000e+00 : f32
    %sub3A_505 = vector.broadcast %sub3A_504 : f32 to vector<328x128xf32>
    %sub3A_506 = arith.subf %exp3A_503, %sub3A_505 : vector<328x128xf32>
    %max3A_507 = arith.maximumf %add3A_499, %sub3A_506 : vector<328x128xf32>
    %get3A_508 = arith.constant 0 : index
    %get3A_509 = arith.constant 15 : index
    %get3A_510 = vector.load %arg2[%get3A_508, %get3A_509] : memref<328x32xf32, #tpu.memory_space<vmem>>, vector<328x1xf32>
    %mul3A_511 = vector.broadcast %get3A_510 : vector<328x1xf32> to vector<328x128xf32>
    %mul3A_512 = arith.mulf %mul3A_511, %max3A_507 : vector<328x128xf32>
    %add3A_513 = arith.addf %add3A_481, %mul3A_512 : vector<328x128xf32>
    %get3A_514 = arith.constant 16 : index
    %get3A_515 = arith.constant 0 : index
    %get3A_516 = arith.constant 0 : index
    %get3A_517 = vector.load %arg1[%get3A_514, %get3A_515, %get3A_516] : memref<32x328x128xf32, #tpu.memory_space<vmem>>, vector<1x328x128xf32>
    %get3A_518 = vector.shape_cast %get3A_517 : vector<1x328x128xf32> to vector<328x128xf32>
    %add3A_519 = arith.addf %get3A_518, %get3A_1 : vector<328x128xf32>
    %min3A_520 = arith.constant 0.000000e+00 : f32
    %min3A_521 = vector.broadcast %min3A_520 : f32 to vector<328x128xf32>
    %min3A_522 = arith.minimumf %add3A_519, %min3A_521 : vector<328x128xf32>
    %exp3A_523 = math.exp %min3A_522 : vector<328x128xf32>
    %sub3A_524 = arith.constant 1.000000e+00 : f32
    %sub3A_525 = vector.broadcast %sub3A_524 : f32 to vector<328x128xf32>
    %sub3A_526 = arith.subf %exp3A_523, %sub3A_525 : vector<328x128xf32>
    %max3A_527 = arith.maximumf %add3A_519, %sub3A_526 : vector<328x128xf32>
    %dot_general3A_528 = arith.constant dense<0.000000e+00> : vector<328x128xf32>
    %dot_general3A_529 = tpu.matmul %max3A_527, %get3A_4, %dot_general3A_528 {dimension_numbers = #tpu.dot_dimension_numbers<[1], [0], [0], [1], [0, 0, 1, 1], [], []>, transpose_lhs_hint = false} : vector<328x128xf32>, vector<128x128xf32>, vector<328x128xf32> -> vector<328x128xf32>
    %add3A_530 = vector.broadcast %get3A_7 : vector<1x128xf32> to vector<328x128xf32>
    %add3A_531 = arith.addf %dot_general3A_529, %add3A_530 : vector<328x128xf32>
    %min3A_532 = arith.constant 0.000000e+00 : f32
    %min3A_533 = vector.broadcast %min3A_532 : f32 to vector<328x128xf32>
    %min3A_534 = arith.minimumf %add3A_531, %min3A_533 : vector<328x128xf32>
    %exp3A_535 = math.exp %min3A_534 : vector<328x128xf32>
    %sub3A_536 = arith.constant 1.000000e+00 : f32
    %sub3A_537 = vector.broadcast %sub3A_536 : f32 to vector<328x128xf32>
    %sub3A_538 = arith.subf %exp3A_535, %sub3A_537 : vector<328x128xf32>
    %max3A_539 = arith.maximumf %add3A_531, %sub3A_538 : vector<328x128xf32>
    %get3A_540 = arith.constant 0 : index
    %get3A_541 = arith.constant 16 : index
    %get3A_542 = vector.load %arg2[%get3A_540, %get3A_541] : memref<328x32xf32, #tpu.memory_space<vmem>>, vector<328x1xf32>
    %mul3A_543 = vector.broadcast %get3A_542 : vector<328x1xf32> to vector<328x128xf32>
    %mul3A_544 = arith.mulf %mul3A_543, %max3A_539 : vector<328x128xf32>
    %add3A_545 = arith.addf %add3A_513, %mul3A_544 : vector<328x128xf32>
    %get3A_546 = arith.constant 17 : index
    %get3A_547 = arith.constant 0 : index
    %get3A_548 = arith.constant 0 : index
    %get3A_549 = vector.load %arg1[%get3A_546, %get3A_547, %get3A_548] : memref<32x328x128xf32, #tpu.memory_space<vmem>>, vector<1x328x128xf32>
    %get3A_550 = vector.shape_cast %get3A_549 : vector<1x328x128xf32> to vector<328x128xf32>
    %add3A_551 = arith.addf %get3A_550, %get3A_1 : vector<328x128xf32>
    %min3A_552 = arith.constant 0.000000e+00 : f32
    %min3A_553 = vector.broadcast %min3A_552 : f32 to vector<328x128xf32>
    %min3A_554 = arith.minimumf %add3A_551, %min3A_553 : vector<328x128xf32>
    %exp3A_555 = math.exp %min3A_554 : vector<328x128xf32>
    %sub3A_556 = arith.constant 1.000000e+00 : f32
    %sub3A_557 = vector.broadcast %sub3A_556 : f32 to vector<328x128xf32>
    %sub3A_558 = arith.subf %exp3A_555, %sub3A_557 : vector<328x128xf32>
    %max3A_559 = arith.maximumf %add3A_551, %sub3A_558 : vector<328x128xf32>
    %dot_general3A_560 = arith.constant dense<0.000000e+00> : vector<328x128xf32>
    %dot_general3A_561 = tpu.matmul %max3A_559, %get3A_4, %dot_general3A_560 {dimension_numbers = #tpu.dot_dimension_numbers<[1], [0], [0], [1], [0, 0, 1, 1], [], []>, transpose_lhs_hint = false} : vector<328x128xf32>, vector<128x128xf32>, vector<328x128xf32> -> vector<328x128xf32>
    %add3A_562 = vector.broadcast %get3A_7 : vector<1x128xf32> to vector<328x128xf32>
    %add3A_563 = arith.addf %dot_general3A_561, %add3A_562 : vector<328x128xf32>
    %min3A_564 = arith.constant 0.000000e+00 : f32
    %min3A_565 = vector.broadcast %min3A_564 : f32 to vector<328x128xf32>
    %min3A_566 = arith.minimumf %add3A_563, %min3A_565 : vector<328x128xf32>
    %exp3A_567 = math.exp %min3A_566 : vector<328x128xf32>
    %sub3A_568 = arith.constant 1.000000e+00 : f32
    %sub3A_569 = vector.broadcast %sub3A_568 : f32 to vector<328x128xf32>
    %sub3A_570 = arith.subf %exp3A_567, %sub3A_569 : vector<328x128xf32>
    %max3A_571 = arith.maximumf %add3A_563, %sub3A_570 : vector<328x128xf32>
    %get3A_572 = arith.constant 0 : index
    %get3A_573 = arith.constant 17 : index
    %get3A_574 = vector.load %arg2[%get3A_572, %get3A_573] : memref<328x32xf32, #tpu.memory_space<vmem>>, vector<328x1xf32>
    %mul3A_575 = vector.broadcast %get3A_574 : vector<328x1xf32> to vector<328x128xf32>
    %mul3A_576 = arith.mulf %mul3A_575, %max3A_571 : vector<328x128xf32>
    %add3A_577 = arith.addf %add3A_545, %mul3A_576 : vector<328x128xf32>
    %get3A_578 = arith.constant 18 : index
    %get3A_579 = arith.constant 0 : index
    %get3A_580 = arith.constant 0 : index
    %get3A_581 = vector.load %arg1[%get3A_578, %get3A_579, %get3A_580] : memref<32x328x128xf32, #tpu.memory_space<vmem>>, vector<1x328x128xf32>
    %get3A_582 = vector.shape_cast %get3A_581 : vector<1x328x128xf32> to vector<328x128xf32>
    %add3A_583 = arith.addf %get3A_582, %get3A_1 : vector<328x128xf32>
    %min3A_584 = arith.constant 0.000000e+00 : f32
    %min3A_585 = vector.broadcast %min3A_584 : f32 to vector<328x128xf32>
    %min3A_586 = arith.minimumf %add3A_583, %min3A_585 : vector<328x128xf32>
    %exp3A_587 = math.exp %min3A_586 : vector<328x128xf32>
    %sub3A_588 = arith.constant 1.000000e+00 : f32
    %sub3A_589 = vector.broadcast %sub3A_588 : f32 to vector<328x128xf32>
    %sub3A_590 = arith.subf %exp3A_587, %sub3A_589 : vector<328x128xf32>
    %max3A_591 = arith.maximumf %add3A_583, %sub3A_590 : vector<328x128xf32>
    %dot_general3A_592 = arith.constant dense<0.000000e+00> : vector<328x128xf32>
    %dot_general3A_593 = tpu.matmul %max3A_591, %get3A_4, %dot_general3A_592 {dimension_numbers = #tpu.dot_dimension_numbers<[1], [0], [0], [1], [0, 0, 1, 1], [], []>, transpose_lhs_hint = false} : vector<328x128xf32>, vector<128x128xf32>, vector<328x128xf32> -> vector<328x128xf32>
    %add3A_594 = vector.broadcast %get3A_7 : vector<1x128xf32> to vector<328x128xf32>
    %add3A_595 = arith.addf %dot_general3A_593, %add3A_594 : vector<328x128xf32>
    %min3A_596 = arith.constant 0.000000e+00 : f32
    %min3A_597 = vector.broadcast %min3A_596 : f32 to vector<328x128xf32>
    %min3A_598 = arith.minimumf %add3A_595, %min3A_597 : vector<328x128xf32>
    %exp3A_599 = math.exp %min3A_598 : vector<328x128xf32>
    %sub3A_600 = arith.constant 1.000000e+00 : f32
    %sub3A_601 = vector.broadcast %sub3A_600 : f32 to vector<328x128xf32>
    %sub3A_602 = arith.subf %exp3A_599, %sub3A_601 : vector<328x128xf32>
    %max3A_603 = arith.maximumf %add3A_595, %sub3A_602 : vector<328x128xf32>
    %get3A_604 = arith.constant 0 : index
    %get3A_605 = arith.constant 18 : index
    %get3A_606 = vector.load %arg2[%get3A_604, %get3A_605] : memref<328x32xf32, #tpu.memory_space<vmem>>, vector<328x1xf32>
    %mul3A_607 = vector.broadcast %get3A_606 : vector<328x1xf32> to vector<328x128xf32>
    %mul3A_608 = arith.mulf %mul3A_607, %max3A_603 : vector<328x128xf32>
    %add3A_609 = arith.addf %add3A_577, %mul3A_608 : vector<328x128xf32>
    %get3A_610 = arith.constant 19 : index
    %get3A_611 = arith.constant 0 : index
    %get3A_612 = arith.constant 0 : index
    %get3A_613 = vector.load %arg1[%get3A_610, %get3A_611, %get3A_612] : memref<32x328x128xf32, #tpu.memory_space<vmem>>, vector<1x328x128xf32>
    %get3A_614 = vector.shape_cast %get3A_613 : vector<1x328x128xf32> to vector<328x128xf32>
    %add3A_615 = arith.addf %get3A_614, %get3A_1 : vector<328x128xf32>
    %min3A_616 = arith.constant 0.000000e+00 : f32
    %min3A_617 = vector.broadcast %min3A_616 : f32 to vector<328x128xf32>
    %min3A_618 = arith.minimumf %add3A_615, %min3A_617 : vector<328x128xf32>
    %exp3A_619 = math.exp %min3A_618 : vector<328x128xf32>
    %sub3A_620 = arith.constant 1.000000e+00 : f32
    %sub3A_621 = vector.broadcast %sub3A_620 : f32 to vector<328x128xf32>
    %sub3A_622 = arith.subf %exp3A_619, %sub3A_621 : vector<328x128xf32>
    %max3A_623 = arith.maximumf %add3A_615, %sub3A_622 : vector<328x128xf32>
    %dot_general3A_624 = arith.constant dense<0.000000e+00> : vector<328x128xf32>
    %dot_general3A_625 = tpu.matmul %max3A_623, %get3A_4, %dot_general3A_624 {dimension_numbers = #tpu.dot_dimension_numbers<[1], [0], [0], [1], [0, 0, 1, 1], [], []>, transpose_lhs_hint = false} : vector<328x128xf32>, vector<128x128xf32>, vector<328x128xf32> -> vector<328x128xf32>
    %add3A_626 = vector.broadcast %get3A_7 : vector<1x128xf32> to vector<328x128xf32>
    %add3A_627 = arith.addf %dot_general3A_625, %add3A_626 : vector<328x128xf32>
    %min3A_628 = arith.constant 0.000000e+00 : f32
    %min3A_629 = vector.broadcast %min3A_628 : f32 to vector<328x128xf32>
    %min3A_630 = arith.minimumf %add3A_627, %min3A_629 : vector<328x128xf32>
    %exp3A_631 = math.exp %min3A_630 : vector<328x128xf32>
    %sub3A_632 = arith.constant 1.000000e+00 : f32
    %sub3A_633 = vector.broadcast %sub3A_632 : f32 to vector<328x128xf32>
    %sub3A_634 = arith.subf %exp3A_631, %sub3A_633 : vector<328x128xf32>
    %max3A_635 = arith.maximumf %add3A_627, %sub3A_634 : vector<328x128xf32>
    %get3A_636 = arith.constant 0 : index
    %get3A_637 = arith.constant 19 : index
    %get3A_638 = vector.load %arg2[%get3A_636, %get3A_637] : memref<328x32xf32, #tpu.memory_space<vmem>>, vector<328x1xf32>
    %mul3A_639 = vector.broadcast %get3A_638 : vector<328x1xf32> to vector<328x128xf32>
    %mul3A_640 = arith.mulf %mul3A_639, %max3A_635 : vector<328x128xf32>
    %add3A_641 = arith.addf %add3A_609, %mul3A_640 : vector<328x128xf32>
    %get3A_642 = arith.constant 20 : index
    %get3A_643 = arith.constant 0 : index
    %get3A_644 = arith.constant 0 : index
    %get3A_645 = vector.load %arg1[%get3A_642, %get3A_643, %get3A_644] : memref<32x328x128xf32, #tpu.memory_space<vmem>>, vector<1x328x128xf32>
    %get3A_646 = vector.shape_cast %get3A_645 : vector<1x328x128xf32> to vector<328x128xf32>
    %add3A_647 = arith.addf %get3A_646, %get3A_1 : vector<328x128xf32>
    %min3A_648 = arith.constant 0.000000e+00 : f32
    %min3A_649 = vector.broadcast %min3A_648 : f32 to vector<328x128xf32>
    %min3A_650 = arith.minimumf %add3A_647, %min3A_649 : vector<328x128xf32>
    %exp3A_651 = math.exp %min3A_650 : vector<328x128xf32>
    %sub3A_652 = arith.constant 1.000000e+00 : f32
    %sub3A_653 = vector.broadcast %sub3A_652 : f32 to vector<328x128xf32>
    %sub3A_654 = arith.subf %exp3A_651, %sub3A_653 : vector<328x128xf32>
    %max3A_655 = arith.maximumf %add3A_647, %sub3A_654 : vector<328x128xf32>
    %dot_general3A_656 = arith.constant dense<0.000000e+00> : vector<328x128xf32>
    %dot_general3A_657 = tpu.matmul %max3A_655, %get3A_4, %dot_general3A_656 {dimension_numbers = #tpu.dot_dimension_numbers<[1], [0], [0], [1], [0, 0, 1, 1], [], []>, transpose_lhs_hint = false} : vector<328x128xf32>, vector<128x128xf32>, vector<328x128xf32> -> vector<328x128xf32>
    %add3A_658 = vector.broadcast %get3A_7 : vector<1x128xf32> to vector<328x128xf32>
    %add3A_659 = arith.addf %dot_general3A_657, %add3A_658 : vector<328x128xf32>
    %min3A_660 = arith.constant 0.000000e+00 : f32
    %min3A_661 = vector.broadcast %min3A_660 : f32 to vector<328x128xf32>
    %min3A_662 = arith.minimumf %add3A_659, %min3A_661 : vector<328x128xf32>
    %exp3A_663 = math.exp %min3A_662 : vector<328x128xf32>
    %sub3A_664 = arith.constant 1.000000e+00 : f32
    %sub3A_665 = vector.broadcast %sub3A_664 : f32 to vector<328x128xf32>
    %sub3A_666 = arith.subf %exp3A_663, %sub3A_665 : vector<328x128xf32>
    %max3A_667 = arith.maximumf %add3A_659, %sub3A_666 : vector<328x128xf32>
    %get3A_668 = arith.constant 0 : index
    %get3A_669 = arith.constant 20 : index
    %get3A_670 = vector.load %arg2[%get3A_668, %get3A_669] : memref<328x32xf32, #tpu.memory_space<vmem>>, vector<328x1xf32>
    %mul3A_671 = vector.broadcast %get3A_670 : vector<328x1xf32> to vector<328x128xf32>
    %mul3A_672 = arith.mulf %mul3A_671, %max3A_667 : vector<328x128xf32>
    %add3A_673 = arith.addf %add3A_641, %mul3A_672 : vector<328x128xf32>
    %get3A_674 = arith.constant 21 : index
    %get3A_675 = arith.constant 0 : index
    %get3A_676 = arith.constant 0 : index
    %get3A_677 = vector.load %arg1[%get3A_674, %get3A_675, %get3A_676] : memref<32x328x128xf32, #tpu.memory_space<vmem>>, vector<1x328x128xf32>
    %get3A_678 = vector.shape_cast %get3A_677 : vector<1x328x128xf32> to vector<328x128xf32>
    %add3A_679 = arith.addf %get3A_678, %get3A_1 : vector<328x128xf32>
    %min3A_680 = arith.constant 0.000000e+00 : f32
    %min3A_681 = vector.broadcast %min3A_680 : f32 to vector<328x128xf32>
    %min3A_682 = arith.minimumf %add3A_679, %min3A_681 : vector<328x128xf32>
    %exp3A_683 = math.exp %min3A_682 : vector<328x128xf32>
    %sub3A_684 = arith.constant 1.000000e+00 : f32
    %sub3A_685 = vector.broadcast %sub3A_684 : f32 to vector<328x128xf32>
    %sub3A_686 = arith.subf %exp3A_683, %sub3A_685 : vector<328x128xf32>
    %max3A_687 = arith.maximumf %add3A_679, %sub3A_686 : vector<328x128xf32>
    %dot_general3A_688 = arith.constant dense<0.000000e+00> : vector<328x128xf32>
    %dot_general3A_689 = tpu.matmul %max3A_687, %get3A_4, %dot_general3A_688 {dimension_numbers = #tpu.dot_dimension_numbers<[1], [0], [0], [1], [0, 0, 1, 1], [], []>, transpose_lhs_hint = false} : vector<328x128xf32>, vector<128x128xf32>, vector<328x128xf32> -> vector<328x128xf32>
    %add3A_690 = vector.broadcast %get3A_7 : vector<1x128xf32> to vector<328x128xf32>
    %add3A_691 = arith.addf %dot_general3A_689, %add3A_690 : vector<328x128xf32>
    %min3A_692 = arith.constant 0.000000e+00 : f32
    %min3A_693 = vector.broadcast %min3A_692 : f32 to vector<328x128xf32>
    %min3A_694 = arith.minimumf %add3A_691, %min3A_693 : vector<328x128xf32>
    %exp3A_695 = math.exp %min3A_694 : vector<328x128xf32>
    %sub3A_696 = arith.constant 1.000000e+00 : f32
    %sub3A_697 = vector.broadcast %sub3A_696 : f32 to vector<328x128xf32>
    %sub3A_698 = arith.subf %exp3A_695, %sub3A_697 : vector<328x128xf32>
    %max3A_699 = arith.maximumf %add3A_691, %sub3A_698 : vector<328x128xf32>
    %get3A_700 = arith.constant 0 : index
    %get3A_701 = arith.constant 21 : index
    %get3A_702 = vector.load %arg2[%get3A_700, %get3A_701] : memref<328x32xf32, #tpu.memory_space<vmem>>, vector<328x1xf32>
    %mul3A_703 = vector.broadcast %get3A_702 : vector<328x1xf32> to vector<328x128xf32>
    %mul3A_704 = arith.mulf %mul3A_703, %max3A_699 : vector<328x128xf32>
    %add3A_705 = arith.addf %add3A_673, %mul3A_704 : vector<328x128xf32>
    %get3A_706 = arith.constant 22 : index
    %get3A_707 = arith.constant 0 : index
    %get3A_708 = arith.constant 0 : index
    %get3A_709 = vector.load %arg1[%get3A_706, %get3A_707, %get3A_708] : memref<32x328x128xf32, #tpu.memory_space<vmem>>, vector<1x328x128xf32>
    %get3A_710 = vector.shape_cast %get3A_709 : vector<1x328x128xf32> to vector<328x128xf32>
    %add3A_711 = arith.addf %get3A_710, %get3A_1 : vector<328x128xf32>
    %min3A_712 = arith.constant 0.000000e+00 : f32
    %min3A_713 = vector.broadcast %min3A_712 : f32 to vector<328x128xf32>
    %min3A_714 = arith.minimumf %add3A_711, %min3A_713 : vector<328x128xf32>
    %exp3A_715 = math.exp %min3A_714 : vector<328x128xf32>
    %sub3A_716 = arith.constant 1.000000e+00 : f32
    %sub3A_717 = vector.broadcast %sub3A_716 : f32 to vector<328x128xf32>
    %sub3A_718 = arith.subf %exp3A_715, %sub3A_717 : vector<328x128xf32>
    %max3A_719 = arith.maximumf %add3A_711, %sub3A_718 : vector<328x128xf32>
    %dot_general3A_720 = arith.constant dense<0.000000e+00> : vector<328x128xf32>
    %dot_general3A_721 = tpu.matmul %max3A_719, %get3A_4, %dot_general3A_720 {dimension_numbers = #tpu.dot_dimension_numbers<[1], [0], [0], [1], [0, 0, 1, 1], [], []>, transpose_lhs_hint = false} : vector<328x128xf32>, vector<128x128xf32>, vector<328x128xf32> -> vector<328x128xf32>
    %add3A_722 = vector.broadcast %get3A_7 : vector<1x128xf32> to vector<328x128xf32>
    %add3A_723 = arith.addf %dot_general3A_721, %add3A_722 : vector<328x128xf32>
    %min3A_724 = arith.constant 0.000000e+00 : f32
    %min3A_725 = vector.broadcast %min3A_724 : f32 to vector<328x128xf32>
    %min3A_726 = arith.minimumf %add3A_723, %min3A_725 : vector<328x128xf32>
    %exp3A_727 = math.exp %min3A_726 : vector<328x128xf32>
    %sub3A_728 = arith.constant 1.000000e+00 : f32
    %sub3A_729 = vector.broadcast %sub3A_728 : f32 to vector<328x128xf32>
    %sub3A_730 = arith.subf %exp3A_727, %sub3A_729 : vector<328x128xf32>
    %max3A_731 = arith.maximumf %add3A_723, %sub3A_730 : vector<328x128xf32>
    %get3A_732 = arith.constant 0 : index
    %get3A_733 = arith.constant 22 : index
    %get3A_734 = vector.load %arg2[%get3A_732, %get3A_733] : memref<328x32xf32, #tpu.memory_space<vmem>>, vector<328x1xf32>
    %mul3A_735 = vector.broadcast %get3A_734 : vector<328x1xf32> to vector<328x128xf32>
    %mul3A_736 = arith.mulf %mul3A_735, %max3A_731 : vector<328x128xf32>
    %add3A_737 = arith.addf %add3A_705, %mul3A_736 : vector<328x128xf32>
    %get3A_738 = arith.constant 23 : index
    %get3A_739 = arith.constant 0 : index
    %get3A_740 = arith.constant 0 : index
    %get3A_741 = vector.load %arg1[%get3A_738, %get3A_739, %get3A_740] : memref<32x328x128xf32, #tpu.memory_space<vmem>>, vector<1x328x128xf32>
    %get3A_742 = vector.shape_cast %get3A_741 : vector<1x328x128xf32> to vector<328x128xf32>
    %add3A_743 = arith.addf %get3A_742, %get3A_1 : vector<328x128xf32>
    %min3A_744 = arith.constant 0.000000e+00 : f32
    %min3A_745 = vector.broadcast %min3A_744 : f32 to vector<328x128xf32>
    %min3A_746 = arith.minimumf %add3A_743, %min3A_745 : vector<328x128xf32>
    %exp3A_747 = math.exp %min3A_746 : vector<328x128xf32>
    %sub3A_748 = arith.constant 1.000000e+00 : f32
    %sub3A_749 = vector.broadcast %sub3A_748 : f32 to vector<328x128xf32>
    %sub3A_750 = arith.subf %exp3A_747, %sub3A_749 : vector<328x128xf32>
    %max3A_751 = arith.maximumf %add3A_743, %sub3A_750 : vector<328x128xf32>
    %dot_general3A_752 = arith.constant dense<0.000000e+00> : vector<328x128xf32>
    %dot_general3A_753 = tpu.matmul %max3A_751, %get3A_4, %dot_general3A_752 {dimension_numbers = #tpu.dot_dimension_numbers<[1], [0], [0], [1], [0, 0, 1, 1], [], []>, transpose_lhs_hint = false} : vector<328x128xf32>, vector<128x128xf32>, vector<328x128xf32> -> vector<328x128xf32>
    %add3A_754 = vector.broadcast %get3A_7 : vector<1x128xf32> to vector<328x128xf32>
    %add3A_755 = arith.addf %dot_general3A_753, %add3A_754 : vector<328x128xf32>
    %min3A_756 = arith.constant 0.000000e+00 : f32
    %min3A_757 = vector.broadcast %min3A_756 : f32 to vector<328x128xf32>
    %min3A_758 = arith.minimumf %add3A_755, %min3A_757 : vector<328x128xf32>
    %exp3A_759 = math.exp %min3A_758 : vector<328x128xf32>
    %sub3A_760 = arith.constant 1.000000e+00 : f32
    %sub3A_761 = vector.broadcast %sub3A_760 : f32 to vector<328x128xf32>
    %sub3A_762 = arith.subf %exp3A_759, %sub3A_761 : vector<328x128xf32>
    %max3A_763 = arith.maximumf %add3A_755, %sub3A_762 : vector<328x128xf32>
    %get3A_764 = arith.constant 0 : index
    %get3A_765 = arith.constant 23 : index
    %get3A_766 = vector.load %arg2[%get3A_764, %get3A_765] : memref<328x32xf32, #tpu.memory_space<vmem>>, vector<328x1xf32>
    %mul3A_767 = vector.broadcast %get3A_766 : vector<328x1xf32> to vector<328x128xf32>
    %mul3A_768 = arith.mulf %mul3A_767, %max3A_763 : vector<328x128xf32>
    %add3A_769 = arith.addf %add3A_737, %mul3A_768 : vector<328x128xf32>
    %get3A_770 = arith.constant 24 : index
    %get3A_771 = arith.constant 0 : index
    %get3A_772 = arith.constant 0 : index
    %get3A_773 = vector.load %arg1[%get3A_770, %get3A_771, %get3A_772] : memref<32x328x128xf32, #tpu.memory_space<vmem>>, vector<1x328x128xf32>
    %get3A_774 = vector.shape_cast %get3A_773 : vector<1x328x128xf32> to vector<328x128xf32>
    %add3A_775 = arith.addf %get3A_774, %get3A_1 : vector<328x128xf32>
    %min3A_776 = arith.constant 0.000000e+00 : f32
    %min3A_777 = vector.broadcast %min3A_776 : f32 to vector<328x128xf32>
    %min3A_778 = arith.minimumf %add3A_775, %min3A_777 : vector<328x128xf32>
    %exp3A_779 = math.exp %min3A_778 : vector<328x128xf32>
    %sub3A_780 = arith.constant 1.000000e+00 : f32
    %sub3A_781 = vector.broadcast %sub3A_780 : f32 to vector<328x128xf32>
    %sub3A_782 = arith.subf %exp3A_779, %sub3A_781 : vector<328x128xf32>
    %max3A_783 = arith.maximumf %add3A_775, %sub3A_782 : vector<328x128xf32>
    %dot_general3A_784 = arith.constant dense<0.000000e+00> : vector<328x128xf32>
    %dot_general3A_785 = tpu.matmul %max3A_783, %get3A_4, %dot_general3A_784 {dimension_numbers = #tpu.dot_dimension_numbers<[1], [0], [0], [1], [0, 0, 1, 1], [], []>, transpose_lhs_hint = false} : vector<328x128xf32>, vector<128x128xf32>, vector<328x128xf32> -> vector<328x128xf32>
    %add3A_786 = vector.broadcast %get3A_7 : vector<1x128xf32> to vector<328x128xf32>
    %add3A_787 = arith.addf %dot_general3A_785, %add3A_786 : vector<328x128xf32>
    %min3A_788 = arith.constant 0.000000e+00 : f32
    %min3A_789 = vector.broadcast %min3A_788 : f32 to vector<328x128xf32>
    %min3A_790 = arith.minimumf %add3A_787, %min3A_789 : vector<328x128xf32>
    %exp3A_791 = math.exp %min3A_790 : vector<328x128xf32>
    %sub3A_792 = arith.constant 1.000000e+00 : f32
    %sub3A_793 = vector.broadcast %sub3A_792 : f32 to vector<328x128xf32>
    %sub3A_794 = arith.subf %exp3A_791, %sub3A_793 : vector<328x128xf32>
    %max3A_795 = arith.maximumf %add3A_787, %sub3A_794 : vector<328x128xf32>
    %get3A_796 = arith.constant 0 : index
    %get3A_797 = arith.constant 24 : index
    %get3A_798 = vector.load %arg2[%get3A_796, %get3A_797] : memref<328x32xf32, #tpu.memory_space<vmem>>, vector<328x1xf32>
    %mul3A_799 = vector.broadcast %get3A_798 : vector<328x1xf32> to vector<328x128xf32>
    %mul3A_800 = arith.mulf %mul3A_799, %max3A_795 : vector<328x128xf32>
    %add3A_801 = arith.addf %add3A_769, %mul3A_800 : vector<328x128xf32>
    %get3A_802 = arith.constant 25 : index
    %get3A_803 = arith.constant 0 : index
    %get3A_804 = arith.constant 0 : index
    %get3A_805 = vector.load %arg1[%get3A_802, %get3A_803, %get3A_804] : memref<32x328x128xf32, #tpu.memory_space<vmem>>, vector<1x328x128xf32>
    %get3A_806 = vector.shape_cast %get3A_805 : vector<1x328x128xf32> to vector<328x128xf32>
    %add3A_807 = arith.addf %get3A_806, %get3A_1 : vector<328x128xf32>
    %min3A_808 = arith.constant 0.000000e+00 : f32
    %min3A_809 = vector.broadcast %min3A_808 : f32 to vector<328x128xf32>
    %min3A_810 = arith.minimumf %add3A_807, %min3A_809 : vector<328x128xf32>
    %exp3A_811 = math.exp %min3A_810 : vector<328x128xf32>
    %sub3A_812 = arith.constant 1.000000e+00 : f32
    %sub3A_813 = vector.broadcast %sub3A_812 : f32 to vector<328x128xf32>
    %sub3A_814 = arith.subf %exp3A_811, %sub3A_813 : vector<328x128xf32>
    %max3A_815 = arith.maximumf %add3A_807, %sub3A_814 : vector<328x128xf32>
    %dot_general3A_816 = arith.constant dense<0.000000e+00> : vector<328x128xf32>
    %dot_general3A_817 = tpu.matmul %max3A_815, %get3A_4, %dot_general3A_816 {dimension_numbers = #tpu.dot_dimension_numbers<[1], [0], [0], [1], [0, 0, 1, 1], [], []>, transpose_lhs_hint = false} : vector<328x128xf32>, vector<128x128xf32>, vector<328x128xf32> -> vector<328x128xf32>
    %add3A_818 = vector.broadcast %get3A_7 : vector<1x128xf32> to vector<328x128xf32>
    %add3A_819 = arith.addf %dot_general3A_817, %add3A_818 : vector<328x128xf32>
    %min3A_820 = arith.constant 0.000000e+00 : f32
    %min3A_821 = vector.broadcast %min3A_820 : f32 to vector<328x128xf32>
    %min3A_822 = arith.minimumf %add3A_819, %min3A_821 : vector<328x128xf32>
    %exp3A_823 = math.exp %min3A_822 : vector<328x128xf32>
    %sub3A_824 = arith.constant 1.000000e+00 : f32
    %sub3A_825 = vector.broadcast %sub3A_824 : f32 to vector<328x128xf32>
    %sub3A_826 = arith.subf %exp3A_823, %sub3A_825 : vector<328x128xf32>
    %max3A_827 = arith.maximumf %add3A_819, %sub3A_826 : vector<328x128xf32>
    %get3A_828 = arith.constant 0 : index
    %get3A_829 = arith.constant 25 : index
    %get3A_830 = vector.load %arg2[%get3A_828, %get3A_829] : memref<328x32xf32, #tpu.memory_space<vmem>>, vector<328x1xf32>
    %mul3A_831 = vector.broadcast %get3A_830 : vector<328x1xf32> to vector<328x128xf32>
    %mul3A_832 = arith.mulf %mul3A_831, %max3A_827 : vector<328x128xf32>
    %add3A_833 = arith.addf %add3A_801, %mul3A_832 : vector<328x128xf32>
    %get3A_834 = arith.constant 26 : index
    %get3A_835 = arith.constant 0 : index
    %get3A_836 = arith.constant 0 : index
    %get3A_837 = vector.load %arg1[%get3A_834, %get3A_835, %get3A_836] : memref<32x328x128xf32, #tpu.memory_space<vmem>>, vector<1x328x128xf32>
    %get3A_838 = vector.shape_cast %get3A_837 : vector<1x328x128xf32> to vector<328x128xf32>
    %add3A_839 = arith.addf %get3A_838, %get3A_1 : vector<328x128xf32>
    %min3A_840 = arith.constant 0.000000e+00 : f32
    %min3A_841 = vector.broadcast %min3A_840 : f32 to vector<328x128xf32>
    %min3A_842 = arith.minimumf %add3A_839, %min3A_841 : vector<328x128xf32>
    %exp3A_843 = math.exp %min3A_842 : vector<328x128xf32>
    %sub3A_844 = arith.constant 1.000000e+00 : f32
    %sub3A_845 = vector.broadcast %sub3A_844 : f32 to vector<328x128xf32>
    %sub3A_846 = arith.subf %exp3A_843, %sub3A_845 : vector<328x128xf32>
    %max3A_847 = arith.maximumf %add3A_839, %sub3A_846 : vector<328x128xf32>
    %dot_general3A_848 = arith.constant dense<0.000000e+00> : vector<328x128xf32>
    %dot_general3A_849 = tpu.matmul %max3A_847, %get3A_4, %dot_general3A_848 {dimension_numbers = #tpu.dot_dimension_numbers<[1], [0], [0], [1], [0, 0, 1, 1], [], []>, transpose_lhs_hint = false} : vector<328x128xf32>, vector<128x128xf32>, vector<328x128xf32> -> vector<328x128xf32>
    %add3A_850 = vector.broadcast %get3A_7 : vector<1x128xf32> to vector<328x128xf32>
    %add3A_851 = arith.addf %dot_general3A_849, %add3A_850 : vector<328x128xf32>
    %min3A_852 = arith.constant 0.000000e+00 : f32
    %min3A_853 = vector.broadcast %min3A_852 : f32 to vector<328x128xf32>
    %min3A_854 = arith.minimumf %add3A_851, %min3A_853 : vector<328x128xf32>
    %exp3A_855 = math.exp %min3A_854 : vector<328x128xf32>
    %sub3A_856 = arith.constant 1.000000e+00 : f32
    %sub3A_857 = vector.broadcast %sub3A_856 : f32 to vector<328x128xf32>
    %sub3A_858 = arith.subf %exp3A_855, %sub3A_857 : vector<328x128xf32>
    %max3A_859 = arith.maximumf %add3A_851, %sub3A_858 : vector<328x128xf32>
    %get3A_860 = arith.constant 0 : index
    %get3A_861 = arith.constant 26 : index
    %get3A_862 = vector.load %arg2[%get3A_860, %get3A_861] : memref<328x32xf32, #tpu.memory_space<vmem>>, vector<328x1xf32>
    %mul3A_863 = vector.broadcast %get3A_862 : vector<328x1xf32> to vector<328x128xf32>
    %mul3A_864 = arith.mulf %mul3A_863, %max3A_859 : vector<328x128xf32>
    %add3A_865 = arith.addf %add3A_833, %mul3A_864 : vector<328x128xf32>
    %get3A_866 = arith.constant 27 : index
    %get3A_867 = arith.constant 0 : index
    %get3A_868 = arith.constant 0 : index
    %get3A_869 = vector.load %arg1[%get3A_866, %get3A_867, %get3A_868] : memref<32x328x128xf32, #tpu.memory_space<vmem>>, vector<1x328x128xf32>
    %get3A_870 = vector.shape_cast %get3A_869 : vector<1x328x128xf32> to vector<328x128xf32>
    %add3A_871 = arith.addf %get3A_870, %get3A_1 : vector<328x128xf32>
    %min3A_872 = arith.constant 0.000000e+00 : f32
    %min3A_873 = vector.broadcast %min3A_872 : f32 to vector<328x128xf32>
    %min3A_874 = arith.minimumf %add3A_871, %min3A_873 : vector<328x128xf32>
    %exp3A_875 = math.exp %min3A_874 : vector<328x128xf32>
    %sub3A_876 = arith.constant 1.000000e+00 : f32
    %sub3A_877 = vector.broadcast %sub3A_876 : f32 to vector<328x128xf32>
    %sub3A_878 = arith.subf %exp3A_875, %sub3A_877 : vector<328x128xf32>
    %max3A_879 = arith.maximumf %add3A_871, %sub3A_878 : vector<328x128xf32>
    %dot_general3A_880 = arith.constant dense<0.000000e+00> : vector<328x128xf32>
    %dot_general3A_881 = tpu.matmul %max3A_879, %get3A_4, %dot_general3A_880 {dimension_numbers = #tpu.dot_dimension_numbers<[1], [0], [0], [1], [0, 0, 1, 1], [], []>, transpose_lhs_hint = false} : vector<328x128xf32>, vector<128x128xf32>, vector<328x128xf32> -> vector<328x128xf32>
    %add3A_882 = vector.broadcast %get3A_7 : vector<1x128xf32> to vector<328x128xf32>
    %add3A_883 = arith.addf %dot_general3A_881, %add3A_882 : vector<328x128xf32>
    %min3A_884 = arith.constant 0.000000e+00 : f32
    %min3A_885 = vector.broadcast %min3A_884 : f32 to vector<328x128xf32>
    %min3A_886 = arith.minimumf %add3A_883, %min3A_885 : vector<328x128xf32>
    %exp3A_887 = math.exp %min3A_886 : vector<328x128xf32>
    %sub3A_888 = arith.constant 1.000000e+00 : f32
    %sub3A_889 = vector.broadcast %sub3A_888 : f32 to vector<328x128xf32>
    %sub3A_890 = arith.subf %exp3A_887, %sub3A_889 : vector<328x128xf32>
    %max3A_891 = arith.maximumf %add3A_883, %sub3A_890 : vector<328x128xf32>
    %get3A_892 = arith.constant 0 : index
    %get3A_893 = arith.constant 27 : index
    %get3A_894 = vector.load %arg2[%get3A_892, %get3A_893] : memref<328x32xf32, #tpu.memory_space<vmem>>, vector<328x1xf32>
    %mul3A_895 = vector.broadcast %get3A_894 : vector<328x1xf32> to vector<328x128xf32>
    %mul3A_896 = arith.mulf %mul3A_895, %max3A_891 : vector<328x128xf32>
    %add3A_897 = arith.addf %add3A_865, %mul3A_896 : vector<328x128xf32>
    %get3A_898 = arith.constant 28 : index
    %get3A_899 = arith.constant 0 : index
    %get3A_900 = arith.constant 0 : index
    %get3A_901 = vector.load %arg1[%get3A_898, %get3A_899, %get3A_900] : memref<32x328x128xf32, #tpu.memory_space<vmem>>, vector<1x328x128xf32>
    %get3A_902 = vector.shape_cast %get3A_901 : vector<1x328x128xf32> to vector<328x128xf32>
    %add3A_903 = arith.addf %get3A_902, %get3A_1 : vector<328x128xf32>
    %min3A_904 = arith.constant 0.000000e+00 : f32
    %min3A_905 = vector.broadcast %min3A_904 : f32 to vector<328x128xf32>
    %min3A_906 = arith.minimumf %add3A_903, %min3A_905 : vector<328x128xf32>
    %exp3A_907 = math.exp %min3A_906 : vector<328x128xf32>
    %sub3A_908 = arith.constant 1.000000e+00 : f32
    %sub3A_909 = vector.broadcast %sub3A_908 : f32 to vector<328x128xf32>
    %sub3A_910 = arith.subf %exp3A_907, %sub3A_909 : vector<328x128xf32>
    %max3A_911 = arith.maximumf %add3A_903, %sub3A_910 : vector<328x128xf32>
    %dot_general3A_912 = arith.constant dense<0.000000e+00> : vector<328x128xf32>
    %dot_general3A_913 = tpu.matmul %max3A_911, %get3A_4, %dot_general3A_912 {dimension_numbers = #tpu.dot_dimension_numbers<[1], [0], [0], [1], [0, 0, 1, 1], [], []>, transpose_lhs_hint = false} : vector<328x128xf32>, vector<128x128xf32>, vector<328x128xf32> -> vector<328x128xf32>
    %add3A_914 = vector.broadcast %get3A_7 : vector<1x128xf32> to vector<328x128xf32>
    %add3A_915 = arith.addf %dot_general3A_913, %add3A_914 : vector<328x128xf32>
    %min3A_916 = arith.constant 0.000000e+00 : f32
    %min3A_917 = vector.broadcast %min3A_916 : f32 to vector<328x128xf32>
    %min3A_918 = arith.minimumf %add3A_915, %min3A_917 : vector<328x128xf32>
    %exp3A_919 = math.exp %min3A_918 : vector<328x128xf32>
    %sub3A_920 = arith.constant 1.000000e+00 : f32
    %sub3A_921 = vector.broadcast %sub3A_920 : f32 to vector<328x128xf32>
    %sub3A_922 = arith.subf %exp3A_919, %sub3A_921 : vector<328x128xf32>
    %max3A_923 = arith.maximumf %add3A_915, %sub3A_922 : vector<328x128xf32>
    %get3A_924 = arith.constant 0 : index
    %get3A_925 = arith.constant 28 : index
    %get3A_926 = vector.load %arg2[%get3A_924, %get3A_925] : memref<328x32xf32, #tpu.memory_space<vmem>>, vector<328x1xf32>
    %mul3A_927 = vector.broadcast %get3A_926 : vector<328x1xf32> to vector<328x128xf32>
    %mul3A_928 = arith.mulf %mul3A_927, %max3A_923 : vector<328x128xf32>
    %add3A_929 = arith.addf %add3A_897, %mul3A_928 : vector<328x128xf32>
    %get3A_930 = arith.constant 29 : index
    %get3A_931 = arith.constant 0 : index
    %get3A_932 = arith.constant 0 : index
    %get3A_933 = vector.load %arg1[%get3A_930, %get3A_931, %get3A_932] : memref<32x328x128xf32, #tpu.memory_space<vmem>>, vector<1x328x128xf32>
    %get3A_934 = vector.shape_cast %get3A_933 : vector<1x328x128xf32> to vector<328x128xf32>
    %add3A_935 = arith.addf %get3A_934, %get3A_1 : vector<328x128xf32>
    %min3A_936 = arith.constant 0.000000e+00 : f32
    %min3A_937 = vector.broadcast %min3A_936 : f32 to vector<328x128xf32>
    %min3A_938 = arith.minimumf %add3A_935, %min3A_937 : vector<328x128xf32>
    %exp3A_939 = math.exp %min3A_938 : vector<328x128xf32>
    %sub3A_940 = arith.constant 1.000000e+00 : f32
    %sub3A_941 = vector.broadcast %sub3A_940 : f32 to vector<328x128xf32>
    %sub3A_942 = arith.subf %exp3A_939, %sub3A_941 : vector<328x128xf32>
    %max3A_943 = arith.maximumf %add3A_935, %sub3A_942 : vector<328x128xf32>
    %dot_general3A_944 = arith.constant dense<0.000000e+00> : vector<328x128xf32>
    %dot_general3A_945 = tpu.matmul %max3A_943, %get3A_4, %dot_general3A_944 {dimension_numbers = #tpu.dot_dimension_numbers<[1], [0], [0], [1], [0, 0, 1, 1], [], []>, transpose_lhs_hint = false} : vector<328x128xf32>, vector<128x128xf32>, vector<328x128xf32> -> vector<328x128xf32>
    %add3A_946 = vector.broadcast %get3A_7 : vector<1x128xf32> to vector<328x128xf32>
    %add3A_947 = arith.addf %dot_general3A_945, %add3A_946 : vector<328x128xf32>
    %min3A_948 = arith.constant 0.000000e+00 : f32
    %min3A_949 = vector.broadcast %min3A_948 : f32 to vector<328x128xf32>
    %min3A_950 = arith.minimumf %add3A_947, %min3A_949 : vector<328x128xf32>
    %exp3A_951 = math.exp %min3A_950 : vector<328x128xf32>
    %sub3A_952 = arith.constant 1.000000e+00 : f32
    %sub3A_953 = vector.broadcast %sub3A_952 : f32 to vector<328x128xf32>
    %sub3A_954 = arith.subf %exp3A_951, %sub3A_953 : vector<328x128xf32>
    %max3A_955 = arith.maximumf %add3A_947, %sub3A_954 : vector<328x128xf32>
    %get3A_956 = arith.constant 0 : index
    %get3A_957 = arith.constant 29 : index
    %get3A_958 = vector.load %arg2[%get3A_956, %get3A_957] : memref<328x32xf32, #tpu.memory_space<vmem>>, vector<328x1xf32>
    %mul3A_959 = vector.broadcast %get3A_958 : vector<328x1xf32> to vector<328x128xf32>
    %mul3A_960 = arith.mulf %mul3A_959, %max3A_955 : vector<328x128xf32>
    %add3A_961 = arith.addf %add3A_929, %mul3A_960 : vector<328x128xf32>
    %get3A_962 = arith.constant 30 : index
    %get3A_963 = arith.constant 0 : index
    %get3A_964 = arith.constant 0 : index
    %get3A_965 = vector.load %arg1[%get3A_962, %get3A_963, %get3A_964] : memref<32x328x128xf32, #tpu.memory_space<vmem>>, vector<1x328x128xf32>
    %get3A_966 = vector.shape_cast %get3A_965 : vector<1x328x128xf32> to vector<328x128xf32>
    %add3A_967 = arith.addf %get3A_966, %get3A_1 : vector<328x128xf32>
    %min3A_968 = arith.constant 0.000000e+00 : f32
    %min3A_969 = vector.broadcast %min3A_968 : f32 to vector<328x128xf32>
    %min3A_970 = arith.minimumf %add3A_967, %min3A_969 : vector<328x128xf32>
    %exp3A_971 = math.exp %min3A_970 : vector<328x128xf32>
    %sub3A_972 = arith.constant 1.000000e+00 : f32
    %sub3A_973 = vector.broadcast %sub3A_972 : f32 to vector<328x128xf32>
    %sub3A_974 = arith.subf %exp3A_971, %sub3A_973 : vector<328x128xf32>
    %max3A_975 = arith.maximumf %add3A_967, %sub3A_974 : vector<328x128xf32>
    %dot_general3A_976 = arith.constant dense<0.000000e+00> : vector<328x128xf32>
    %dot_general3A_977 = tpu.matmul %max3A_975, %get3A_4, %dot_general3A_976 {dimension_numbers = #tpu.dot_dimension_numbers<[1], [0], [0], [1], [0, 0, 1, 1], [], []>, transpose_lhs_hint = false} : vector<328x128xf32>, vector<128x128xf32>, vector<328x128xf32> -> vector<328x128xf32>
    %add3A_978 = vector.broadcast %get3A_7 : vector<1x128xf32> to vector<328x128xf32>
    %add3A_979 = arith.addf %dot_general3A_977, %add3A_978 : vector<328x128xf32>
    %min3A_980 = arith.constant 0.000000e+00 : f32
    %min3A_981 = vector.broadcast %min3A_980 : f32 to vector<328x128xf32>
    %min3A_982 = arith.minimumf %add3A_979, %min3A_981 : vector<328x128xf32>
    %exp3A_983 = math.exp %min3A_982 : vector<328x128xf32>
    %sub3A_984 = arith.constant 1.000000e+00 : f32
    %sub3A_985 = vector.broadcast %sub3A_984 : f32 to vector<328x128xf32>
    %sub3A_986 = arith.subf %exp3A_983, %sub3A_985 : vector<328x128xf32>
    %max3A_987 = arith.maximumf %add3A_979, %sub3A_986 : vector<328x128xf32>
    %get3A_988 = arith.constant 0 : index
    %get3A_989 = arith.constant 30 : index
    %get3A_990 = vector.load %arg2[%get3A_988, %get3A_989] : memref<328x32xf32, #tpu.memory_space<vmem>>, vector<328x1xf32>
    %mul3A_991 = vector.broadcast %get3A_990 : vector<328x1xf32> to vector<328x128xf32>
    %mul3A_992 = arith.mulf %mul3A_991, %max3A_987 : vector<328x128xf32>
    %add3A_993 = arith.addf %add3A_961, %mul3A_992 : vector<328x128xf32>
    %get3A_994 = arith.constant 31 : index
    %get3A_995 = arith.constant 0 : index
    %get3A_996 = arith.constant 0 : index
    %get3A_997 = vector.load %arg1[%get3A_994, %get3A_995, %get3A_996] : memref<32x328x128xf32, #tpu.memory_space<vmem>>, vector<1x328x128xf32>
    %get3A_998 = vector.shape_cast %get3A_997 : vector<1x328x128xf32> to vector<328x128xf32>
    %add3A_999 = arith.addf %get3A_998, %get3A_1 : vector<328x128xf32>
    %min3A_1000 = arith.constant 0.000000e+00 : f32
    %min3A_1001 = vector.broadcast %min3A_1000 : f32 to vector<328x128xf32>
    %min3A_1002 = arith.minimumf %add3A_999, %min3A_1001 : vector<328x128xf32>
    %exp3A_1003 = math.exp %min3A_1002 : vector<328x128xf32>
    %sub3A_1004 = arith.constant 1.000000e+00 : f32
    %sub3A_1005 = vector.broadcast %sub3A_1004 : f32 to vector<328x128xf32>
    %sub3A_1006 = arith.subf %exp3A_1003, %sub3A_1005 : vector<328x128xf32>
    %max3A_1007 = arith.maximumf %add3A_999, %sub3A_1006 : vector<328x128xf32>
    %dot_general3A_1008 = arith.constant dense<0.000000e+00> : vector<328x128xf32>
    %dot_general3A_1009 = tpu.matmul %max3A_1007, %get3A_4, %dot_general3A_1008 {dimension_numbers = #tpu.dot_dimension_numbers<[1], [0], [0], [1], [0, 0, 1, 1], [], []>, transpose_lhs_hint = false} : vector<328x128xf32>, vector<128x128xf32>, vector<328x128xf32> -> vector<328x128xf32>
    %add3A_1010 = vector.broadcast %get3A_7 : vector<1x128xf32> to vector<328x128xf32>
    %add3A_1011 = arith.addf %dot_general3A_1009, %add3A_1010 : vector<328x128xf32>
    %min3A_1012 = arith.constant 0.000000e+00 : f32
    %min3A_1013 = vector.broadcast %min3A_1012 : f32 to vector<328x128xf32>
    %min3A_1014 = arith.minimumf %add3A_1011, %min3A_1013 : vector<328x128xf32>
    %exp3A_1015 = math.exp %min3A_1014 : vector<328x128xf32>
    %sub3A_1016 = arith.constant 1.000000e+00 : f32
    %sub3A_1017 = vector.broadcast %sub3A_1016 : f32 to vector<328x128xf32>
    %sub3A_1018 = arith.subf %exp3A_1015, %sub3A_1017 : vector<328x128xf32>
    %max3A_1019 = arith.maximumf %add3A_1011, %sub3A_1018 : vector<328x128xf32>
    %get3A_1020 = arith.constant 0 : index
    %get3A_1021 = arith.constant 31 : index
    %get3A_1022 = vector.load %arg2[%get3A_1020, %get3A_1021] : memref<328x32xf32, #tpu.memory_space<vmem>>, vector<328x1xf32>
    %mul3A_1023 = vector.broadcast %get3A_1022 : vector<328x1xf32> to vector<328x128xf32>
    %mul3A_1024 = arith.mulf %mul3A_1023, %max3A_1019 : vector<328x128xf32>
    %add3A_1025 = arith.addf %add3A_993, %mul3A_1024 : vector<328x128xf32>
    %swap3A = arith.constant 0 : index
    %swap3A_1026 = arith.constant 0 : index
    %swap3A_1027 = vector.load %arg6[%swap3A, %swap3A_1026] : memref<328x128xf32, #tpu.memory_space<vmem>>, vector<328x128xf32>
    tpu.vector_store %arg6[%swap3A, %swap3A_1026], %add3A_1025 {strides = array<i32>} : memref<328x128xf32, #tpu.memory_space<vmem>>, vector<328x128xf32>,
    return
  }
  func.func @transform_0(%arg0: i32) -> (i32, i32, i32) {
    %c0_i32 = arith.constant 0 : i32
    %c0_i32_0 = arith.constant 0 : i32
    %c0_i32_1 = arith.constant 0 : i32
    return %c0_i32, %arg0, %c0_i32_0 : i32, i32, i32
  }
  func.func @transform_1(%arg0: i32) -> (i32, i32) {
    %c0_i32 = arith.constant 0 : i32
    %c0_i32_0 = arith.constant 0 : i32
    return %arg0, %c0_i32 : i32, i32
  }
  func.func @transform_2(%arg0: i32) -> (i32, i32) {
    %c0_i32 = arith.constant 0 : i32
    %c0_i32_0 = arith.constant 0 : i32
    return %arg0, %c0_i32 : i32, i32
  }
  func.func @transform_3(%arg0: i32) -> (i32, i32) {
    %c0_i32 = arith.constant 0 : i32
    %c0_i32_0 = arith.constant 0 : i32
    %c0_i32_1 = arith.constant 0 : i32
    return %c0_i32, %c0_i32_0 : i32, i32
  }
  func.func @transform_4(%arg0: i32) -> (i32, i32) {
    %c0_i32 = arith.constant 0 : i32
    %c0_i32_0 = arith.constant 0 : i32
    %c0_i32_1 = arith.constant 0 : i32
    return %c0_i32, %c0_i32_0 : i32, i32
  }
  func.func @transform_5(%arg0: i32) -> (i32, i32) {
    %c0_i32 = arith.constant 0 : i32
    %c0_i32_0 = arith.constant 0 : i32
    return %arg0, %c0_i32 : i32, i32
  }
}

</mosaic_0001>

<sc_bundles>
// kernel: kernel.12.cloned.1.call-start
scs
__scs_entry_jumppad:
0x0: {  	(pc) =	sbr.rel $0x88, $3  }
0x1: {  	(tag) =	ssettag $0x0;
	lr =	simm.s32 $0x1  }
0x2: {  	[smem:$0x3F98] =	sst lr;
	_ =	strace $0xD0000000  }
0x3: {  	_ = 	snop  }
0x4: {  	_ = 	snop  }
0x5: {  	_ = 	snop  }
0x6: {  	_ = 	snop  }
0x7: {  	_ = 	snop  }
__scs_overlays_trampoline_lowered:
0x8: {  	[smem:$0x3FA7] =	sst s0  }
0x9: {  	[smem:$0x3FA8] =	sst s1  }
0xa: {  	[smem:$0x3FA9] =	sst s2  }
0xb: {  	[smem:$0x3FAA] =	sst s3  }
0xc: {  	[smem:$0x3FAB] =	sst s4  }
0xd: {  	[smem:$0x3FAC] =	sst s5  }
0xe: {  	[smem:$0x3FAD] =	sst s6  }
0xf: {  	[smem:$0x3FAE] =	sst s7  }
0x10: {  	[smem:$0x3FAF] =	sst s8  }
0x11: {  	[smem:$0x3FB0] =	sst s9;
	s0 =	simm.s32 @!p0 $0x0  }
0x12: {  	s1 =	sld [smem:$0x3F96];
	s0 =	simm.s32 @p0 $0x1  }
0x13: {  	[smem:$0x3FB1] =	sst s0;
	s0 =	simm.s32 @!p1 $0x0  }
0x14: {  	s2 =	sld [smem:$0x3F95];
	s0 =	simm.s32 @p1 $0x1  }
0x15: {  	[smem:$0x3FB2] =	sst s0;
	s0 =	simm.s32 @!p2 $0x0  }
0x16: {  	s3 =	sld [smem:$0x3FDB];
	s0 =	simm.s32 @p2 $0x1  }
0x17: {  	s4 =	simm.s32 $0x1BF5;
	[smem:$0x3FB4] =	sst s0  }
0x18: {  	s0 =	sld [smem:$0x3F97];
	_ =	swait.ge [sflag:s4], $0x0  }
0x19: {  	s7 =	sld [smem:$0x3F98]  }
0x1a: {  	s8 =	sadd.s32 $0xFFFFE003, lr  }
0x1b: {  	s9 =	sadd.s32 $0xFFFFFEF7, lr;
	s5 =	simm.s32 $0xFFFFFFFF;
	p2 =	slt.u32 s8, $0xFFFFF086  }
0x1c: {  	p1 =	slt.u32 s9, $0xF7A;
	s5 =	simm.s32 @!p2 $0x0  }
0x1d: {  	s5 =	simm.s32 @p1 $0x1;
	p0 =	seq.s32 s7, s2  }
0x1e: {  	s7 =	smul.u32 @!p0 $0xF7A, s2;
	p2 =	seq.s32 @!p0 s5, $0x0  }
0x1f: {  	s9 =	smul.u32 $0xF7A, s1;
	s8 =	simm.s32 @!p0 $0x1BF5;
	p2 =	por !p2, p0  }
0x20: {  	[sflag:s8] =	ssyncset.s32 @!p0 $0xFFFFF086;
	s6 =	sadd.s32 @!p0 s3, s7;
	s7 =	simm.s32 @!p0 $0x108  }
0x21: {  	s3 =	sadd.s32 s3, s9;
	s6 =	sadd.s32 @!p0 $0x88, s6;
	s7 =	simm.s32 @p2 $0x1082  }
0x22: {  	[simem:s7], [sflag:s8] =	dma.local @!p0 [hbm:s6], $0xF7A  }
0x23: {  	s9 =	sor.u32 $0xD0000000, s2;
	s6 =	simm.s32 $0x108;
	_ =	swait.ge @!p0 [sflag:s8], $0x0  }
0x24: {  	s3 =	sadd.s32 $0x88, s3;
	s6 =	simm.s32 @!p1 $0x1082;
	[sflag:s4] =	ssyncset.s32 $0xFFFFF086  }
0x25: {  	[simem:s6], [sflag:s4] =	dma.local [hbm:s3], $0xF7A  }
0x26: {  	[smem:$0x3F98] =	sst s1;
	(tag) =	ssettag s2;
	_ =	strace s9  }
0x27: {  	s1 =	sld [smem:$0x3FA8]  }
0x28: {  	s2 =	sld [smem:$0x3FA9]  }
0x29: {  	s4 =	sld [smem:$0x3FAB]  }
0x2a: {  	p0 =	seq.s32 s5, $0x0;
	s5 =	sld [smem:$0x3FAC]  }
0x2b: {  	s6 =	sld [smem:$0x3FAD]  }
0x2c: {  	s7 =	sld [smem:$0x3FAE]  }
0x2d: {  	s3 =	simm.s32 $0x108;
	s8 =	sld [smem:$0x3FAF]  }
0x2e: {  	s3 =	simm.s32 @!p0 $0x1082;
	s9 =	sld [smem:$0x3FB0]  }
0x2f: {  	lr =	sadd.s32 s0, s3;
	s0 =	sld [smem:$0x3FA7]  }
0x30: {  	s3 =	sld [smem:$0x3FAA]  }
0x31: {  	[smem:$0x3FB3] =	sst s10  }
0x32: {  	s10 =	sld [smem:$0x3FB1];
	_ =	sdelay $0x3  }
0x33: {  	p0 =	seq.s32 s10, $0x1;
	s10 =	sld [smem:$0x3FB3];
	_ =	sdelay $0x3  }
0x34: {  	[smem:$0x3FB3] =	sst s10  }
0x35: {  	s10 =	sld [smem:$0x3FB2];
	_ =	sdelay $0x3  }
0x36: {  	p1 =	seq.s32 s10, $0x1;
	s10 =	sld [smem:$0x3FB3];
	_ =	sdelay $0x3  }
0x37: {  	[smem:$0x3FB3] =	sst s10  }
0x38: {  	s10 =	sld [smem:$0x3FB4]  }
0x39: {  	_ = 	snop;
	(pc) =	sbr.ind lr, $3  }
0x3a: {  	_ = 	snop  }
0x3b: {  	_ = 	snop  }
0x3c: {  	p2 =	seq.s32 s10, $0x1;
	s10 =	sld [smem:$0x3FB3]  }
0x3d: {  	_ =	shalt  }
0x3e: {  	_ =	shalt  }
0x3f: {  	_ =	shalt  }
0x40: {  	_ =	shalt  }
0x41: {  	_ =	shalt  }
0x42: {  	_ =	shalt  }
0x43: {  	_ =	shalt  }
0x44: {  	_ =	shalt  }
0x45: {  	_ =	shalt  }
0x46: {  	_ =	shalt  }
0x47: {  	_ =	shalt  }
0x48: {  	_ =	shalt  }
0x49: {  	_ =	shalt  }
0x4a: {  	_ =	shalt  }
0x4b: {  	_ =	shalt  }
0x4c: {  	_ =	shalt  }
0x4d: {  	_ =	shalt  }
0x4e: {  	_ =	shalt  }
0x4f: {  	_ =	shalt  }
0x50: {  	_ =	shalt  }
0x51: {  	_ =	shalt  }
0x52: {  	_ =	shalt  }
0x53: {  	_ =	shalt  }
0x54: {  	_ =	shalt  }
0x55: {  	_ =	shalt  }
0x56: {  	_ =	shalt  }
0x57: {  	_ =	shalt  }
0x58: {  	_ =	shalt  }
0x59: {  	_ =	shalt  }
0x5a: {  	_ =	shalt  }
0x5b: {  	_ =	shalt  }
0x5c: {  	_ =	shalt  }
0x5d: {  	_ =	shalt  }
0x5e: {  	_ =	shalt  }
0x5f: {  	_ =	shalt  }
0x60: {  	_ =	shalt  }
0x61: {  	_ =	shalt  }
0x62: {  	_ =	shalt  }
0x63: {  	_ =	shalt  }
0x64: {  	_ =	shalt  }
0x65: {  	_ =	shalt  }
0x66: {  	_ =	shalt  }
0x67: {  	_ =	shalt  }
0x68: {  	_ =	shalt  }
0x69: {  	_ =	shalt  }
0x6a: {  	_ =	shalt  }
0x6b: {  	_ =	shalt  }
0x6c: {  	_ =	shalt  }
0x6d: {  	_ =	shalt  }
0x6e: {  	_ =	shalt  }
0x6f: {  	_ =	shalt  }
0x70: {  	_ =	shalt  }
0x71: {  	_ =	shalt  }
0x72: {  	_ =	shalt  }
0x73: {  	_ =	shalt  }
0x74: {  	_ =	shalt  }
0x75: {  	_ =	shalt  }
0x76: {  	_ =	shalt  }
0x77: {  	_ =	shalt  }
0x78: {  	_ =	shalt  }
0x79: {  	_ =	shalt  }
0x7a: {  	_ =	shalt  }
0x7b: {  	_ =	shalt  }
0x7c: {  	_ =	shalt  }
0x7d: {  	_ =	shalt  }
0x7e: {  	_ =	shalt  }
0x7f: {  	_ =	shalt  }
0x80: {  	_ =	shalt  }
0x81: {  	_ =	shalt  }
0x82: {  	_ =	shalt  }
0x83: {  	_ =	shalt  }
0x84: {  	_ =	shalt  }
0x85: {  	_ =	shalt  }
0x86: {  	_ =	shalt  }
0x87: {  	_ =	shalt  }
.Lfunc_end0:
.L_simem_size_0:
called_computation.1_lowered:
.L_overlay_start_0:
0x88: {  	s2 =	sld [smem:$0x3FD9]  }
0x89: {  	s3 =	sld [smem:$0x3FFE];
	_ =	sdelay $0x1  }
0x8a: {  	s1 =	srdreg.scid  }
0x8b: {  	s0 =	sand.u32 $0x1, s1  }
0x8c: {  	s16 =	sshll.u32 s0, $0xA;
	s2 =	sadd.s32 s3, s2  }
0x8d: {  	s2 =	sadd.s32 s2, s16  }
0x8e: {  	[smem:$0x3FBF] =	sst s2  }
0x8f: {  	_ = 	snop  }
0x90: {  	(tm) =	ssettm $0x1  }
0x91: {  	s17 =	sld [smem:$0x3FFB];
	_ =	sdelay $0x3  }
0x92: {  	_ =	strace s17  }
0x93: {  	s2 =	sld [smem:$0x3FFC];
	_ =	sdelay $0x3  }
0x94: {  	_ =	strace s2  }
0x95: {  	s2 =	sld [smem:$0x3FFD];
	_ =	sdelay $0x3  }
0x96: {  	_ =	strace s2  }
0x97: {  	_ =	strace $0x8FFFFFFF  }
0x98: {  	s18 =	sld [smem:$0x3FDB];
	_ =	sdelay $0x1  }
0x99: {  	s19 =	simm.s32 $_scs_section_size  }
0x9a: {  	s4 =	simm.s32 $_size__tile_overlayer_lowered;
	s5 =	simm.s32 $_tile_overlayer_lowered  }
0x9b: {  	s22 =	simm.s32 $0x1BFF;
	s21 =	sshll.u32 s5, $0x1;
	s2 =	sadd.s32 s19, s18  }
0x9c: {  	s6 =	simm.s32 $0x0;
	s20 =	sshll.u32 s4, $0x1;
	s4 =	sadd.s32 s21, s2  }
0x9d: {  	[timem:s6], [sflag:s22] =	dma.local [hbm:s4], s20  }
0x9e: {  	_ =	swait.ge [sflag:s22], s20  }
0x9f: {  	s3 =	ssub.s32 $0x0, s20;
	[sflag:s22] =	ssyncset.done $0x0  }
0xa0: {  	[sflag:s22] =	ssyncadd.s32 s3;
	_ =	sdelay $0x1  }
0xa1: {  	s23 =	simm.s32 $0x1B8B  }
0xa2: {  	_ =	swait.ge [sflag:s23], $0x1  }
0xa3: {  	[sflag:s23] =	ssyncset.done $0x0  }
0xa4: {  	s25 =	simm.s32 $0x1B8E;
	s24 =	sld [smem:$0x3FFE];
	[sflag:s23] =	ssyncadd.s32 $0xFFFFFFFF  }
0xa5: {  	s26 =	simm.s32 $execute0_lowered;
	[smem:$0x3FD2] =	sst s25  }
0xa6: {  	s4 =	sshll.u32 s26, $0x1;
	_ =	strace $0x80000046;
	[dreg:$0x1] =	wrdreg $0xFFFFFFFF  }
0xa7: {  	s28 =	simm.s32 $_size_execute0_lowered;
	s2 =	sadd.s32 s2, s4;
	[dreg:$0x0] =	wrdreg $0x0  }
0xa8: {  	s4 =	sshll.u32 s28, $0x1;
	[dreg:$0x2] =	wrdreg s2  }
0xa9: {  	[dreg:$0x3] =	wrdreg s4  }
0xaa: {  	[dreg:$0x4] =	wrdreg $0xC0  }
0xab: {  	_ =	task [dreg:s6], $0x5FFFF  }
0xac: {  	[dreg:$0x1] =	wrdreg $0xFFFFFFFF  }
0xad: {  	[dreg:$0x0] =	wrdreg $0x60  }
0xae: {  	[dreg:$0x2] =	wrdreg s24  }
0xaf: {  	[dreg:$0x3] =	wrdreg $0xA  }
0xb0: {  	_ =	task.clear_ibuf [dreg:s6], $0x4FFFF;
	_ =	strace $0x90000046  }
0xb1: {  	s29 =	simm.s32 $0xA;
	_ =	strace $0x80000048  }
0xb2: {  	_ =	swait.ge [sflag:s29], $0x1  }
0xb3: {  	[sflag:s29] =	ssyncadd.s32 $0xFFFFFFFF  }
0xb4: {  	_ =	strace $0x90000048  }
0xb5: {  	_ =	sfence  }
0xb6: {  	s30 =	sld [smem:$0x0];
	_ =	sdelay $0x2  }
0xb7: {  	s31 =	sshll.u32 s1, $0xD;
	s1 =	sshrl.u32 s1, $0x2  }
0xb8: {  	s3 =	sand.u32 $0x4000, s31;
	s1 =	sadd.s32 s1, s30  }
0xb9: {  	s0 =	sor.u32 s3, s0;
	s1 =	sshll.u32 s1, $0x11  }
0xba: {  	s0 =	sor.u32 s1, s0  }
0xbb: {  	s0 =	sadd.s32 $0x8F2B, s0  }
0xbc: {  	[sflag:s0] =	ssyncadd.remote.s32 $0x1  }
0xbd: {  	_ =	sfence.sel $0xFFFF  }
0xbe: {  	[dreg:$0x0] =	wrdreg $0xFFFFFFFF;
	(pc) =	sbr.abs _section_cstart, $3  }
0xbf: {  	[dreg:$0x1] =	wrdreg $0xFFFFFFFF  }
0xc0: {  	_ =	task.clear_ibuf [dreg:s6], $0x2FFFF;
	_ =	strace $0x9FFFFFFF  }
0xc1: {  	(tm) =	ssettm $0x7FFFFFFF  }
tec
execute0_lowered:
.L_overlay_start_1:
0x0: {  	(tag) =	ssettag $0x1  }
0x1: {  	s6 =	rddreg [dreg:$0x0]  }
0x2: {  	s0 =	rddreg [dreg:$0x1];
	s3 =	srdreg.scid  }
0x3: {  	s1 =	stileid.u32;
	s2 =	simm.s32 $0x0;
	s13 =	simm.s32 $0x7780  }
0x4: {  	s14 =	simm.s32 $0x9F00;
	s15 =	simm.s32 $0xC680;
	s16 =	simm.s32 $0xC800  }
0x5: {  	s17 =	simm.s32 $0xC980;
	s18 =	simm.s32 $0x1;
	s19 =	simm.s32 $0x2800  }
0x6: {  	s20 =	simm.s32 $0x2;
	s5 =	sand.u32 $0x1, s3;
	s30 =	sshll.u32 s1, $0x1  }
0x7: {  	s21 =	simm.s32 $0x0;
	[smem:$0x7FF] =	sst s2;
	s7 =	sor.u32 s5, s30  }
0x8: {  	s3 =	sadd.s32 $0x4000, s6;
	s4 =	sadd.s32 $0x3A00, s6;
	s8 =	smul.u32 $0x500, s7  }
0x9: {  	_ =	strace $0x80000047;
	s9 =	ssub.s32 $0x2, s5;
	s7 =	smul.u32 $0x28, s7  }
0xa: {  	s5 =	sadd.s32 $0x3400, s6;
	s31 =	sshrl.u32 s9, $0x1;
	s10 =	sadd.s32 s8, s6  }
0xb: {  	s12 =	ssub.s32 s9, s31;
	s11 =	sadd.s32 s7, s6;
	s6 =	sadd.s32 $0x4600, s10  }
0xc: {  	s7 =	sadd.s32 $0x2E00, s11;
	s8 =	sadd.s32 $0x2800, s11;
	s9 =	sadd.s32 $0x2200, s11  }
0xd: {  	s10 =	sadd.s32 $0xE600, s10;
	s11 =	smax.u32 s12, $0x1;
	s12 =	simm.s32 $0x5000  }
.LBB2_1:
0xe: {  	[tilespmem:s2], [sflag:$0x1] =	stream.linear.gather [hbm4b:s6+s2], $0x2800, $0x38;
	[tilespmem:$0xCB00] =	vst v63  }
0xf: {  	_ = 	snop  }
0x10: {  	[tilespmem:s12], [sflag:$0x1] =	stream.linear.gather [hbm4b:s3+s2], $0x2780, $0x38;
	[tilespmem:$0xCB00] =	vst v63  }
0x11: {  	_ = 	snop  }
0x12: {  	[tilespmem:s13], [sflag:$0x1] =	stream.linear.gather [hbm4b:s4+s2], $0x2780, $0x38;
	[tilespmem:$0xCB00] =	vst v63  }
0x13: {  	_ = 	snop  }
0x14: {  	[tilespmem:s14], [sflag:$0x1] =	stream.linear.gather [hbm4b:s5+s2], $0x2780, $0x38;
	[tilespmem:$0xCB00] =	vst v63  }
0x15: {  	_ = 	snop  }
0x16: {  	[tilespmem:s15], [sflag:$0x1] =	stream.linear.gather [hbm4b:s7+s2], $0x140, $0x38;
	[tilespmem:$0xCB00] =	vst v63  }
0x17: {  	_ = 	snop  }
0x18: {  	[tilespmem:s16], [sflag:$0x1] =	stream.linear.gather [hbm4b:s8+s2], $0x140, $0x38;
	[tilespmem:$0xCB00] =	vst v63  }
0x19: {  	_ = 	snop  }
0x1a: {  	[tilespmem:s17], [sflag:$0x1] =	stream.linear.gather [hbm4b:s9+s2], $0x140, $0x38;
	[tilespmem:$0xCB00] =	vst v63  }
0x1b: {  	_ =	swait.ge [sflag:s18], $0x2800  }
0x1c: {  	[sflag:s18] =	ssyncset.done $0x0  }
0x1d: {  	[sflag:s18] =	ssyncadd.s32 $0xFFFFD800  }
0x1e: {  	_ =	swait.ge [sflag:s18], $0x2780  }
0x1f: {  	[sflag:s18] =	ssyncset.done $0x0  }
0x20: {  	[sflag:s18] =	ssyncadd.s32 $0xFFFFD880  }
0x21: {  	_ =	swait.ge [sflag:s18], $0x2780  }
0x22: {  	[sflag:s18] =	ssyncset.done $0x0  }
0x23: {  	[sflag:s18] =	ssyncadd.s32 $0xFFFFD880  }
0x24: {  	_ =	swait.ge [sflag:s18], $0x2780  }
0x25: {  	[sflag:s18] =	ssyncset.done $0x0  }
0x26: {  	[sflag:s18] =	ssyncadd.s32 $0xFFFFD880  }
0x27: {  	_ =	swait.ge [sflag:s18], $0x140  }
0x28: {  	[sflag:s18] =	ssyncset.done $0x0  }
0x29: {  	[sflag:s18] =	ssyncadd.s32 $0xFFFFFEC0  }
0x2a: {  	_ =	swait.ge [sflag:s18], $0x140  }
0x2b: {  	[sflag:s18] =	ssyncset.done $0x0  }
0x2c: {  	[sflag:s18] =	ssyncadd.s32 $0xFFFFFEC0  }
0x2d: {  	_ =	swait.ge [sflag:s18], $0x140  }
0x2e: {  	v0 =	vmov s2;
	[sflag:s18] =	ssyncset.done $0x0  }
0x2f: {  	v0 =	vshrl.u32 v0, $0x5;
	[sflag:s18] =	ssyncadd.s32 $0xFFFFFEC0  }
0x30: {  	v0 =	vbroadcast v0, $0x0;
	v1 =	vld [tilespmem:s2+$0x0];
	_ =	sdelay $0x5  }
0x31: {  	v2 =	vld.idx.msk [tilespmem:v0+s15+$0x0], $0xffff  }
0x32: {  	v3 =	vld.idx.msk [tilespmem:v0+s16+$0x0], $0xffff  }
0x33: {  	v4 =	vld.idx.msk [tilespmem:v1+s12+$0x0], $0xffff  }
0x34: {  	v5 =	vld.idx.msk [tilespmem:v1+s13+$0x0], $0xffff  }
0x35: {  	v0 =	vld.idx.msk [tilespmem:v0+s17+$0x0], $0xffff  }
0x36: {  	v6 =	vld.idx.msk [tilespmem:v1+s14+$0x0], $0xffff;
	_ =	sdelay $0x2  }
0x37: {  	v2 =	vsub.f32 v4, v2;
	v3 =	vsub.f32 v5, v3;
	_ =	sdelay $0x1  }
0x38: {  	v0 =	vsub.f32 v6, v0;
	v2 =	vmul.f32 v2, v2;
	v3 =	vmul.f32 v3, v3;
	_ =	sdelay $0x1  }
0x39: {  	v0 =	vmul.f32 v0, v0;
	v2 =	vadd.f32 v3, v2;
	_ =	sdelay $0x1  }
0x3a: {  	v0 =	vadd.f32 v0, v2;
	_ =	sdelay $0x1  }
0x3b: {  	v0 =	vmul.f32 $-5.000000000e-01, v0;
	_ =	sdelay $0x1  }
0x3c: {  	v0 =	vmul.f32 $1.442695020e+00, v0;
	_ =	sdelay $0x1  }
0x3d: {  	(erf) = vpow2.f32 v0;
	_ =	sdelay $0x8  }
0x3e: {  	s23 =	simm.s32 $0x10;
	vm0 =	veq.s32 v1, $0x0;
	v0 =	vpop (erf)  }
0x3f: {  	v1 =	vmov s23;
	v0 =	vsel vm0, $0x0, v0  }
0x40: {  	v1 =	vshrl.u32 v1, $0x5;
	[tilespmem:s19+$0x0] =	vst v0  }
0x41: {  	v1 =	vbroadcast v1, $0x0;
	v0 =	vld [tilespmem:s23+$0x0]  }
0x42: {  	s24 =	simm.s32 $0x20;
	s22 =	simm.s32 $0x2800  }
.LBB2_2:
0x43: {  	p0 =	sne.s32 s24, $0x27F0;
	_ =	sdelay $0x3  }
0x44: {  	v2 =	vld.idx.msk [tilespmem:v1+s15+$0x0], $0xffff  }
0x45: {  	v3 =	vld.idx.msk [tilespmem:v1+s16+$0x0], $0xffff  }
0x46: {  	v4 =	vld.idx.msk [tilespmem:v0+s12+$0x0], $0xffff  }
0x47: {  	v5 =	vld.idx.msk [tilespmem:v0+s13+$0x0], $0xffff  }
0x48: {  	v1 =	vld.idx.msk [tilespmem:v1+s17+$0x0], $0xffff  }
0x49: {  	v6 =	vld.idx.msk [tilespmem:v0+s14+$0x0], $0xffff;
	_ =	sdelay $0x3  }
0x4a: {  	v2 =	vsub.f32 v4, v2;
	v3 =	vsub.f32 v5, v3;
	_ =	sdelay $0x1  }
0x4b: {  	v2 =	vmul.f32 v2, v2;
	v1 =	vsub.f32 v6, v1;
	v3 =	vmul.f32 v3, v3;
	_ =	sdelay $0x1  }
0x4c: {  	v2 =	vadd.f32 v3, v2;
	v1 =	vmul.f32 v1, v1;
	_ =	sdelay $0x1  }
0x4d: {  	v1 =	vadd.f32 v1, v2;
	_ =	sdelay $0x1  }
0x4e: {  	v1 =	vmul.f32 $-5.000000000e-01, v1;
	_ =	sdelay $0x1  }
0x4f: {  	v1 =	vmul.f32 $1.442695020e+00, v1;
	_ =	sdelay $0x1  }
0x50: {  	(erf) = vpow2.f32 v1;
	_ =	sdelay $0x8  }
.Ltmp0:
0x51: {  	vm0 =	veq.s32 v0, $0x0;
	v0 =	vpop (erf);
	(pc) =	sbr.rel @p0 .LBB2_2-.Ltmp0, $4  }
0x52: {  	s22 =	sadd.s32 $0x10, s22;
	v1 =	vmov s24;
	v0 =	vsel vm0, $0x0, v0  }
0x53: {  	s23 =	sadd.s32 $0x10, s23;
	v1 =	vshrl.u32 v1, $0x5;
	[tilespmem:s22+$0x0] =	vst v0  }
0x54: {  	v1 =	vbroadcast v1, $0x0;
	v0 =	vld [tilespmem:s23+$0x0]  }
0x55: {  	s24 =	sadd.s32 $0x10, s24  }
0x56: {  	_ =	sdelay $0x4  }
0x57: {  	v2 =	vld.idx.msk [tilespmem:v1+s15+$0x0], $0xffff  }
0x58: {  	v3 =	vld.idx.msk [tilespmem:v1+s16+$0x0], $0xffff  }
0x59: {  	v4 =	vld.idx.msk [tilespmem:v0+s12+$0x0], $0xffff  }
0x5a: {  	v5 =	vld.idx.msk [tilespmem:v0+s13+$0x0], $0xffff  }
0x5b: {  	v62 =	vld.idx.msk [tilespmem:v1+s17+$0x0], $0xffff  }
0x5c: {  	v6 =	vld.idx.msk [tilespmem:v0+s14+$0x0], $0xffff;
	_ =	sdelay $0x2  }
0x5d: {  	v2 =	vsub.f32 v4, v2;
	v3 =	vsub.f32 v5, v3;
	_ =	sdelay $0x1  }
0x5e: {  	v1 =	vsub.f32 v6, v62;
	v2 =	vmul.f32 v2, v2;
	v3 =	vmul.f32 v3, v3;
	_ =	sdelay $0x1  }
0x5f: {  	v1 =	vmul.f32 v1, v1;
	v2 =	vadd.f32 v3, v2;
	_ =	sdelay $0x1  }
0x60: {  	v1 =	vadd.f32 v1, v2;
	_ =	sdelay $0x1  }
0x61: {  	v1 =	vmul.f32 $-5.000000000e-01, v1;
	_ =	sdelay $0x1  }
0x62: {  	v1 =	vmul.f32 $1.442695020e+00, v1;
	_ =	sdelay $0x1  }
0x63: {  	(erf) = vpow2.f32 v1;
	_ =	sdelay $0x8  }
0x64: {  	s21 =	sadd.s32 $0x1, s21;
	vm0 =	veq.s32 v0, $0x0;
	v63 =	vpop (erf)  }
0x65: {  	s22 =	sadd.s32 $0x10, s22;
	p0 =	sne.s32 s21, s11;
	v0 =	vsel vm0, $0x0, v63  }
.Ltmp1:
0x66: {  	[tilespmem:s22+$0x0] =	vst v0;
	(pc) =	sbr.rel @p0 .LBB2_1-.Ltmp1, $4  }
0x67: {  	[hbm4b:s10+s2] =	stream.linear.scatter [tilespmem:s19], [sflag:$0x2], $0x2800, $0x38;
	[tilespmem:$0xCB00] =	vst v63  }
0x68: {  	_ =	swait.ge [sflag:s20], $0x2800  }
0x69: {  	[sflag:s20] =	ssyncset.done $0x0  }
0x6a: {  	[sflag:s20] =	ssyncadd.s32 $0xFFFFD800  }
0x6b: {  	_ =	sfence.sel $0x180000  }
0x6c: {  	[bflag:$0x0] =	sbarrier.arrive $0xFFFF  }
0x6d: {  	p0 =	sne.s32 s1, $0x0;
	_ =	strace $0x90000047  }
0x6e: {  	s0 =	sadd.s32 @!p0 $0x100000, s0;
	[bflag:$0x2] =	sbarrier.arrive $0xFFFF  }
0x6f: {  	[sflag:s0] =	ssyncadd.tile.s32 @!p0 $0x1;
	_ =	shalt  }
.Lfunc_end2:
_tile_overlayer_lowered:
.L_overlay_start_2:
0x70: {  	(tag) =	ssettag $0x2  }
0x71: {  	s0 =	rddreg [dreg:$0x0];
	s2 =	stileid.u32  }
0x72: {  	s1 =	rddreg [dreg:$0x1];
	p0 =	sne.s32 s2, $0x0  }
0x73: {  	s3 =	rddreg [dreg:$0x2];
	[bflag:$0x3] =	sbarrier.arrive $0xFFFF;
	s2 =	simm.s32 @!p0 $0x1C02  }
0x74: {  	[timem:s3], [sflag:s2] =	dma.local @!p0 [hbm:s0], s1  }
0x75: {  	s0 =	simm.s32 @!p0 $0x2  }
0x76: {  	_ =	swait.ge @!p0 [sflag:s0], s1  }
0x77: {  	s1 =	ssub.s32 @!p0 $0x0, s1;
	[sflag:s0] =	ssyncset.done @!p0 $0x0  }
0x78: {  	[sflag:s0] =	ssyncadd.s32 @!p0 s1  }
0x79: {  	[bflag:$0x3] =	sbarrier.arrive $0xFFFF  }
0x7a: {  	_ =	shalt  }

// kernel: kernel.15.cloned.1.call-start
scs
__scs_entry_jumppad:
0x0: {  	(pc) =	sbr.rel $0x88, $3  }
0x1: {  	(tag) =	ssettag $0x0;
	lr =	simm.s32 $0x1  }
0x2: {  	[smem:$0x3F98] =	sst lr;
	_ =	strace $0xD0000000  }
0x3: {  	_ = 	snop  }
0x4: {  	_ = 	snop  }
0x5: {  	_ = 	snop  }
0x6: {  	_ = 	snop  }
0x7: {  	_ = 	snop  }
__scs_overlays_trampoline_lowered:
0x8: {  	[smem:$0x3FA7] =	sst s0  }
0x9: {  	[smem:$0x3FA8] =	sst s1  }
0xa: {  	[smem:$0x3FA9] =	sst s2  }
0xb: {  	[smem:$0x3FAA] =	sst s3  }
0xc: {  	[smem:$0x3FAB] =	sst s4  }
0xd: {  	[smem:$0x3FAC] =	sst s5  }
0xe: {  	[smem:$0x3FAD] =	sst s6  }
0xf: {  	[smem:$0x3FAE] =	sst s7  }
0x10: {  	[smem:$0x3FAF] =	sst s8  }
0x11: {  	[smem:$0x3FB0] =	sst s9;
	s0 =	simm.s32 @!p0 $0x0  }
0x12: {  	s1 =	sld [smem:$0x3F96];
	s0 =	simm.s32 @p0 $0x1  }
0x13: {  	[smem:$0x3FB1] =	sst s0;
	s0 =	simm.s32 @!p1 $0x0  }
0x14: {  	s2 =	sld [smem:$0x3F95];
	s0 =	simm.s32 @p1 $0x1  }
0x15: {  	[smem:$0x3FB2] =	sst s0;
	s0 =	simm.s32 @!p2 $0x0  }
0x16: {  	s3 =	sld [smem:$0x3FDB];
	s0 =	simm.s32 @p2 $0x1  }
0x17: {  	s4 =	simm.s32 $0x1BF5;
	[smem:$0x3FB4] =	sst s0  }
0x18: {  	s0 =	sld [smem:$0x3F97];
	_ =	swait.ge [sflag:s4], $0x0  }
0x19: {  	s7 =	sld [smem:$0x3F98]  }
0x1a: {  	s8 =	sadd.s32 $0xFFFFE003, lr  }
0x1b: {  	s9 =	sadd.s32 $0xFFFFFEF7, lr;
	s5 =	simm.s32 $0xFFFFFFFF;
	p2 =	slt.u32 s8, $0xFFFFF086  }
0x1c: {  	p1 =	slt.u32 s9, $0xF7A;
	s5 =	simm.s32 @!p2 $0x0  }
0x1d: {  	s5 =	simm.s32 @p1 $0x1;
	p0 =	seq.s32 s7, s2  }
0x1e: {  	s7 =	smul.u32 @!p0 $0xF7A, s2;
	p2 =	seq.s32 @!p0 s5, $0x0  }
0x1f: {  	s9 =	smul.u32 $0xF7A, s1;
	s8 =	simm.s32 @!p0 $0x1BF5;
	p2 =	por !p2, p0  }
0x20: {  	[sflag:s8] =	ssyncset.s32 @!p0 $0xFFFFF086;
	s6 =	sadd.s32 @!p0 s3, s7;
	s7 =	simm.s32 @!p0 $0x108  }
0x21: {  	s3 =	sadd.s32 s3, s9;
	s6 =	sadd.s32 @!p0 $0x88, s6;
	s7 =	simm.s32 @p2 $0x1082  }
0x22: {  	[simem:s7], [sflag:s8] =	dma.local @!p0 [hbm:s6], $0xF7A  }
0x23: {  	s9 =	sor.u32 $0xD0000000, s2;
	s6 =	simm.s32 $0x108;
	_ =	swait.ge @!p0 [sflag:s8], $0x0  }
0x24: {  	s3 =	sadd.s32 $0x88, s3;
	s6 =	simm.s32 @!p1 $0x1082;
	[sflag:s4] =	ssyncset.s32 $0xFFFFF086  }
0x25: {  	[simem:s6], [sflag:s4] =	dma.local [hbm:s3], $0xF7A  }
0x26: {  	[smem:$0x3F98] =	sst s1;
	(tag) =	ssettag s2;
	_ =	strace s9  }
0x27: {  	s1 =	sld [smem:$0x3FA8]  }
0x28: {  	s2 =	sld [smem:$0x3FA9]  }
0x29: {  	s4 =	sld [smem:$0x3FAB]  }
0x2a: {  	p0 =	seq.s32 s5, $0x0;
	s5 =	sld [smem:$0x3FAC]  }
0x2b: {  	s6 =	sld [smem:$0x3FAD]  }
0x2c: {  	s7 =	sld [smem:$0x3FAE]  }
0x2d: {  	s3 =	simm.s32 $0x108;
	s8 =	sld [smem:$0x3FAF]  }
0x2e: {  	s3 =	simm.s32 @!p0 $0x1082;
	s9 =	sld [smem:$0x3FB0]  }
0x2f: {  	lr =	sadd.s32 s0, s3;
	s0 =	sld [smem:$0x3FA7]  }
0x30: {  	s3 =	sld [smem:$0x3FAA]  }
0x31: {  	[smem:$0x3FB3] =	sst s10  }
0x32: {  	s10 =	sld [smem:$0x3FB1];
	_ =	sdelay $0x3  }
0x33: {  	p0 =	seq.s32 s10, $0x1;
	s10 =	sld [smem:$0x3FB3];
	_ =	sdelay $0x3  }
0x34: {  	[smem:$0x3FB3] =	sst s10  }
0x35: {  	s10 =	sld [smem:$0x3FB2];
	_ =	sdelay $0x3  }
0x36: {  	p1 =	seq.s32 s10, $0x1;
	s10 =	sld [smem:$0x3FB3];
	_ =	sdelay $0x3  }
0x37: {  	[smem:$0x3FB3] =	sst s10  }
0x38: {  	s10 =	sld [smem:$0x3FB4]  }
0x39: {  	_ = 	snop;
	(pc) =	sbr.ind lr, $3  }
0x3a: {  	_ = 	snop  }
0x3b: {  	_ = 	snop  }
0x3c: {  	p2 =	seq.s32 s10, $0x1;
	s10 =	sld [smem:$0x3FB3]  }
0x3d: {  	_ =	shalt  }
0x3e: {  	_ =	shalt  }
0x3f: {  	_ =	shalt  }
0x40: {  	_ =	shalt  }
0x41: {  	_ =	shalt  }
0x42: {  	_ =	shalt  }
0x43: {  	_ =	shalt  }
0x44: {  	_ =	shalt  }
0x45: {  	_ =	shalt  }
0x46: {  	_ =	shalt  }
0x47: {  	_ =	shalt  }
0x48: {  	_ =	shalt  }
0x49: {  	_ =	shalt  }
0x4a: {  	_ =	shalt  }
0x4b: {  	_ =	shalt  }
0x4c: {  	_ =	shalt  }
0x4d: {  	_ =	shalt  }
0x4e: {  	_ =	shalt  }
0x4f: {  	_ =	shalt  }
0x50: {  	_ =	shalt  }
0x51: {  	_ =	shalt  }
0x52: {  	_ =	shalt  }
0x53: {  	_ =	shalt  }
0x54: {  	_ =	shalt  }
0x55: {  	_ =	shalt  }
0x56: {  	_ =	shalt  }
0x57: {  	_ =	shalt  }
0x58: {  	_ =	shalt  }
0x59: {  	_ =	shalt  }
0x5a: {  	_ =	shalt  }
0x5b: {  	_ =	shalt  }
0x5c: {  	_ =	shalt  }
0x5d: {  	_ =	shalt  }
0x5e: {  	_ =	shalt  }
0x5f: {  	_ =	shalt  }
0x60: {  	_ =	shalt  }
0x61: {  	_ =	shalt  }
0x62: {  	_ =	shalt  }
0x63: {  	_ =	shalt  }
0x64: {  	_ =	shalt  }
0x65: {  	_ =	shalt  }
0x66: {  	_ =	shalt  }
0x67: {  	_ =	shalt  }
0x68: {  	_ =	shalt  }
0x69: {  	_ =	shalt  }
0x6a: {  	_ =	shalt  }
0x6b: {  	_ =	shalt  }
0x6c: {  	_ =	shalt  }
0x6d: {  	_ =	shalt  }
0x6e: {  	_ =	shalt  }
0x6f: {  	_ =	shalt  }
0x70: {  	_ =	shalt  }
0x71: {  	_ =	shalt  }
0x72: {  	_ =	shalt  }
0x73: {  	_ =	shalt  }
0x74: {  	_ =	shalt  }
0x75: {  	_ =	shalt  }
0x76: {  	_ =	shalt  }
0x77: {  	_ =	shalt  }
0x78: {  	_ =	shalt  }
0x79: {  	_ =	shalt  }
0x7a: {  	_ =	shalt  }
0x7b: {  	_ =	shalt  }
0x7c: {  	_ =	shalt  }
0x7d: {  	_ =	shalt  }
0x7e: {  	_ =	shalt  }
0x7f: {  	_ =	shalt  }
0x80: {  	_ =	shalt  }
0x81: {  	_ =	shalt  }
0x82: {  	_ =	shalt  }
0x83: {  	_ =	shalt  }
0x84: {  	_ =	shalt  }
0x85: {  	_ =	shalt  }
0x86: {  	_ =	shalt  }
0x87: {  	_ =	shalt  }
.Lfunc_end0:
.L_simem_size_0:
called_computation.2_lowered:
.L_overlay_start_0:
0x88: {  	s2 =	sld [smem:$0x3FD9]  }
0x89: {  	s3 =	sld [smem:$0x3FFE];
	_ =	sdelay $0x1  }
0x8a: {  	s1 =	srdreg.scid  }
0x8b: {  	s0 =	sand.u32 $0x1, s1  }
0x8c: {  	s17 =	sshll.u32 s0, $0xA;
	s2 =	sadd.s32 s3, s2  }
0x8d: {  	s2 =	sadd.s32 s2, s17  }
0x8e: {  	[smem:$0x3FBF] =	sst s2  }
0x8f: {  	_ = 	snop  }
0x90: {  	s18 =	sld [smem:$0x3FD0];
	(tm) =	ssettm $0x1  }
0x91: {  	s19 =	sld [smem:$0x3FFB];
	_ =	sdelay $0x3  }
0x92: {  	_ =	strace s19  }
0x93: {  	s2 =	sld [smem:$0x3FFC];
	_ =	sdelay $0x3  }
0x94: {  	_ =	strace s2  }
0x95: {  	s2 =	sld [smem:$0x3FFD];
	_ =	sdelay $0x3  }
0x96: {  	_ =	strace s2  }
0x97: {  	_ =	strace $0x8FFFFFFF  }
0x98: {  	s20 =	sld [smem:$0x3FDB];
	_ =	sdelay $0x1  }
0x99: {  	s4 =	simm.s32 $_scs_section_size  }
0x9a: {  	s5 =	simm.s32 $_size__tile_overlayer_lowered;
	s6 =	simm.s32 $_tile_overlayer_lowered  }
0x9b: {  	s7 =	simm.s32 $0x1BFF;
	s21 =	sshll.u32 s6, $0x1;
	s4 =	sadd.s32 s4, s20  }
0x9c: {  	s22 =	simm.s32 $0x0;
	s5 =	sshll.u32 s5, $0x1;
	s6 =	sadd.s32 s21, s4  }
0x9d: {  	[timem:s22], [sflag:s7] =	dma.local [hbm:s6], s5  }
0x9e: {  	_ =	swait.ge [sflag:s7], s5  }
0x9f: {  	s5 =	ssub.s32 $0x0, s5;
	[sflag:s7] =	ssyncset.done $0x0  }
0xa0: {  	[sflag:s7] =	ssyncadd.s32 s5;
	_ =	sdelay $0x1  }
0xa1: {  	s23 =	simm.s32 $0x1B8B  }
0xa2: {  	_ =	swait.ge [sflag:s23], $0x1  }
0xa3: {  	[sflag:s23] =	ssyncset.done $0x0  }
0xa4: {  	[sflag:s23] =	ssyncadd.s32 $0xFFFFFFFF  }
0xa5: {  	s5 =	sld [smem:$0x0]  }
0xa6: {  	s6 =	sand.u32 $0xFFFFFFFE, s1  }
0xa7: {  	p0 =	sne.s32 s1, s6  }
0xa8: {  	s6 =	sshll.u32 @p0 s6, $0xE  }
0xa9: {  	s6 =	sadd.s32 @p0 $0x11B8D, s6;
	s7 =	sshll.u32 @p0 s5, $0x11  }
0xaa: {  	s6 =	sor.u32 @p0 s7, s6  }
0xab: {  	[sflag:s6] =	ssyncadd.remote.s32 @p0 $0x1;
	_ =	sdelay $0x1  }
0xac: {  	s6 =	simm.s32 @p0 $0x1B8D  }
0xad: {  	_ =	swait.eq @p0 [sflag:s6], $0x1  }
0xae: {  	[sflag:s6] =	ssyncadd.s32 @p0 $0xFFFFFFFF  }
0xaf: {  	s7 =	sshll.u32 @!p0 s1, $0xE  }
0xb0: {  	s7 =	sor.u32 @!p0 $0x4000, s7;
	s6 =	simm.s32 @!p0 $0x1B8D  }
0xb1: {  	s5 =	sshll.u32 @!p0 s5, $0x11;
	s7 =	sadd.s32 @!p0 $0x11B8D, s7;
	_ =	swait.eq @!p0 [sflag:s6], $0x1  }
0xb2: {  	s5 =	sor.u32 @!p0 s5, s7;
	[sflag:s6] =	ssyncadd.s32 @!p0 $0xFFFFFFFF  }
0xb3: {  	s25 =	simm.s32 $0x1B8E;
	s24 =	sld [smem:$0x3FFE];
	[sflag:s5] =	ssyncadd.remote.s32 @!p0 $0x1  }
0xb4: {  	s26 =	simm.s32 $execute0_lowered;
	[smem:$0x3FD2] =	sst s25  }
0xb5: {  	s6 =	sshll.u32 s26, $0x1;
	_ =	strace $0x8000004C;
	[dreg:$0x1] =	wrdreg $0xFFFFFFFF  }
0xb6: {  	s28 =	simm.s32 $_size_execute0_lowered;
	s4 =	sadd.s32 s4, s6;
	[dreg:$0x0] =	wrdreg $0x0  }
0xb7: {  	s6 =	sshll.u32 s28, $0x1;
	[dreg:$0x2] =	wrdreg s4  }
0xb8: {  	[dreg:$0x3] =	wrdreg s6  }
0xb9: {  	[dreg:$0x4] =	wrdreg $0xC0  }
0xba: {  	_ =	task [dreg:s22], $0x5FFFF  }
0xbb: {  	[dreg:$0x1] =	wrdreg $0xFFFFFFFF  }
0xbc: {  	[dreg:$0x0] =	wrdreg $0x60  }
0xbd: {  	[dreg:$0x2] =	wrdreg s24  }
0xbe: {  	[dreg:$0x3] =	wrdreg s18  }
0xbf: {  	[dreg:$0x4] =	wrdreg $0x0  }
0xc0: {  	[dreg:$0x5] =	wrdreg $0xB  }
0xc1: {  	_ =	task.clear_ibuf [dreg:s22], $0x6FFFF;
	_ =	strace $0x9000004C  }
0xc2: {  	s29 =	simm.s32 $0xB;
	_ =	strace $0x8000004E  }
0xc3: {  	_ =	swait.ge [sflag:s29], $0x1  }
0xc4: {  	[sflag:s29] =	ssyncadd.s32 $0xFFFFFFFF  }
0xc5: {  	_ =	strace $0x9000004E  }
0xc6: {  	_ =	sfence  }
0xc7: {  	s30 =	sld [smem:$0x0];
	_ =	sdelay $0x2  }
0xc8: {  	s31 =	sshll.u32 s1, $0xD;
	s1 =	sshrl.u32 s1, $0x2  }
0xc9: {  	s4 =	sand.u32 $0x4000, s31;
	s1 =	sadd.s32 s1, s30  }
0xca: {  	s0 =	sor.u32 s4, s0;
	s1 =	sshll.u32 s1, $0x11  }
0xcb: {  	s0 =	sor.u32 s1, s0  }
0xcc: {  	s0 =	sadd.s32 $0x8F2B, s0  }
0xcd: {  	[sflag:s0] =	ssyncadd.remote.s32 $0x1  }
0xce: {  	_ =	sfence.sel $0xFFFF  }
0xcf: {  	[dreg:$0x0] =	wrdreg $0xFFFFFFFF;
	(pc) =	sbr.abs _section_cstart, $3  }
0xd0: {  	[dreg:$0x1] =	wrdreg $0xFFFFFFFF  }
0xd1: {  	_ =	task.clear_ibuf [dreg:s22], $0x2FFFF;
	_ =	strace $0x9FFFFFFF  }
0xd2: {  	(tm) =	ssettm $0x7FFFFFFF  }
0xd3: {  	_ =	shalt  }
tec
execute0_lowered:
.L_overlay_start_1:
0x0: {  	(tag) =	ssettag $0x1  }
0x1: {  	s4 =	rddreg [dreg:$0x0]  }
0x2: {  	s5 =	rddreg [dreg:$0x1]  }
0x3: {  	s2 =	rddreg [dreg:$0x2]  }
0x4: {  	s0 =	rddreg [dreg:$0x3]  }
0x5: {  	s3 =	simm.s32 $0x0;
	s1 =	stileid.u32;
	s6 =	srdreg.scid  }
0x6: {  	s15 =	simm.s32 $0x5;
	s16 =	simm.s32 $0x80;
	s17 =	simm.s32 $0x15800  }
0x7: {  	s18 =	simm.s32 $0x14080;
	s19 =	simm.s32 $0x19800;
	s20 =	simm.s32 $0x1  }
0x8: {  	s21 =	simm.s32 $0x3;
	s22 =	simm.s32 $0x2;
	s7 =	smul.u32 $0x2800, s1  }
0x9: {  	[smem:$0x7FF] =	sst s3;
	s6 =	sand.u32 $0x1, s6;
	s12 =	smul.u32 $0x50000, s1  }
0xa: {  	s8 =	sshll.u32 s1, $0x1;
	s11 =	sadd.s32 $0x240E00, s4;
	s26 =	smul.u32 $0x180000, s1  }
0xb: {  	s29 =	sshll.u32 s1, $0x6;
	_ =	strace $0x8000004D;
	s8 =	sor.u32 s6, s8  }
0xc: {  	s9 =	ssub.s32 $0x2, s6;
	s28 =	smul.u32 $0xC0000, s6;
	s6 =	sor.u32 $0x1C06, s29  }
0xd: {  	s7 =	sadd.s32 s7, s4;
	s10 =	smul.u32 $0x2800, s8;
	s23 =	sshrl.u32 s9, $0x1  }
0xe: {  	s8 =	smul.u32 $0xC0000, s8;
	s25 =	sshrl.u32 s12, $0x2;
	s9 =	ssub.s32 s9, s23  }
0xf: {  	s13 =	sadd.s32 s25, s2;
	s23 =	simm.s32 $0x4;
	s24 =	sshrl.u32 s10, $0x3  }
0x10: {  	s30 =	sshrl.u32 s8, $0x3;
	s10 =	sadd.s32 s28, s26;
	s13 =	sshrl.u32 s13, $0x3  }
0x11: {  	s4 =	sadd.s32 s5, s24;
	s5 =	sadd.s32 $0x18E00, s7;
	s14 =	sadd.s32 s11, s30  }
0x12: {  	s7 =	smax.u32 s9, $0x1;
	s12 =	sor.u32 $0x4000, s10;
	s31 =	sshrl.u32 s10, $0x3  }
0x13: {  	s24 =	simm.s32 $0x0;
	s4 =	sadd.s32 $0x200, s4;
	s8 =	sadd.s32 $0x17000, s14  }
0x14: {  	s9 =	sadd.s32 $0x17800, s14;
	s12 =	sshrl.u32 s12, $0x3;
	s14 =	simm.s32 $0x6  }
0x15: {  	s10 =	sadd.s32 s12, s11;
	s11 =	sadd.s32 s31, s11;
	s12 =	simm.s32 $0x14000  }
.LBB2_1:
0x16: {  	[tilespmem:s12], [sflag:$0x5] =	stream.linear.gather [hbm4b:s4+s3], $0x1800, $0x38;
	[tilespmem:$0x1D800] =	vst v63  }
0x17: {  	[spmem:s13], [sflag:s6] =	dma.local [hbm:s5], $0x2800  }
0x18: {  	_ =	swait.ge [sflag:s14], $0x2800  }
0x19: {  	[sflag:s14] =	ssyncset.done $0x0  }
0x1a: {  	[sflag:s14] =	ssyncadd.s32 $0xFFFFD800  }
0x1b: {  	_ =	swait.ge [sflag:s15], $0x1800  }
0x1c: {  	[sflag:s15] =	ssyncset.done $0x0  }
0x1d: {  	[sflag:s15] =	ssyncadd.s32 $0xFFFFE800  }
0x1e: {  	[bflag:$0x0] =	sbarrier.arrive $0xFFFF  }
0x1f: {  	[tilespmem:s17], [sflag:$0x1] =	stream.indirect.gather [spmem:s2], $0x80, s12, s16, $0xb8;
	[tilespmem:$0x1D800] =	vst v63  }
0x20: {  	_ = 	snop  }
0x21: {  	[tilespmem:s19], [sflag:$0x2] =	stream.indirect.gather [spmem:s2], $0x80, s18, s16, $0xb8;
	[tilespmem:$0x1D800] =	vst v63  }
0x22: {  	_ =	swait.ge [sflag:s20], $0x4000  }
0x23: {  	[sflag:s20] =	ssyncset.done $0x0  }
0x24: {  	s25 =	sadd.s32 $0x0, s11;
	[sflag:s20] =	ssyncadd.s32 $0xFFFFC000  }
0x25: {  	[hbm4b:s25+s3] =	stream.linear.scatter [tilespmem:s17], [sflag:$0x3], $0x4000, $0x38;
	[tilespmem:$0x1D800] =	vst v63  }
0x26: {  	_ =	swait.ge [sflag:s21], $0x4000  }
0x27: {  	[sflag:s21] =	ssyncset.done $0x0  }
0x28: {  	s30 =	simm.s32 $0x14100;
	[sflag:s21] =	ssyncadd.s32 $0xFFFFC000  }
0x29: {  	[tilespmem:s17], [sflag:$0x1] =	stream.indirect.gather [spmem:s2], $0x80, s30, s16, $0xb8;
	[tilespmem:$0x1D800] =	vst v63  }
0x2a: {  	_ =	swait.ge [sflag:s22], $0x4000  }
0x2b: {  	[sflag:s22] =	ssyncset.done $0x0  }
0x2c: {  	s31 =	sadd.s32 $0x0, s10;
	[sflag:s22] =	ssyncadd.s32 $0xFFFFC000  }
0x2d: {  	[hbm4b:s31+s3] =	stream.linear.scatter [tilespmem:s19], [sflag:$0x4], $0x4000, $0x38;
	[tilespmem:$0x1D800] =	vst v63  }
0x2e: {  	_ =	swait.ge [sflag:s23], $0x4000  }
0x2f: {  	s26 =	simm.s32 $0x1000;
	[sflag:s23] =	ssyncset.done $0x0  }
0x30: {  	s28 =	simm.s32 $0x14280;
	s25 =	simm.s32 $0x14180;
	[sflag:s23] =	ssyncadd.s32 $0xFFFFC000  }
.LBB2_2:
0x31: {  	[tilespmem:s19], [sflag:$0x2] =	stream.indirect.gather [spmem:s2], $0x80, s25, s16, $0xb8;
	[tilespmem:$0x1D800] =	vst v63  }
0x32: {  	s29 =	smov.u32 s26;
	s25 =	smov.u32 s28  }
0x33: {  	p0 =	sne.s32 s26, $0x16000;
	s26 =	sadd.s32 $0x1000, s26;
	_ =	swait.ge [sflag:s20], $0x4000  }
0x34: {  	[sflag:s20] =	ssyncset.done $0x0  }
0x35: {  	s30 =	sadd.s32 s29, s11;
	[sflag:s20] =	ssyncadd.s32 $0xFFFFC000  }
0x36: {  	[hbm4b:s30+s3] =	stream.linear.scatter [tilespmem:s17], [sflag:$0x3], $0x4000, $0x38;
	[tilespmem:$0x1D800] =	vst v63  }
0x37: {  	_ =	swait.ge [sflag:s21], $0x4000  }
0x38: {  	[sflag:s21] =	ssyncset.done $0x0  }
0x39: {  	s30 =	sadd.s32 $0xFFFFFF80, s28;
	[sflag:s21] =	ssyncadd.s32 $0xFFFFC000  }
0x3a: {  	[tilespmem:s17], [sflag:$0x1] =	stream.indirect.gather [spmem:s2], $0x80, s30, s16, $0xb8;
	[tilespmem:$0x1D800] =	vst v63  }
0x3b: {  	_ =	swait.ge [sflag:s22], $0x4000  }
0x3c: {  	[sflag:s22] =	ssyncset.done $0x0  }
.Ltmp0:
0x3d: {  	s29 =	sadd.s32 s29, s10;
	[sflag:s22] =	ssyncadd.s32 $0xFFFFC000;
	(pc) =	sbr.rel @p0 .LBB2_2-.Ltmp0, $4  }
0x3e: {  	[hbm4b:s29+s3] =	stream.linear.scatter [tilespmem:s19], [sflag:$0x4], $0x4000, $0x38;
	[tilespmem:$0x1D800] =	vst v63  }
0x3f: {  	_ =	swait.ge [sflag:s23], $0x4000  }
0x40: {  	[sflag:s23] =	ssyncset.done $0x0  }
0x41: {  	s28 =	sadd.s32 $0x100, s28;
	[sflag:s23] =	ssyncadd.s32 $0xFFFFC000  }
0x42: {  	[tilespmem:s19], [sflag:$0x2] =	stream.indirect.gather [spmem:s2], $0x80, s25, s16, $0xb8;
	[tilespmem:$0x1D800] =	vst v63  }
0x43: {  	_ =	swait.ge [sflag:s20], $0x4000  }
0x44: {  	[sflag:s20] =	ssyncset.done $0x0  }
0x45: {  	[sflag:s20] =	ssyncadd.s32 $0xFFFFC000  }
0x46: {  	[hbm4b:s8+s3] =	stream.linear.scatter [tilespmem:s17], [sflag:$0x3], $0x4000, $0x38;
	[tilespmem:$0x1D800] =	vst v63  }
0x47: {  	_ =	swait.ge [sflag:s21], $0x4000  }
0x48: {  	[sflag:s21] =	ssyncset.done $0x0  }
0x49: {  	[sflag:s21] =	ssyncadd.s32 $0xFFFFC000  }
0x4a: {  	s24 =	sadd.s32 $0x1, s24;
	_ =	swait.ge [sflag:s22], $0x4000  }
0x4b: {  	p0 =	sne.s32 s24, s7;
	[sflag:s22] =	ssyncset.done $0x0  }
.Ltmp1:
0x4c: {  	[sflag:s22] =	ssyncadd.s32 $0xFFFFC000;
	(pc) =	sbr.rel @p0 .LBB2_1-.Ltmp1, $4  }
0x4d: {  	[hbm4b:s9+s3] =	stream.linear.scatter [tilespmem:s19], [sflag:$0x4], $0x4000, $0x38;
	[tilespmem:$0x1D800] =	vst v63  }
0x4e: {  	_ =	swait.ge [sflag:s23], $0x4000  }
0x4f: {  	[sflag:s23] =	ssyncset.done $0x0  }
0x50: {  	[sflag:s23] =	ssyncadd.s32 $0xFFFFC000  }
0x51: {  	_ =	sfence.sel $0x180000  }
0x52: {  	[bflag:$0x0] =	sbarrier.arrive $0xFFFF  }
0x53: {  	p0 =	sne.s32 s1, $0x0;
	_ =	strace $0x9000004D  }
0x54: {  	s0 =	sadd.s32 @!p0 $0x100000, s0;
	[bflag:$0x2] =	sbarrier.arrive $0xFFFF  }
0x55: {  	[sflag:s0] =	ssyncadd.tile.s32 @!p0 $0x1;
	_ =	shalt  }
.Lfunc_end2:
_tile_overlayer_lowered:
.L_overlay_start_2:
0x56: {  	(tag) =	ssettag $0x2  }
0x57: {  	s0 =	rddreg [dreg:$0x0];
	s2 =	stileid.u32  }
0x58: {  	s1 =	rddreg [dreg:$0x1];
	p0 =	sne.s32 s2, $0x0  }
0x59: {  	s3 =	rddreg [dreg:$0x2];
	[bflag:$0x3] =	sbarrier.arrive $0xFFFF;
	s2 =	simm.s32 @!p0 $0x1C06  }
0x5a: {  	[timem:s3], [sflag:s2] =	dma.local @!p0 [hbm:s0], s1  }
0x5b: {  	s0 =	simm.s32 @!p0 $0x6  }
0x5c: {  	_ =	swait.ge @!p0 [sflag:s0], s1  }
0x5d: {  	s1 =	ssub.s32 @!p0 $0x0, s1;
	[sflag:s0] =	ssyncset.done @!p0 $0x0  }
0x5e: {  	[sflag:s0] =	ssyncadd.s32 @!p0 s1  }
0x5f: {  	[bflag:$0x3] =	sbarrier.arrive $0xFFFF  }
0x60: {  	_ =	shalt  }

// kernel: kernel.9.cloned.1.call-start
scs
__scs_entry_jumppad:
0x0: {  	(pc) =	sbr.rel $0x88, $3  }
0x1: {  	(tag) =	ssettag $0x0;
	lr =	simm.s32 $0x1  }
0x2: {  	[smem:$0x3F98] =	sst lr;
	_ =	strace $0xD0000000  }
0x3: {  	_ = 	snop  }
0x4: {  	_ = 	snop  }
0x5: {  	_ = 	snop  }
0x6: {  	_ = 	snop  }
0x7: {  	_ = 	snop  }
__scs_overlays_trampoline_lowered:
0x8: {  	[smem:$0x3FA7] =	sst s0  }
0x9: {  	[smem:$0x3FA8] =	sst s1  }
0xa: {  	[smem:$0x3FA9] =	sst s2  }
0xb: {  	[smem:$0x3FAA] =	sst s3  }
0xc: {  	[smem:$0x3FAB] =	sst s4  }
0xd: {  	[smem:$0x3FAC] =	sst s5  }
0xe: {  	[smem:$0x3FAD] =	sst s6  }
0xf: {  	[smem:$0x3FAE] =	sst s7  }
0x10: {  	[smem:$0x3FAF] =	sst s8  }
0x11: {  	[smem:$0x3FB0] =	sst s9;
	s0 =	simm.s32 @!p0 $0x0  }
0x12: {  	s1 =	sld [smem:$0x3F96];
	s0 =	simm.s32 @p0 $0x1  }
0x13: {  	[smem:$0x3FB1] =	sst s0;
	s0 =	simm.s32 @!p1 $0x0  }
0x14: {  	s2 =	sld [smem:$0x3F95];
	s0 =	simm.s32 @p1 $0x1  }
0x15: {  	[smem:$0x3FB2] =	sst s0;
	s0 =	simm.s32 @!p2 $0x0  }
0x16: {  	s3 =	sld [smem:$0x3FDB];
	s0 =	simm.s32 @p2 $0x1  }
0x17: {  	s4 =	simm.s32 $0x1BF5;
	[smem:$0x3FB4] =	sst s0  }
0x18: {  	s0 =	sld [smem:$0x3F97];
	_ =	swait.ge [sflag:s4], $0x0  }
0x19: {  	s7 =	sld [smem:$0x3F98]  }
0x1a: {  	s8 =	sadd.s32 $0xFFFFE003, lr  }
0x1b: {  	s9 =	sadd.s32 $0xFFFFFEF7, lr;
	s5 =	simm.s32 $0xFFFFFFFF;
	p2 =	slt.u32 s8, $0xFFFFF086  }
0x1c: {  	p1 =	slt.u32 s9, $0xF7A;
	s5 =	simm.s32 @!p2 $0x0  }
0x1d: {  	s5 =	simm.s32 @p1 $0x1;
	p0 =	seq.s32 s7, s2  }
0x1e: {  	s7 =	smul.u32 @!p0 $0xF7A, s2;
	p2 =	seq.s32 @!p0 s5, $0x0  }
0x1f: {  	s9 =	smul.u32 $0xF7A, s1;
	s8 =	simm.s32 @!p0 $0x1BF5;
	p2 =	por !p2, p0  }
0x20: {  	[sflag:s8] =	ssyncset.s32 @!p0 $0xFFFFF086;
	s6 =	sadd.s32 @!p0 s3, s7;
	s7 =	simm.s32 @!p0 $0x108  }
0x21: {  	s3 =	sadd.s32 s3, s9;
	s6 =	sadd.s32 @!p0 $0x88, s6;
	s7 =	simm.s32 @p2 $0x1082  }
0x22: {  	[simem:s7], [sflag:s8] =	dma.local @!p0 [hbm:s6], $0xF7A  }
0x23: {  	s9 =	sor.u32 $0xD0000000, s2;
	s6 =	simm.s32 $0x108;
	_ =	swait.ge @!p0 [sflag:s8], $0x0  }
0x24: {  	s3 =	sadd.s32 $0x88, s3;
	s6 =	simm.s32 @!p1 $0x1082;
	[sflag:s4] =	ssyncset.s32 $0xFFFFF086  }
0x25: {  	[simem:s6], [sflag:s4] =	dma.local [hbm:s3], $0xF7A  }
0x26: {  	[smem:$0x3F98] =	sst s1;
	(tag) =	ssettag s2;
	_ =	strace s9  }
0x27: {  	s1 =	sld [smem:$0x3FA8]  }
0x28: {  	s2 =	sld [smem:$0x3FA9]  }
0x29: {  	s4 =	sld [smem:$0x3FAB]  }
0x2a: {  	p0 =	seq.s32 s5, $0x0;
	s5 =	sld [smem:$0x3FAC]  }
0x2b: {  	s6 =	sld [smem:$0x3FAD]  }
0x2c: {  	s7 =	sld [smem:$0x3FAE]  }
0x2d: {  	s3 =	simm.s32 $0x108;
	s8 =	sld [smem:$0x3FAF]  }
0x2e: {  	s3 =	simm.s32 @!p0 $0x1082;
	s9 =	sld [smem:$0x3FB0]  }
0x2f: {  	lr =	sadd.s32 s0, s3;
	s0 =	sld [smem:$0x3FA7]  }
0x30: {  	s3 =	sld [smem:$0x3FAA]  }
0x31: {  	[smem:$0x3FB3] =	sst s10  }
0x32: {  	s10 =	sld [smem:$0x3FB1];
	_ =	sdelay $0x3  }
0x33: {  	p0 =	seq.s32 s10, $0x1;
	s10 =	sld [smem:$0x3FB3];
	_ =	sdelay $0x3  }
0x34: {  	[smem:$0x3FB3] =	sst s10  }
0x35: {  	s10 =	sld [smem:$0x3FB2];
	_ =	sdelay $0x3  }
0x36: {  	p1 =	seq.s32 s10, $0x1;
	s10 =	sld [smem:$0x3FB3];
	_ =	sdelay $0x3  }
0x37: {  	[smem:$0x3FB3] =	sst s10  }
0x38: {  	s10 =	sld [smem:$0x3FB4]  }
0x39: {  	_ = 	snop;
	(pc) =	sbr.ind lr, $3  }
0x3a: {  	_ = 	snop  }
0x3b: {  	_ = 	snop  }
0x3c: {  	p2 =	seq.s32 s10, $0x1;
	s10 =	sld [smem:$0x3FB3]  }
0x3d: {  	_ =	shalt  }
0x3e: {  	_ =	shalt  }
0x3f: {  	_ =	shalt  }
0x40: {  	_ =	shalt  }
0x41: {  	_ =	shalt  }
0x42: {  	_ =	shalt  }
0x43: {  	_ =	shalt  }
0x44: {  	_ =	shalt  }
0x45: {  	_ =	shalt  }
0x46: {  	_ =	shalt  }
0x47: {  	_ =	shalt  }
0x48: {  	_ =	shalt  }
0x49: {  	_ =	shalt  }
0x4a: {  	_ =	shalt  }
0x4b: {  	_ =	shalt  }
0x4c: {  	_ =	shalt  }
0x4d: {  	_ =	shalt  }
0x4e: {  	_ =	shalt  }
0x4f: {  	_ =	shalt  }
0x50: {  	_ =	shalt  }
0x51: {  	_ =	shalt  }
0x52: {  	_ =	shalt  }
0x53: {  	_ =	shalt  }
0x54: {  	_ =	shalt  }
0x55: {  	_ =	shalt  }
0x56: {  	_ =	shalt  }
0x57: {  	_ =	shalt  }
0x58: {  	_ =	shalt  }
0x59: {  	_ =	shalt  }
0x5a: {  	_ =	shalt  }
0x5b: {  	_ =	shalt  }
0x5c: {  	_ =	shalt  }
0x5d: {  	_ =	shalt  }
0x5e: {  	_ =	shalt  }
0x5f: {  	_ =	shalt  }
0x60: {  	_ =	shalt  }
0x61: {  	_ =	shalt  }
0x62: {  	_ =	shalt  }
0x63: {  	_ =	shalt  }
0x64: {  	_ =	shalt  }
0x65: {  	_ =	shalt  }
0x66: {  	_ =	shalt  }
0x67: {  	_ =	shalt  }
0x68: {  	_ =	shalt  }
0x69: {  	_ =	shalt  }
0x6a: {  	_ =	shalt  }
0x6b: {  	_ =	shalt  }
0x6c: {  	_ =	shalt  }
0x6d: {  	_ =	shalt  }
0x6e: {  	_ =	shalt  }
0x6f: {  	_ =	shalt  }
0x70: {  	_ =	shalt  }
0x71: {  	_ =	shalt  }
0x72: {  	_ =	shalt  }
0x73: {  	_ =	shalt  }
0x74: {  	_ =	shalt  }
0x75: {  	_ =	shalt  }
0x76: {  	_ =	shalt  }
0x77: {  	_ =	shalt  }
0x78: {  	_ =	shalt  }
0x79: {  	_ =	shalt  }
0x7a: {  	_ =	shalt  }
0x7b: {  	_ =	shalt  }
0x7c: {  	_ =	shalt  }
0x7d: {  	_ =	shalt  }
0x7e: {  	_ =	shalt  }
0x7f: {  	_ =	shalt  }
0x80: {  	_ =	shalt  }
0x81: {  	_ =	shalt  }
0x82: {  	_ =	shalt  }
0x83: {  	_ =	shalt  }
0x84: {  	_ =	shalt  }
0x85: {  	_ =	shalt  }
0x86: {  	_ =	shalt  }
0x87: {  	_ =	shalt  }
.Lfunc_end0:
.L_simem_size_0:
called_computation_lowered:
.L_overlay_start_0:
0x88: {  	s2 =	sld [smem:$0x3FD9]  }
0x89: {  	s3 =	sld [smem:$0x3FFE];
	_ =	sdelay $0x1  }
0x8a: {  	s1 =	srdreg.scid  }
0x8b: {  	s0 =	sand.u32 $0x1, s1  }
0x8c: {  	s17 =	sshll.u32 s0, $0xA;
	s2 =	sadd.s32 s3, s2  }
0x8d: {  	s2 =	sadd.s32 s2, s17  }
0x8e: {  	[smem:$0x3FBF] =	sst s2  }
0x8f: {  	_ = 	snop  }
0x90: {  	s18 =	sld [smem:$0x3FD0];
	(tm) =	ssettm $0x1  }
0x91: {  	s19 =	sld [smem:$0x3FFB];
	_ =	sdelay $0x3  }
0x92: {  	_ =	strace s19  }
0x93: {  	s2 =	sld [smem:$0x3FFC];
	_ =	sdelay $0x3  }
0x94: {  	_ =	strace s2  }
0x95: {  	s2 =	sld [smem:$0x3FFD];
	_ =	sdelay $0x3  }
0x96: {  	_ =	strace s2  }
0x97: {  	_ =	strace $0x8FFFFFFF  }
0x98: {  	s20 =	sld [smem:$0x3FDB];
	_ =	sdelay $0x1  }
0x99: {  	s4 =	simm.s32 $_scs_section_size  }
0x9a: {  	s5 =	simm.s32 $_size__tile_overlayer_lowered;
	s6 =	simm.s32 $_tile_overlayer_lowered  }
0x9b: {  	s7 =	simm.s32 $0x1BFF;
	s21 =	sshll.u32 s6, $0x1;
	s4 =	sadd.s32 s4, s20  }
0x9c: {  	s22 =	simm.s32 $0x0;
	s5 =	sshll.u32 s5, $0x1;
	s6 =	sadd.s32 s21, s4  }
0x9d: {  	[timem:s22], [sflag:s7] =	dma.local [hbm:s6], s5  }
0x9e: {  	_ =	swait.ge [sflag:s7], s5  }
0x9f: {  	s5 =	ssub.s32 $0x0, s5;
	[sflag:s7] =	ssyncset.done $0x0  }
0xa0: {  	[sflag:s7] =	ssyncadd.s32 s5;
	_ =	sdelay $0x1  }
0xa1: {  	s23 =	simm.s32 $0x1B8B  }
0xa2: {  	_ =	swait.ge [sflag:s23], $0x1  }
0xa3: {  	[sflag:s23] =	ssyncset.done $0x0  }
0xa4: {  	[sflag:s23] =	ssyncadd.s32 $0xFFFFFFFF  }
0xa5: {  	s5 =	sld [smem:$0x0]  }
0xa6: {  	s6 =	sand.u32 $0xFFFFFFFE, s1  }
0xa7: {  	p0 =	sne.s32 s1, s6  }
0xa8: {  	s6 =	sshll.u32 @p0 s6, $0xE  }
0xa9: {  	s6 =	sadd.s32 @p0 $0x11B8D, s6;
	s7 =	sshll.u32 @p0 s5, $0x11  }
0xaa: {  	s6 =	sor.u32 @p0 s7, s6  }
0xab: {  	[sflag:s6] =	ssyncadd.remote.s32 @p0 $0x1;
	_ =	sdelay $0x1  }
0xac: {  	s6 =	simm.s32 @p0 $0x1B8D  }
0xad: {  	_ =	swait.eq @p0 [sflag:s6], $0x1  }
0xae: {  	[sflag:s6] =	ssyncadd.s32 @p0 $0xFFFFFFFF  }
0xaf: {  	s7 =	sshll.u32 @!p0 s1, $0xE  }
0xb0: {  	s7 =	sor.u32 @!p0 $0x4000, s7;
	s6 =	simm.s32 @!p0 $0x1B8D  }
0xb1: {  	s5 =	sshll.u32 @!p0 s5, $0x11;
	s7 =	sadd.s32 @!p0 $0x11B8D, s7;
	_ =	swait.eq @!p0 [sflag:s6], $0x1  }
0xb2: {  	s5 =	sor.u32 @!p0 s5, s7;
	[sflag:s6] =	ssyncadd.s32 @!p0 $0xFFFFFFFF  }
0xb3: {  	s25 =	simm.s32 $0x1B8E;
	s24 =	sld [smem:$0x3FFE];
	[sflag:s5] =	ssyncadd.remote.s32 @!p0 $0x1  }
0xb4: {  	s26 =	simm.s32 $execute0_lowered;
	[smem:$0x3FD2] =	sst s25  }
0xb5: {  	s6 =	sshll.u32 s26, $0x1;
	_ =	strace $0x80000049;
	[dreg:$0x1] =	wrdreg $0xFFFFFFFF  }
0xb6: {  	s28 =	simm.s32 $_size_execute0_lowered;
	s4 =	sadd.s32 s4, s6;
	[dreg:$0x0] =	wrdreg $0x0  }
0xb7: {  	s6 =	sshll.u32 s28, $0x1;
	[dreg:$0x2] =	wrdreg s4  }
0xb8: {  	[dreg:$0x3] =	wrdreg s6  }
0xb9: {  	[dreg:$0x4] =	wrdreg $0xC0  }
0xba: {  	_ =	task [dreg:s22], $0x5FFFF  }
0xbb: {  	[dreg:$0x1] =	wrdreg $0xFFFFFFFF  }
0xbc: {  	[dreg:$0x0] =	wrdreg $0x60  }
0xbd: {  	[dreg:$0x2] =	wrdreg s24  }
0xbe: {  	[dreg:$0x3] =	wrdreg s18  }
0xbf: {  	[dreg:$0x4] =	wrdreg $0x0  }
0xc0: {  	[dreg:$0x5] =	wrdreg $0x9  }
0xc1: {  	_ =	task.clear_ibuf [dreg:s22], $0x6FFFF;
	_ =	strace $0x90000049  }
0xc2: {  	s29 =	simm.s32 $0x9;
	_ =	strace $0x8000004B  }
0xc3: {  	_ =	swait.ge [sflag:s29], $0x1  }
0xc4: {  	[sflag:s29] =	ssyncadd.s32 $0xFFFFFFFF  }
0xc5: {  	_ =	strace $0x9000004B  }
0xc6: {  	_ =	sfence  }
0xc7: {  	s30 =	sld [smem:$0x0];
	_ =	sdelay $0x2  }
0xc8: {  	s31 =	sshll.u32 s1, $0xD;
	s1 =	sshrl.u32 s1, $0x2  }
0xc9: {  	s4 =	sand.u32 $0x4000, s31;
	s1 =	sadd.s32 s1, s30  }
0xca: {  	s0 =	sor.u32 s4, s0;
	s1 =	sshll.u32 s1, $0x11  }
0xcb: {  	s0 =	sor.u32 s1, s0  }
0xcc: {  	s0 =	sadd.s32 $0x8F2B, s0  }
0xcd: {  	[sflag:s0] =	ssyncadd.remote.s32 $0x1  }
0xce: {  	_ =	sfence.sel $0xFFFF  }
0xcf: {  	[dreg:$0x0] =	wrdreg $0xFFFFFFFF;
	(pc) =	sbr.abs _section_cstart, $3  }
0xd0: {  	[dreg:$0x1] =	wrdreg $0xFFFFFFFF  }
0xd1: {  	_ =	task.clear_ibuf [dreg:s22], $0x2FFFF;
	_ =	strace $0x9FFFFFFF  }
0xd2: {  	(tm) =	ssettm $0x7FFFFFFF  }
0xd3: {  	_ =	shalt  }
tec
execute0_lowered:
.L_overlay_start_1:
0x0: {  	(tag) =	ssettag $0x1  }
0x1: {  	s4 =	rddreg [dreg:$0x0]  }
0x2: {  	s5 =	rddreg [dreg:$0x1]  }
0x3: {  	s2 =	rddreg [dreg:$0x2];
	s1 =	stileid.u32  }
0x4: {  	s3 =	srdreg.scid;
	s0 =	rddreg [dreg:$0x3];
	s15 =	simm.s32 $0x5  }
0x5: {  	s16 =	simm.s32 $0x80;
	s17 =	simm.s32 $0x15000;
	s18 =	simm.s32 $0x14080  }
0x6: {  	s19 =	simm.s32 $0x19000;
	s20 =	simm.s32 $0x1;
	s21 =	simm.s32 $0x3  }
0x7: {  	s22 =	simm.s32 $0x2;
	s23 =	simm.s32 $0x4;
	s24 =	simm.s32 $0x0  }
0x8: {  	s6 =	sand.u32 $0x1, s3;
	s7 =	sshll.u32 s1, $0x1;
	s8 =	smul.u32 $0x2800, s1  }
0x9: {  	s3 =	simm.s32 $0x0;
	s11 =	smul.u32 $0x50000, s1;
	s12 =	sadd.s32 $0x40E00, s4  }
0xa: {  	s28 =	sshll.u32 s1, $0x6;
	s29 =	sshll.u32 s1, $0x14;
	s7 =	sor.u32 s6, s7  }
0xb: {  	[smem:$0x7FF] =	sst s3;
	s10 =	ssub.s32 $0x2, s6;
	s30 =	sshll.u32 s6, $0x13  }
0xc: {  	s6 =	sor.u32 $0x1C06, s28;
	s9 =	smul.u32 $0x500, s7;
	_ =	strace $0x8000004A  }
0xd: {  	s8 =	sadd.s32 s8, s4;
	s25 =	sshrl.u32 s10, $0x1;
	s26 =	sshrl.u32 s11, $0x2  }
0xe: {  	s7 =	sshll.u32 s7, $0x10;
	s11 =	sor.u32 s30, s29;
	s10 =	ssub.s32 s10, s25  }
0xf: {  	s13 =	sadd.s32 s26, s2;
	s14 =	sadd.s32 s7, s12;
	s31 =	sor.u32 $0x4000, s11  }
0x10: {  	s11 =	sshrl.u32 s11, $0x3;
	s4 =	sadd.s32 s5, s9;
	s5 =	sadd.s32 $0x18E00, s8  }
0x11: {  	s7 =	smax.u32 s10, $0x1;
	s8 =	sadd.s32 $0xF000, s14;
	s9 =	sadd.s32 $0xF800, s14  }
0x12: {  	s10 =	sshrl.u32 s31, $0x3;
	s11 =	sadd.s32 s11, s12;
	s13 =	sshrl.u32 s13, $0x3  }
0x13: {  	s14 =	simm.s32 $0x6;
	s10 =	sadd.s32 s10, s12;
	s12 =	simm.s32 $0x14000  }
.LBB2_1:
0x14: {  	[tilespmem:s12], [sflag:$0x5] =	stream.linear.gather [hbm4b:s4+s3], $0x1000, $0x38;
	[tilespmem:$0x1D000] =	vst v63  }
0x15: {  	[spmem:s13], [sflag:s6] =	dma.local [hbm:s5], $0x2800  }
0x16: {  	_ =	swait.ge [sflag:s14], $0x2800  }
0x17: {  	[sflag:s14] =	ssyncset.done $0x0  }
0x18: {  	[sflag:s14] =	ssyncadd.s32 $0xFFFFD800  }
0x19: {  	_ =	swait.ge [sflag:s15], $0x1000  }
0x1a: {  	[sflag:s15] =	ssyncset.done $0x0  }
0x1b: {  	[sflag:s15] =	ssyncadd.s32 $0xFFFFF000  }
0x1c: {  	[bflag:$0x0] =	sbarrier.arrive $0xFFFF  }
0x1d: {  	[tilespmem:s17], [sflag:$0x1] =	stream.indirect.gather [spmem:s2], $0x80, s12, s16, $0xb8;
	[tilespmem:$0x1D000] =	vst v63  }
0x1e: {  	_ = 	snop  }
0x1f: {  	[tilespmem:s19], [sflag:$0x2] =	stream.indirect.gather [spmem:s2], $0x80, s18, s16, $0xb8;
	[tilespmem:$0x1D000] =	vst v63  }
0x20: {  	_ =	swait.ge [sflag:s20], $0x4000  }
0x21: {  	[sflag:s20] =	ssyncset.done $0x0  }
0x22: {  	s25 =	sadd.s32 $0x0, s11;
	[sflag:s20] =	ssyncadd.s32 $0xFFFFC000  }
0x23: {  	[hbm4b:s25+s3] =	stream.linear.scatter [tilespmem:s17], [sflag:$0x3], $0x4000, $0x38;
	[tilespmem:$0x1D000] =	vst v63  }
0x24: {  	_ =	swait.ge [sflag:s21], $0x4000  }
0x25: {  	[sflag:s21] =	ssyncset.done $0x0  }
0x26: {  	s30 =	simm.s32 $0x14100;
	[sflag:s21] =	ssyncadd.s32 $0xFFFFC000  }
0x27: {  	[tilespmem:s17], [sflag:$0x1] =	stream.indirect.gather [spmem:s2], $0x80, s30, s16, $0xb8;
	[tilespmem:$0x1D000] =	vst v63  }
0x28: {  	_ =	swait.ge [sflag:s22], $0x4000  }
0x29: {  	[sflag:s22] =	ssyncset.done $0x0  }
0x2a: {  	s31 =	sadd.s32 $0x0, s10;
	[sflag:s22] =	ssyncadd.s32 $0xFFFFC000  }
0x2b: {  	[hbm4b:s31+s3] =	stream.linear.scatter [tilespmem:s19], [sflag:$0x4], $0x4000, $0x38;
	[tilespmem:$0x1D000] =	vst v63  }
0x2c: {  	_ =	swait.ge [sflag:s23], $0x4000  }
0x2d: {  	s26 =	simm.s32 $0x1000;
	[sflag:s23] =	ssyncset.done $0x0  }
0x2e: {  	s28 =	simm.s32 $0x14280;
	s25 =	simm.s32 $0x14180;
	[sflag:s23] =	ssyncadd.s32 $0xFFFFC000  }
.LBB2_2:
0x2f: {  	[tilespmem:s19], [sflag:$0x2] =	stream.indirect.gather [spmem:s2], $0x80, s25, s16, $0xb8;
	[tilespmem:$0x1D000] =	vst v63  }
0x30: {  	s29 =	smov.u32 s26;
	s25 =	smov.u32 s28  }
0x31: {  	p0 =	sne.s32 s26, $0xE000;
	s26 =	sadd.s32 $0x1000, s26;
	_ =	swait.ge [sflag:s20], $0x4000  }
0x32: {  	[sflag:s20] =	ssyncset.done $0x0  }
0x33: {  	s30 =	sadd.s32 s29, s11;
	[sflag:s20] =	ssyncadd.s32 $0xFFFFC000  }
0x34: {  	[hbm4b:s30+s3] =	stream.linear.scatter [tilespmem:s17], [sflag:$0x3], $0x4000, $0x38;
	[tilespmem:$0x1D000] =	vst v63  }
0x35: {  	_ =	swait.ge [sflag:s21], $0x4000  }
0x36: {  	[sflag:s21] =	ssyncset.done $0x0  }
0x37: {  	s30 =	sadd.s32 $0xFFFFFF80, s28;
	[sflag:s21] =	ssyncadd.s32 $0xFFFFC000  }
0x38: {  	[tilespmem:s17], [sflag:$0x1] =	stream.indirect.gather [spmem:s2], $0x80, s30, s16, $0xb8;
	[tilespmem:$0x1D000] =	vst v63  }
0x39: {  	_ =	swait.ge [sflag:s22], $0x4000  }
0x3a: {  	[sflag:s22] =	ssyncset.done $0x0  }
.Ltmp0:
0x3b: {  	s29 =	sadd.s32 s29, s10;
	[sflag:s22] =	ssyncadd.s32 $0xFFFFC000;
	(pc) =	sbr.rel @p0 .LBB2_2-.Ltmp0, $4  }
0x3c: {  	[hbm4b:s29+s3] =	stream.linear.scatter [tilespmem:s19], [sflag:$0x4], $0x4000, $0x38;
	[tilespmem:$0x1D000] =	vst v63  }
0x3d: {  	_ =	swait.ge [sflag:s23], $0x4000  }
0x3e: {  	[sflag:s23] =	ssyncset.done $0x0  }
0x3f: {  	s28 =	sadd.s32 $0x100, s28;
	[sflag:s23] =	ssyncadd.s32 $0xFFFFC000  }
0x40: {  	[tilespmem:s19], [sflag:$0x2] =	stream.indirect.gather [spmem:s2], $0x80, s25, s16, $0xb8;
	[tilespmem:$0x1D000] =	vst v63  }
0x41: {  	_ =	swait.ge [sflag:s20], $0x4000  }
0x42: {  	[sflag:s20] =	ssyncset.done $0x0  }
0x43: {  	[sflag:s20] =	ssyncadd.s32 $0xFFFFC000  }
0x44: {  	[hbm4b:s8+s3] =	stream.linear.scatter [tilespmem:s17], [sflag:$0x3], $0x4000, $0x38;
	[tilespmem:$0x1D000] =	vst v63  }
0x45: {  	_ =	swait.ge [sflag:s21], $0x4000  }
0x46: {  	[sflag:s21] =	ssyncset.done $0x0  }
0x47: {  	[sflag:s21] =	ssyncadd.s32 $0xFFFFC000  }
0x48: {  	s24 =	sadd.s32 $0x1, s24;
	_ =	swait.ge [sflag:s22], $0x4000  }
0x49: {  	p0 =	sne.s32 s24, s7;
	[sflag:s22] =	ssyncset.done $0x0  }
.Ltmp1:
0x4a: {  	[sflag:s22] =	ssyncadd.s32 $0xFFFFC000;
	(pc) =	sbr.rel @p0 .LBB2_1-.Ltmp1, $4  }
0x4b: {  	[hbm4b:s9+s3] =	stream.linear.scatter [tilespmem:s19], [sflag:$0x4], $0x4000, $0x38;
	[tilespmem:$0x1D000] =	vst v63  }
0x4c: {  	_ =	swait.ge [sflag:s23], $0x4000  }
0x4d: {  	[sflag:s23] =	ssyncset.done $0x0  }
0x4e: {  	[sflag:s23] =	ssyncadd.s32 $0xFFFFC000  }
0x4f: {  	_ =	sfence.sel $0x180000  }
0x50: {  	[bflag:$0x0] =	sbarrier.arrive $0xFFFF  }
0x51: {  	p0 =	sne.s32 s1, $0x0;
	_ =	strace $0x9000004A  }
0x52: {  	s0 =	sadd.s32 @!p0 $0x100000, s0;
	[bflag:$0x2] =	sbarrier.arrive $0xFFFF  }
0x53: {  	[sflag:s0] =	ssyncadd.tile.s32 @!p0 $0x1;
	_ =	shalt  }
.Lfunc_end2:
_tile_overlayer_lowered:
.L_overlay_start_2:
0x54: {  	(tag) =	ssettag $0x2  }
0x55: {  	s0 =	rddreg [dreg:$0x0];
	s2 =	stileid.u32  }
0x56: {  	s1 =	rddreg [dreg:$0x1];
	p0 =	sne.s32 s2, $0x0  }
0x57: {  	s3 =	rddreg [dreg:$0x2];
	[bflag:$0x3] =	sbarrier.arrive $0xFFFF;
	s2 =	simm.s32 @!p0 $0x1C06  }
0x58: {  	[timem:s3], [sflag:s2] =	dma.local @!p0 [hbm:s0], s1  }
0x59: {  	s0 =	simm.s32 @!p0 $0x6  }
0x5a: {  	_ =	swait.ge @!p0 [sflag:s0], s1  }
0x5b: {  	s1 =	ssub.s32 @!p0 $0x0, s1;
	[sflag:s0] =	ssyncset.done @!p0 $0x0  }
0x5c: {  	[sflag:s0] =	ssyncadd.s32 @!p0 s1  }
0x5d: {  	[bflag:$0x3] =	sbarrier.arrive $0xFFFF  }
0x5e: {  	_ =	shalt  }

</sc_bundles>
